<compile_context>
chip_gen: v7x
topology: tpu7x:2x2x1
jax: 0.10.2.dev20260603
libtpu: 0.0.44.dev20260713+nightly
codegen_flags: <defaults>
</compile_context>

<pallas_src>
import dataclasses
import functools

import jax
import jax.numpy as jnp
from jax import lax
from jax.experimental import pallas as pl
from jax.experimental.pallas import tpu as pltpu
from jax.experimental.pallas import tpu_sc as plsc

_F = 768
_E = 256
_H = 512
_BAG = 32
_CHUNK = 4096
_NW = 32
_SPW = _CHUNK // _NW
_GRP = 32
_NGRP = _SPW // _GRP
_BLK = 1024


def _sc_hist_body(chunk_row0, idx_hbm, cnt_hbm, idx_v, cnt_a, cnt_b,
                  sem_a, sem_b):
    wid = lax.axis_index("s") * 2 + lax.axis_index("c")
    row0 = wid * _SPW
    pltpu.sync_copy(idx_hbm.at[pl.ds(chunk_row0 + row0, _SPW)], idx_v)

    def _dense_zero(cnt):
        @pl.loop(0, _GRP)
        def _zero_r(r):
            @pl.loop(0, _F, step=64)
            def _zero_c(i):
                z = jnp.zeros((16,), jnp.float32)
                for k in range(4):
                    cnt[r, pl.ds(i + 16 * k, 16)] = z

    ones = jnp.full((16,), 1.0, jnp.float32)
    zeros = jnp.zeros((16,), jnp.float32)
    bufs = [(cnt_a, sem_a), (cnt_b, sem_b)]
    copies = [None, None]

    _dense_zero(cnt_a)
    for g in range(_NGRP):
        cnt, sem = bufs[g % 2]
        if copies[g % 2] is not None:
            copies[g % 2].wait()
            pg = g - 2

            def _rezero(t, pg=pg, cnt=cnt):
                rows = jnp.full((16,), t, jnp.int32)
                a = idx_v[pg * _GRP + t, pl.ds(0, 16)]
                b = idx_v[pg * _GRP + t, pl.ds(16, 16)]
                plsc.store_scatter(cnt, [rows, a], zeros)
                plsc.store_scatter(cnt, [rows, b], zeros)

            pl.loop(0, _GRP)(_rezero)

        def _hist(t, g=g, cnt=cnt):
            for u in range(2):
                s = 2 * t + u
                rows = jnp.full((16,), s, jnp.int32)
                a = idx_v[g * _GRP + s, pl.ds(0, 16)]
                b = idx_v[g * _GRP + s, pl.ds(16, 16)]
                plsc.addupdate_scatter(cnt, [rows, a], ones)
                plsc.addupdate_scatter(cnt, [rows, b], ones)

        pl.loop(0, _GRP // 2)(_hist)
        copies[g % 2] = pltpu.async_copy(
            cnt, cnt_hbm.at[pl.ds(row0 + g * _GRP, _GRP)], sem)
        if g == 0:
            _dense_zero(cnt_b)

    copies[(_NGRP - 2) % 2].wait()
    copies[(_NGRP - 1) % 2].wait()


@functools.lru_cache(maxsize=None)
def _sc_hist(chunk_row0):
    cp = pltpu.CompilerParams()
    if "needs_layout_passes" in pltpu.CompilerParams.__dataclass_fields__:
        cp = dataclasses.replace(cp, needs_layout_passes=False)
    return pl.kernel(
        functools.partial(_sc_hist_body, chunk_row0),
        compiler_params=cp,
        out_type=jax.ShapeDtypeStruct((_CHUNK, _F), jnp.float32),
        mesh=plsc.VectorSubcoreMesh(core_axis_name="c", subcore_axis_name="s"),
        scratch_types=[
            pltpu.VMEM((_SPW, _BAG), jnp.int32),
            pltpu.VMEM((_GRP, _F), jnp.float32),
            pltpu.VMEM((_GRP, _F), jnp.float32),
            pltpu.SemaphoreType.DMA,
            pltpu.SemaphoreType.DMA,
        ],
    )


def _mlp_body(cnt_ref, emb_ref, w1_ref, b1_ref, w2_ref, b2_ref, w3_ref,
              b3_ref, *prev_and_out):
    out_ref = prev_and_out[-1]
    c = cnt_ref[...].astype(jnp.bfloat16)
    x = jnp.dot(c, emb_ref[...], preferred_element_type=jnp.float32)
    h1 = jnp.dot(x.astype(jnp.bfloat16), w1_ref[...],
                 preferred_element_type=jnp.float32) + b1_ref[...]
    h1 = jnp.maximum(h1, 0.0).astype(jnp.bfloat16)
    h2 = jnp.dot(h1, w2_ref[...], preferred_element_type=jnp.float32) \
        + b2_ref[...]
    h2 = jnp.maximum(h2, 0.0)
    out_ref[...] = jnp.sum(h2 * w3_ref[...], axis=1, keepdims=True) \
        + b3_ref[...]


def _mlp_chunk(c, n, counts, embb, w1b, b1r, w2b, b2r, w3r, b3r, prev_out):
    blk0 = c * (_CHUNK // _BLK)
    in_specs = [
        pl.BlockSpec((_BLK, _F), lambda i: (i, 0)),
        pl.BlockSpec((_F, _E), lambda i: (0, 0)),
        pl.BlockSpec((_E, _H), lambda i: (0, 0)),
        pl.BlockSpec((1, _H), lambda i: (0, 0)),
        pl.BlockSpec((_H, _E), lambda i: (0, 0)),
        pl.BlockSpec((1, _E), lambda i: (0, 0)),
        pl.BlockSpec((1, _E), lambda i: (0, 0)),
        pl.BlockSpec((1, 1), lambda i: (0, 0)),
    ]
    args = [counts, embb, w1b, b1r, w2b, b2r, w3r, b3r]
    aliases = {}
    if prev_out is not None:
        in_specs.append(pl.BlockSpec(memory_space=pltpu.MemorySpace.HBM))
        args.append(prev_out)
        aliases = {8: 0}
    return pl.pallas_call(
        _mlp_body,
        grid=(_CHUNK // _BLK,),
        in_specs=in_specs,
        out_specs=pl.BlockSpec((_BLK, 1), lambda i: (blk0 + i, 0)),
        out_shape=jax.ShapeDtypeStruct((n, 1), jnp.float32),
        input_output_aliases=aliases,
    )(*args)


@jax.jit
def kernel(features_indices, emb, W1, b1, W2, b2, W3, b3):
    n = features_indices.shape[0]
    idx = features_indices.astype(jnp.int32)
    embb = emb.astype(jnp.bfloat16)
    w1b = W1.astype(jnp.bfloat16)
    w2b = W2.astype(jnp.bfloat16)
    b1r = b1.reshape(1, _H)
    b2r = b2.reshape(1, _E)
    w3r = W3.reshape(1, _E)
    b3r = b3.reshape(1, 1)
    out = None
    for c in range(n // _CHUNK):
        counts = _sc_hist(c * _CHUNK)(idx)
        out = _mlp_chunk(c, n, counts, embb, w1b, b1r, w2b, b2r, w3r, b3r,
                         out)
    return out

# --- scband reference (transcript-rebuilt; emitter-appended) ---
"""Pipeline reference for scband-nnue-8057358648497 (READ-ONLY COPY).

The authoritative reference and input builder live on the scoring server;
editing this copy changes nothing except your own understanding.
"""

import jax, jax.numpy as jnp
import numpy as np

FEATURE_DIM = 768
EMBED_DIM = 256
HIDDEN_DIM = 512
BATCH = 16384
BAG = 32

def setup_inputs(seed: int = 0) -> dict:
    key = jax.random.key(seed)
    k_idx, k_emb, k_w1, k_b1, k_w2, k_b2, k_w3, k_b3 = jax.random.split(key, 8)
    features_indices = jax.random.randint(k_idx, (BATCH, BAG), 0, FEATURE_DIM, dtype=jnp.int64 if jax.config.jax_enable_x64 else jnp.int32)
    emb = jax.random.normal(k_emb, (FEATURE_DIM, EMBED_DIM), dtype=jnp.float32) * 0.05
    W1 = jax.random.normal(k_w1, (EMBED_DIM, HIDDEN_DIM), dtype=jnp.float32) * (1.0 / np.sqrt(EMBED_DIM))
    b1 = jax.random.normal(k_b1, (HIDDEN_DIM,), dtype=jnp.float32) * 0.01
    W2 = jax.random.normal(k_w2, (HIDDEN_DIM, HIDDEN_DIM // 2), dtype=jnp.float32) * (1.0 / np.sqrt(HIDDEN_DIM))
    b2 = jax.random.normal(k_b2, (HIDDEN_DIM // 2,), dtype=jnp.float32) * 0.01
    W3 = jax.random.normal(k_w3, (HIDDEN_DIM // 2, 1), dtype=jnp.float32) * (1.0 / np.sqrt(HIDDEN_DIM // 2))
    b3 = jax.random.normal(k_b3, (1,), dtype=jnp.float32) * 0.01
    return {"features_indices": features_indices, "emb": emb, "W1": W1, "b1": b1, "W2": W2, "b2": b2, "W3": W3, "b3": b3}

def reference(features_indices, emb, W1, b1, W2, b2, W3, b3):
    # EmbeddingBag(mode='sum') with 2D indices: gather rows then sum over bag dim
    x = jnp.take(emb, features_indices, axis=0).sum(axis=1)
    x = jax.nn.relu(x @ W1 + b1)
    x = jax.nn.relu(x @ W2 + b2)
    x = x @ W3 + b3
    return x

if __name__ == "__main__":
    import jax
    _d = setup_inputs()
    print(jax.jit(kernel)(*tuple(_d.values())))

</pallas_src>

<mosaic_0001>
#map = affine_map<(d0, d1) -> (0, 0)>
module attributes {stable_mosaic.version = 14 : i64} {
  func.func @_sc_hist_body(%arg0: i32, %arg1: i32, %arg2: memref<16384x32xi32, #tpu.memory_space<hbm>>, %arg3: memref<4096x768xf32, #tpu.memory_space<hbm>>, %arg4: memref<128x32xi32, #tpu.memory_space<vmem>>, %arg5: memref<32x768xf32, #tpu.memory_space<vmem>>, %arg6: memref<32x768xf32, #tpu.memory_space<vmem>>, %arg7: memref<!tpu.dma_semaphore, #tpu.memory_space<semaphore_mem>>, %arg8: memref<!tpu.dma_semaphore, #tpu.memory_space<semaphore_mem>>) attributes {dimension_semantics = [#tpu.dimension_semantics<core_parallel>, #tpu.dimension_semantics<subcore_parallel>], iteration_bounds = array<i64: 2, 16>, scalar_prefetch = 0 : i64, scratch_operands = 5 : i64, tpu.core_type = #tpu.core_type<sc_vector_subcore>, window_params = [{transform_indices = #map}, {transform_indices = #map}]} {
    %mul3A = arith.constant 2 : i32
    %mul3A_0 = arith.muli %arg1, %mul3A : i32
    %add3A = arith.addi %mul3A_0, %arg0 : i32
    %mul3A_1 = arith.constant 128 : i32
    %mul3A_2 = arith.muli %add3A, %mul3A_1 : i32
    %add3A_3 = arith.constant 4096 : i32
    %add3A_4 = arith.addi %add3A_3, %mul3A_2 : i32
    "tpu.region"() ({
      %run_scoped3A = tpu.sem_alloc : memref<!tpu.dma_semaphore, #tpu.memory_space<semaphore_mem>>
      %dma_start3A_85 = arith.constant 0 : i32
      %dma_start3A_86 = tpu.memref_slice %arg2[%add3A_4, %dma_start3A_85] : memref<16384x32xi32, #tpu.memory_space<hbm>> -> memref<128x32xi32, #tpu.memory_space<hbm>>
      %dma_start3A_87 = arith.constant 0 : i32
      %dma_start3A_88 = tpu.memref_slice %arg2[%add3A_4, %dma_start3A_87] : memref<16384x32xi32, #tpu.memory_space<hbm>> -> memref<128x32xi32, #tpu.memory_space<hbm>>
      tpu.enqueue_dma source(%dma_start3A_88 : memref<128x32xi32, #tpu.memory_space<hbm>>) target(%arg4 : memref<128x32xi32, #tpu.memory_space<vmem>>) target_semaphore(%run_scoped3A : memref<!tpu.dma_semaphore, #tpu.memory_space<semaphore_mem>>)
      %dma_wait3A_89 = arith.constant 0 : i32
      %dma_wait3A_90 = tpu.memref_slice %arg2[%add3A_4, %dma_wait3A_89] : memref<16384x32xi32, #tpu.memory_space<hbm>> -> memref<128x32xi32, #tpu.memory_space<hbm>>
      %dma_wait3A_91 = arith.constant 0 : i32
      %dma_wait3A_92 = tpu.memref_slice %arg2[%add3A_4, %dma_wait3A_91] : memref<16384x32xi32, #tpu.memory_space<hbm>> -> memref<128x32xi32, #tpu.memory_space<hbm>>
      tpu.wait_dma2 semaphore(%run_scoped3A : memref<!tpu.dma_semaphore, #tpu.memory_space<semaphore_mem>>) src(%dma_wait3A_92 : memref<128x32xi32, #tpu.memory_space<hbm>>) dst(%arg4 : memref<128x32xi32, #tpu.memory_space<vmem>>)
      tpu.yield
    }) : () -> ()
    %broadcast_in_dim3A = arith.constant 1.000000e+00 : f32
    %broadcast_in_dim3A_5 = vector.broadcast %broadcast_in_dim3A : f32 to vector<16xf32>
    %broadcast_in_dim3A_6 = arith.constant 0.000000e+00 : f32
    %broadcast_in_dim3A_7 = vector.broadcast %broadcast_in_dim3A_6 : f32 to vector<16xf32>
    %scan3A = arith.constant 0 : i32
    %scan3A_8 = arith.constant 32 : i32
    %scan3A_9 = arith.addi %scan3A, %scan3A_8 : i32
    %scan3A_10 = arith.constant 1 : i32
    scf.for %scan3A_85 = %scan3A to %scan3A_9 step %scan3A_10  : i32 {
      %mul3A_86 = arith.constant 1 : i32
      %mul3A_87 = arith.muli %scan3A_85, %mul3A_86 : i32
      %add3A_88 = arith.constant 0 : i32
      %add3A_89 = arith.addi %add3A_88, %mul3A_87 : i32
      %scan3A_90 = arith.constant 0 : i32
      %scan3A_91 = arith.constant 12 : i32
      %scan3A_92 = arith.addi %scan3A_90, %scan3A_91 : i32
      %scan3A_93 = arith.constant 1 : i32
      scf.for %scan3A_95 = %scan3A_90 to %scan3A_92 step %scan3A_93  : i32 {
        %mul3A_96 = arith.constant 64 : i32
        %mul3A_97 = arith.muli %scan3A_95, %mul3A_96 : i32
        %add3A_98 = arith.constant 0 : i32
        %add3A_99 = arith.addi %add3A_98, %mul3A_97 : i32
        %broadcast_in_dim3A_100 = arith.constant 0.000000e+00 : f32
        %broadcast_in_dim3A_101 = vector.broadcast %broadcast_in_dim3A_100 : f32 to vector<16xf32>
        %add3A_102 = arith.constant 0 : i32
        %add3A_103 = arith.addi %add3A_99, %add3A_102 : i32
        %swap3A = arith.index_cast %add3A_89 : i32 to index
        %swap3A_104 = arith.index_cast %add3A_103 : i32 to index
        %swap3A_105 = tpu.vector_load %arg5[%swap3A, %swap3A_104] {strides = array<i32>} : memref<32x768xf32, #tpu.memory_space<vmem>>, vector<16xf32>,
        tpu.vector_store %arg5[%swap3A, %swap3A_104], %broadcast_in_dim3A_101 {strides = array<i32>} : memref<32x768xf32, #tpu.memory_space<vmem>>, vector<16xf32>,
        %add3A_106 = arith.constant 16 : i32
        %add3A_107 = arith.addi %add3A_99, %add3A_106 : i32
        %swap3A_108 = arith.index_cast %add3A_89 : i32 to index
        %swap3A_109 = arith.index_cast %add3A_107 : i32 to index
        %swap3A_110 = tpu.vector_load %arg5[%swap3A_108, %swap3A_109] {strides = array<i32>} : memref<32x768xf32, #tpu.memory_space<vmem>>, vector<16xf32>,
        tpu.vector_store %arg5[%swap3A_108, %swap3A_109], %broadcast_in_dim3A_101 {strides = array<i32>} : memref<32x768xf32, #tpu.memory_space<vmem>>, vector<16xf32>,
        %add3A_111 = arith.constant 32 : i32
        %add3A_112 = arith.addi %add3A_99, %add3A_111 : i32
        %swap3A_113 = arith.index_cast %add3A_89 : i32 to index
        %swap3A_114 = arith.index_cast %add3A_112 : i32 to index
        %swap3A_115 = tpu.vector_load %arg5[%swap3A_113, %swap3A_114] {strides = array<i32>} : memref<32x768xf32, #tpu.memory_space<vmem>>, vector<16xf32>,
        tpu.vector_store %arg5[%swap3A_113, %swap3A_114], %broadcast_in_dim3A_101 {strides = array<i32>} : memref<32x768xf32, #tpu.memory_space<vmem>>, vector<16xf32>,
        %add3A_116 = arith.constant 48 : i32
        %add3A_117 = arith.addi %add3A_99, %add3A_116 : i32
        %swap3A_118 = arith.index_cast %add3A_89 : i32 to index
        %swap3A_119 = arith.index_cast %add3A_117 : i32 to index
        %swap3A_120 = tpu.vector_load %arg5[%swap3A_118, %swap3A_119] {strides = array<i32>} : memref<32x768xf32, #tpu.memory_space<vmem>>, vector<16xf32>,
        tpu.vector_store %arg5[%swap3A_118, %swap3A_119], %broadcast_in_dim3A_101 {strides = array<i32>} : memref<32x768xf32, #tpu.memory_space<vmem>>, vector<16xf32>,
      }
      %scan3A_94 = arith.constant 12 : i32
    }
    %scan3A_11 = arith.constant 32 : i32
    %scan3A_12 = arith.constant 0 : i32
    %scan3A_13 = arith.constant 16 : i32
    %scan3A_14 = arith.addi %scan3A_12, %scan3A_13 : i32
    %scan3A_15 = arith.constant 1 : i32
    scf.for %scan3A_85 = %scan3A_12 to %scan3A_14 step %scan3A_15  : i32 {
      %mul3A_86 = arith.constant 1 : i32
      %mul3A_87 = arith.muli %scan3A_85, %mul3A_86 : i32
      %add3A_88 = arith.constant 0 : i32
      %add3A_89 = arith.addi %add3A_88, %mul3A_87 : i32
      %mul3A_90 = arith.constant 2 : i32
      %mul3A_91 = arith.muli %mul3A_90, %add3A_89 : i32
      %add3A_92 = arith.constant 0 : i32
      %add3A_93 = arith.addi %mul3A_91, %add3A_92 : i32
      %broadcast_in_dim3A_94 = vector.broadcast %add3A_93 : i32 to vector<16xi32>
      %add3A_95 = arith.constant 0 : i32
      %add3A_96 = arith.addi %add3A_95, %add3A_93 : i32
      %get3A = arith.index_cast %add3A_96 : i32 to index
      %get3A_97 = arith.constant 0 : index
      %get3A_98 = tpu.vector_load %arg4[%get3A, %get3A_97] {strides = array<i32>} : memref<128x32xi32, #tpu.memory_space<vmem>>, vector<16xi32>,
      %add3A_99 = arith.constant 0 : i32
      %add3A_100 = arith.addi %add3A_99, %add3A_93 : i32
      %get3A_101 = arith.index_cast %add3A_100 : i32 to index
      %get3A_102 = arith.constant 16 : index
      %get3A_103 = tpu.vector_load %arg4[%get3A_101, %get3A_102] {strides = array<i32>} : memref<128x32xi32, #tpu.memory_space<vmem>>, vector<16xi32>,
      tpu.vector_store_idx %arg5[%broadcast_in_dim3A_94, %get3A_98], %broadcast_in_dim3A_5 {add = true} : memref<32x768xf32, #tpu.memory_space<vmem>>[vector<16xi32>, vector<16xi32>], vector<16xf32>,
      tpu.vector_store_idx %arg5[%broadcast_in_dim3A_94, %get3A_103], %broadcast_in_dim3A_5 {add = true} : memref<32x768xf32, #tpu.memory_space<vmem>>[vector<16xi32>, vector<16xi32>], vector<16xf32>,
      %mul3A_104 = arith.constant 2 : i32
      %mul3A_105 = arith.muli %mul3A_104, %add3A_89 : i32
      %add3A_106 = arith.constant 1 : i32
      %add3A_107 = arith.addi %mul3A_105, %add3A_106 : i32
      %broadcast_in_dim3A_108 = vector.broadcast %add3A_107 : i32 to vector<16xi32>
      %add3A_109 = arith.constant 0 : i32
      %add3A_110 = arith.addi %add3A_109, %add3A_107 : i32
      %get3A_111 = arith.index_cast %add3A_110 : i32 to index
      %get3A_112 = arith.constant 0 : index
      %get3A_113 = tpu.vector_load %arg4[%get3A_111, %get3A_112] {strides = array<i32>} : memref<128x32xi32, #tpu.memory_space<vmem>>, vector<16xi32>,
      %add3A_114 = arith.constant 0 : i32
      %add3A_115 = arith.addi %add3A_114, %add3A_107 : i32
      %get3A_116 = arith.index_cast %add3A_115 : i32 to index
      %get3A_117 = arith.constant 16 : index
      %get3A_118 = tpu.vector_load %arg4[%get3A_116, %get3A_117] {strides = array<i32>} : memref<128x32xi32, #tpu.memory_space<vmem>>, vector<16xi32>,
      tpu.vector_store_idx %arg5[%broadcast_in_dim3A_108, %get3A_113], %broadcast_in_dim3A_5 {add = true} : memref<32x768xf32, #tpu.memory_space<vmem>>[vector<16xi32>, vector<16xi32>], vector<16xf32>,
      tpu.vector_store_idx %arg5[%broadcast_in_dim3A_108, %get3A_118], %broadcast_in_dim3A_5 {add = true} : memref<32x768xf32, #tpu.memory_space<vmem>>[vector<16xi32>, vector<16xi32>], vector<16xf32>,
    }
    %scan3A_16 = arith.constant 16 : i32
    %add3A_17 = arith.constant 0 : i32
    %add3A_18 = arith.addi %mul3A_2, %add3A_17 : i32
    %dma_start3A = arith.constant 0 : i32
    %dma_start3A_19 = tpu.memref_slice %arg3[%add3A_18, %dma_start3A] : memref<4096x768xf32, #tpu.memory_space<hbm>> -> memref<32x768xf32, #tpu.memory_space<hbm>>
    %dma_start3A_20 = arith.constant 0 : i32
    %dma_start3A_21 = tpu.memref_slice %arg3[%add3A_18, %dma_start3A_20] : memref<4096x768xf32, #tpu.memory_space<hbm>> -> memref<32x768xf32, #tpu.memory_space<hbm>>
    tpu.enqueue_dma source(%arg5 : memref<32x768xf32, #tpu.memory_space<vmem>>) target(%dma_start3A_21 : memref<32x768xf32, #tpu.memory_space<hbm>>) target_semaphore(%arg7 : memref<!tpu.dma_semaphore, #tpu.memory_space<semaphore_mem>>)
    %scan3A_22 = arith.constant 0 : i32
    %scan3A_23 = arith.constant 32 : i32
    %scan3A_24 = arith.addi %scan3A_22, %scan3A_23 : i32
    %scan3A_25 = arith.constant 1 : i32
    scf.for %scan3A_85 = %scan3A_22 to %scan3A_24 step %scan3A_25  : i32 {
      %mul3A_86 = arith.constant 1 : i32
      %mul3A_87 = arith.muli %scan3A_85, %mul3A_86 : i32
      %add3A_88 = arith.constant 0 : i32
      %add3A_89 = arith.addi %add3A_88, %mul3A_87 : i32
      %scan3A_90 = arith.constant 0 : i32
      %scan3A_91 = arith.constant 12 : i32
      %scan3A_92 = arith.addi %scan3A_90, %scan3A_91 : i32
      %scan3A_93 = arith.constant 1 : i32
      scf.for %scan3A_95 = %scan3A_90 to %scan3A_92 step %scan3A_93  : i32 {
        %mul3A_96 = arith.constant 64 : i32
        %mul3A_97 = arith.muli %scan3A_95, %mul3A_96 : i32
        %add3A_98 = arith.constant 0 : i32
        %add3A_99 = arith.addi %add3A_98, %mul3A_97 : i32
        %broadcast_in_dim3A_100 = arith.constant 0.000000e+00 : f32
        %broadcast_in_dim3A_101 = vector.broadcast %broadcast_in_dim3A_100 : f32 to vector<16xf32>
        %add3A_102 = arith.constant 0 : i32
        %add3A_103 = arith.addi %add3A_99, %add3A_102 : i32
        %swap3A = arith.index_cast %add3A_89 : i32 to index
        %swap3A_104 = arith.index_cast %add3A_103 : i32 to index
        %swap3A_105 = tpu.vector_load %arg6[%swap3A, %swap3A_104] {strides = array<i32>} : memref<32x768xf32, #tpu.memory_space<vmem>>, vector<16xf32>,
        tpu.vector_store %arg6[%swap3A, %swap3A_104], %broadcast_in_dim3A_101 {strides = array<i32>} : memref<32x768xf32, #tpu.memory_space<vmem>>, vector<16xf32>,
        %add3A_106 = arith.constant 16 : i32
        %add3A_107 = arith.addi %add3A_99, %add3A_106 : i32
        %swap3A_108 = arith.index_cast %add3A_89 : i32 to index
        %swap3A_109 = arith.index_cast %add3A_107 : i32 to index
        %swap3A_110 = tpu.vector_load %arg6[%swap3A_108, %swap3A_109] {strides = array<i32>} : memref<32x768xf32, #tpu.memory_space<vmem>>, vector<16xf32>,
        tpu.vector_store %arg6[%swap3A_108, %swap3A_109], %broadcast_in_dim3A_101 {strides = array<i32>} : memref<32x768xf32, #tpu.memory_space<vmem>>, vector<16xf32>,
        %add3A_111 = arith.constant 32 : i32
        %add3A_112 = arith.addi %add3A_99, %add3A_111 : i32
        %swap3A_113 = arith.index_cast %add3A_89 : i32 to index
        %swap3A_114 = arith.index_cast %add3A_112 : i32 to index
        %swap3A_115 = tpu.vector_load %arg6[%swap3A_113, %swap3A_114] {strides = array<i32>} : memref<32x768xf32, #tpu.memory_space<vmem>>, vector<16xf32>,
        tpu.vector_store %arg6[%swap3A_113, %swap3A_114], %broadcast_in_dim3A_101 {strides = array<i32>} : memref<32x768xf32, #tpu.memory_space<vmem>>, vector<16xf32>,
        %add3A_116 = arith.constant 48 : i32
        %add3A_117 = arith.addi %add3A_99, %add3A_116 : i32
        %swap3A_118 = arith.index_cast %add3A_89 : i32 to index
        %swap3A_119 = arith.index_cast %add3A_117 : i32 to index
        %swap3A_120 = tpu.vector_load %arg6[%swap3A_118, %swap3A_119] {strides = array<i32>} : memref<32x768xf32, #tpu.memory_space<vmem>>, vector<16xf32>,
        tpu.vector_store %arg6[%swap3A_118, %swap3A_119], %broadcast_in_dim3A_101 {strides = array<i32>} : memref<32x768xf32, #tpu.memory_space<vmem>>, vector<16xf32>,
      }
      %scan3A_94 = arith.constant 12 : i32
    }
    %scan3A_26 = arith.constant 32 : i32
    %scan3A_27 = arith.constant 0 : i32
    %scan3A_28 = arith.constant 16 : i32
    %scan3A_29 = arith.addi %scan3A_27, %scan3A_28 : i32
    %scan3A_30 = arith.constant 1 : i32
    scf.for %scan3A_85 = %scan3A_27 to %scan3A_29 step %scan3A_30  : i32 {
      %mul3A_86 = arith.constant 1 : i32
      %mul3A_87 = arith.muli %scan3A_85, %mul3A_86 : i32
      %add3A_88 = arith.constant 0 : i32
      %add3A_89 = arith.addi %add3A_88, %mul3A_87 : i32
      %mul3A_90 = arith.constant 2 : i32
      %mul3A_91 = arith.muli %mul3A_90, %add3A_89 : i32
      %add3A_92 = arith.constant 0 : i32
      %add3A_93 = arith.addi %mul3A_91, %add3A_92 : i32
      %broadcast_in_dim3A_94 = vector.broadcast %add3A_93 : i32 to vector<16xi32>
      %add3A_95 = arith.constant 32 : i32
      %add3A_96 = arith.addi %add3A_95, %add3A_93 : i32
      %get3A = arith.index_cast %add3A_96 : i32 to index
      %get3A_97 = arith.constant 0 : index
      %get3A_98 = tpu.vector_load %arg4[%get3A, %get3A_97] {strides = array<i32>} : memref<128x32xi32, #tpu.memory_space<vmem>>, vector<16xi32>,
      %add3A_99 = arith.constant 32 : i32
      %add3A_100 = arith.addi %add3A_99, %add3A_93 : i32
      %get3A_101 = arith.index_cast %add3A_100 : i32 to index
      %get3A_102 = arith.constant 16 : index
      %get3A_103 = tpu.vector_load %arg4[%get3A_101, %get3A_102] {strides = array<i32>} : memref<128x32xi32, #tpu.memory_space<vmem>>, vector<16xi32>,
      tpu.vector_store_idx %arg6[%broadcast_in_dim3A_94, %get3A_98], %broadcast_in_dim3A_5 {add = true} : memref<32x768xf32, #tpu.memory_space<vmem>>[vector<16xi32>, vector<16xi32>], vector<16xf32>,
      tpu.vector_store_idx %arg6[%broadcast_in_dim3A_94, %get3A_103], %broadcast_in_dim3A_5 {add = true} : memref<32x768xf32, #tpu.memory_space<vmem>>[vector<16xi32>, vector<16xi32>], vector<16xf32>,
      %mul3A_104 = arith.constant 2 : i32
      %mul3A_105 = arith.muli %mul3A_104, %add3A_89 : i32
      %add3A_106 = arith.constant 1 : i32
      %add3A_107 = arith.addi %mul3A_105, %add3A_106 : i32
      %broadcast_in_dim3A_108 = vector.broadcast %add3A_107 : i32 to vector<16xi32>
      %add3A_109 = arith.constant 32 : i32
      %add3A_110 = arith.addi %add3A_109, %add3A_107 : i32
      %get3A_111 = arith.index_cast %add3A_110 : i32 to index
      %get3A_112 = arith.constant 0 : index
      %get3A_113 = tpu.vector_load %arg4[%get3A_111, %get3A_112] {strides = array<i32>} : memref<128x32xi32, #tpu.memory_space<vmem>>, vector<16xi32>,
      %add3A_114 = arith.constant 32 : i32
      %add3A_115 = arith.addi %add3A_114, %add3A_107 : i32
      %get3A_116 = arith.index_cast %add3A_115 : i32 to index
      %get3A_117 = arith.constant 16 : index
      %get3A_118 = tpu.vector_load %arg4[%get3A_116, %get3A_117] {strides = array<i32>} : memref<128x32xi32, #tpu.memory_space<vmem>>, vector<16xi32>,
      tpu.vector_store_idx %arg6[%broadcast_in_dim3A_108, %get3A_113], %broadcast_in_dim3A_5 {add = true} : memref<32x768xf32, #tpu.memory_space<vmem>>[vector<16xi32>, vector<16xi32>], vector<16xf32>,
      tpu.vector_store_idx %arg6[%broadcast_in_dim3A_108, %get3A_118], %broadcast_in_dim3A_5 {add = true} : memref<32x768xf32, #tpu.memory_space<vmem>>[vector<16xi32>, vector<16xi32>], vector<16xf32>,
    }
    %scan3A_31 = arith.constant 16 : i32
    %add3A_32 = arith.constant 32 : i32
    %add3A_33 = arith.addi %mul3A_2, %add3A_32 : i32
    %dma_start3A_34 = arith.constant 0 : i32
    %dma_start3A_35 = tpu.memref_slice %arg3[%add3A_33, %dma_start3A_34] : memref<4096x768xf32, #tpu.memory_space<hbm>> -> memref<32x768xf32, #tpu.memory_space<hbm>>
    %dma_start3A_36 = arith.constant 0 : i32
    %dma_start3A_37 = tpu.memref_slice %arg3[%add3A_33, %dma_start3A_36] : memref<4096x768xf32, #tpu.memory_space<hbm>> -> memref<32x768xf32, #tpu.memory_space<hbm>>
    tpu.enqueue_dma source(%arg6 : memref<32x768xf32, #tpu.memory_space<vmem>>) target(%dma_start3A_37 : memref<32x768xf32, #tpu.memory_space<hbm>>) target_semaphore(%arg8 : memref<!tpu.dma_semaphore, #tpu.memory_space<semaphore_mem>>)
    %dma_wait3A = arith.constant 0 : i32
    %dma_wait3A_38 = tpu.memref_slice %arg3[%add3A_18, %dma_wait3A] : memref<4096x768xf32, #tpu.memory_space<hbm>> -> memref<32x768xf32, #tpu.memory_space<hbm>>
    %dma_wait3A_39 = arith.constant 0 : i32
    %dma_wait3A_40 = tpu.memref_slice %arg3[%add3A_18, %dma_wait3A_39] : memref<4096x768xf32, #tpu.memory_space<hbm>> -> memref<32x768xf32, #tpu.memory_space<hbm>>
    tpu.wait_dma2 semaphore(%arg7 : memref<!tpu.dma_semaphore, #tpu.memory_space<semaphore_mem>>) src(%arg5 : memref<32x768xf32, #tpu.memory_space<vmem>>) dst(%dma_wait3A_40 : memref<32x768xf32, #tpu.memory_space<hbm>>)
    %scan3A_41 = arith.constant 0 : i32
    %scan3A_42 = arith.constant 32 : i32
    %scan3A_43 = arith.addi %scan3A_41, %scan3A_42 : i32
    %scan3A_44 = arith.constant 1 : i32
    scf.for %scan3A_85 = %scan3A_41 to %scan3A_43 step %scan3A_44  : i32 {
      %mul3A_86 = arith.constant 1 : i32
      %mul3A_87 = arith.muli %scan3A_85, %mul3A_86 : i32
      %add3A_88 = arith.constant 0 : i32
      %add3A_89 = arith.addi %add3A_88, %mul3A_87 : i32
      %broadcast_in_dim3A_90 = vector.broadcast %add3A_89 : i32 to vector<16xi32>
      %add3A_91 = arith.constant 0 : i32
      %add3A_92 = arith.addi %add3A_91, %add3A_89 : i32
      %get3A = arith.index_cast %add3A_92 : i32 to index
      %get3A_93 = arith.constant 0 : index
      %get3A_94 = tpu.vector_load %arg4[%get3A, %get3A_93] {strides = array<i32>} : memref<128x32xi32, #tpu.memory_space<vmem>>, vector<16xi32>,
      %add3A_95 = arith.constant 0 : i32
      %add3A_96 = arith.addi %add3A_95, %add3A_89 : i32
      %get3A_97 = arith.index_cast %add3A_96 : i32 to index
      %get3A_98 = arith.constant 16 : index
      %get3A_99 = tpu.vector_load %arg4[%get3A_97, %get3A_98] {strides = array<i32>} : memref<128x32xi32, #tpu.memory_space<vmem>>, vector<16xi32>,
      tpu.vector_store_idx %arg5[%broadcast_in_dim3A_90, %get3A_94], %broadcast_in_dim3A_7 : memref<32x768xf32, #tpu.memory_space<vmem>>[vector<16xi32>, vector<16xi32>], vector<16xf32>,
      tpu.vector_store_idx %arg5[%broadcast_in_dim3A_90, %get3A_99], %broadcast_in_dim3A_7 : memref<32x768xf32, #tpu.memory_space<vmem>>[vector<16xi32>, vector<16xi32>], vector<16xf32>,
    }
    %scan3A_45 = arith.constant 32 : i32
    %scan3A_46 = arith.constant 0 : i32
    %scan3A_47 = arith.constant 16 : i32
    %scan3A_48 = arith.addi %scan3A_46, %scan3A_47 : i32
    %scan3A_49 = arith.constant 1 : i32
    scf.for %scan3A_85 = %scan3A_46 to %scan3A_48 step %scan3A_49  : i32 {
      %mul3A_86 = arith.constant 1 : i32
      %mul3A_87 = arith.muli %scan3A_85, %mul3A_86 : i32
      %add3A_88 = arith.constant 0 : i32
      %add3A_89 = arith.addi %add3A_88, %mul3A_87 : i32
      %mul3A_90 = arith.constant 2 : i32
      %mul3A_91 = arith.muli %mul3A_90, %add3A_89 : i32
      %add3A_92 = arith.constant 0 : i32
      %add3A_93 = arith.addi %mul3A_91, %add3A_92 : i32
      %broadcast_in_dim3A_94 = vector.broadcast %add3A_93 : i32 to vector<16xi32>
      %add3A_95 = arith.constant 64 : i32
      %add3A_96 = arith.addi %add3A_95, %add3A_93 : i32
      %get3A = arith.index_cast %add3A_96 : i32 to index
      %get3A_97 = arith.constant 0 : index
      %get3A_98 = tpu.vector_load %arg4[%get3A, %get3A_97] {strides = array<i32>} : memref<128x32xi32, #tpu.memory_space<vmem>>, vector<16xi32>,
      %add3A_99 = arith.constant 64 : i32
      %add3A_100 = arith.addi %add3A_99, %add3A_93 : i32
      %get3A_101 = arith.index_cast %add3A_100 : i32 to index
      %get3A_102 = arith.constant 16 : index
      %get3A_103 = tpu.vector_load %arg4[%get3A_101, %get3A_102] {strides = array<i32>} : memref<128x32xi32, #tpu.memory_space<vmem>>, vector<16xi32>,
      tpu.vector_store_idx %arg5[%broadcast_in_dim3A_94, %get3A_98], %broadcast_in_dim3A_5 {add = true} : memref<32x768xf32, #tpu.memory_space<vmem>>[vector<16xi32>, vector<16xi32>], vector<16xf32>,
      tpu.vector_store_idx %arg5[%broadcast_in_dim3A_94, %get3A_103], %broadcast_in_dim3A_5 {add = true} : memref<32x768xf32, #tpu.memory_space<vmem>>[vector<16xi32>, vector<16xi32>], vector<16xf32>,
      %mul3A_104 = arith.constant 2 : i32
      %mul3A_105 = arith.muli %mul3A_104, %add3A_89 : i32
      %add3A_106 = arith.constant 1 : i32
      %add3A_107 = arith.addi %mul3A_105, %add3A_106 : i32
      %broadcast_in_dim3A_108 = vector.broadcast %add3A_107 : i32 to vector<16xi32>
      %add3A_109 = arith.constant 64 : i32
      %add3A_110 = arith.addi %add3A_109, %add3A_107 : i32
      %get3A_111 = arith.index_cast %add3A_110 : i32 to index
      %get3A_112 = arith.constant 0 : index
      %get3A_113 = tpu.vector_load %arg4[%get3A_111, %get3A_112] {strides = array<i32>} : memref<128x32xi32, #tpu.memory_space<vmem>>, vector<16xi32>,
      %add3A_114 = arith.constant 64 : i32
      %add3A_115 = arith.addi %add3A_114, %add3A_107 : i32
      %get3A_116 = arith.index_cast %add3A_115 : i32 to index
      %get3A_117 = arith.constant 16 : index
      %get3A_118 = tpu.vector_load %arg4[%get3A_116, %get3A_117] {strides = array<i32>} : memref<128x32xi32, #tpu.memory_space<vmem>>, vector<16xi32>,
      tpu.vector_store_idx %arg5[%broadcast_in_dim3A_108, %get3A_113], %broadcast_in_dim3A_5 {add = true} : memref<32x768xf32, #tpu.memory_space<vmem>>[vector<16xi32>, vector<16xi32>], vector<16xf32>,
      tpu.vector_store_idx %arg5[%broadcast_in_dim3A_108, %get3A_118], %broadcast_in_dim3A_5 {add = true} : memref<32x768xf32, #tpu.memory_space<vmem>>[vector<16xi32>, vector<16xi32>], vector<16xf32>,
    }
    %scan3A_50 = arith.constant 16 : i32
    %add3A_51 = arith.constant 64 : i32
    %add3A_52 = arith.addi %mul3A_2, %add3A_51 : i32
    %dma_start3A_53 = arith.constant 0 : i32
    %dma_start3A_54 = tpu.memref_slice %arg3[%add3A_52, %dma_start3A_53] : memref<4096x768xf32, #tpu.memory_space<hbm>> -> memref<32x768xf32, #tpu.memory_space<hbm>>
    %dma_start3A_55 = arith.constant 0 : i32
    %dma_start3A_56 = tpu.memref_slice %arg3[%add3A_52, %dma_start3A_55] : memref<4096x768xf32, #tpu.memory_space<hbm>> -> memref<32x768xf32, #tpu.memory_space<hbm>>
    tpu.enqueue_dma source(%arg5 : memref<32x768xf32, #tpu.memory_space<vmem>>) target(%dma_start3A_56 : memref<32x768xf32, #tpu.memory_space<hbm>>) target_semaphore(%arg7 : memref<!tpu.dma_semaphore, #tpu.memory_space<semaphore_mem>>)
    %dma_wait3A_57 = arith.constant 0 : i32
    %dma_wait3A_58 = tpu.memref_slice %arg3[%add3A_33, %dma_wait3A_57] : memref<4096x768xf32, #tpu.memory_space<hbm>> -> memref<32x768xf32, #tpu.memory_space<hbm>>
    %dma_wait3A_59 = arith.constant 0 : i32
    %dma_wait3A_60 = tpu.memref_slice %arg3[%add3A_33, %dma_wait3A_59] : memref<4096x768xf32, #tpu.memory_space<hbm>> -> memref<32x768xf32, #tpu.memory_space<hbm>>
    tpu.wait_dma2 semaphore(%arg8 : memref<!tpu.dma_semaphore, #tpu.memory_space<semaphore_mem>>) src(%arg6 : memref<32x768xf32, #tpu.memory_space<vmem>>) dst(%dma_wait3A_60 : memref<32x768xf32, #tpu.memory_space<hbm>>)
    %scan3A_61 = arith.constant 0 : i32
    %scan3A_62 = arith.constant 32 : i32
    %scan3A_63 = arith.addi %scan3A_61, %scan3A_62 : i32
    %scan3A_64 = arith.constant 1 : i32
    scf.for %scan3A_85 = %scan3A_61 to %scan3A_63 step %scan3A_64  : i32 {
      %mul3A_86 = arith.constant 1 : i32
      %mul3A_87 = arith.muli %scan3A_85, %mul3A_86 : i32
      %add3A_88 = arith.constant 0 : i32
      %add3A_89 = arith.addi %add3A_88, %mul3A_87 : i32
      %broadcast_in_dim3A_90 = vector.broadcast %add3A_89 : i32 to vector<16xi32>
      %add3A_91 = arith.constant 32 : i32
      %add3A_92 = arith.addi %add3A_91, %add3A_89 : i32
      %get3A = arith.index_cast %add3A_92 : i32 to index
      %get3A_93 = arith.constant 0 : index
      %get3A_94 = tpu.vector_load %arg4[%get3A, %get3A_93] {strides = array<i32>} : memref<128x32xi32, #tpu.memory_space<vmem>>, vector<16xi32>,
      %add3A_95 = arith.constant 32 : i32
      %add3A_96 = arith.addi %add3A_95, %add3A_89 : i32
      %get3A_97 = arith.index_cast %add3A_96 : i32 to index
      %get3A_98 = arith.constant 16 : index
      %get3A_99 = tpu.vector_load %arg4[%get3A_97, %get3A_98] {strides = array<i32>} : memref<128x32xi32, #tpu.memory_space<vmem>>, vector<16xi32>,
      tpu.vector_store_idx %arg6[%broadcast_in_dim3A_90, %get3A_94], %broadcast_in_dim3A_7 : memref<32x768xf32, #tpu.memory_space<vmem>>[vector<16xi32>, vector<16xi32>], vector<16xf32>,
      tpu.vector_store_idx %arg6[%broadcast_in_dim3A_90, %get3A_99], %broadcast_in_dim3A_7 : memref<32x768xf32, #tpu.memory_space<vmem>>[vector<16xi32>, vector<16xi32>], vector<16xf32>,
    }
    %scan3A_65 = arith.constant 32 : i32
    %scan3A_66 = arith.constant 0 : i32
    %scan3A_67 = arith.constant 16 : i32
    %scan3A_68 = arith.addi %scan3A_66, %scan3A_67 : i32
    %scan3A_69 = arith.constant 1 : i32
    scf.for %scan3A_85 = %scan3A_66 to %scan3A_68 step %scan3A_69  : i32 {
      %mul3A_86 = arith.constant 1 : i32
      %mul3A_87 = arith.muli %scan3A_85, %mul3A_86 : i32
      %add3A_88 = arith.constant 0 : i32
      %add3A_89 = arith.addi %add3A_88, %mul3A_87 : i32
      %mul3A_90 = arith.constant 2 : i32
      %mul3A_91 = arith.muli %mul3A_90, %add3A_89 : i32
      %add3A_92 = arith.constant 0 : i32
      %add3A_93 = arith.addi %mul3A_91, %add3A_92 : i32
      %broadcast_in_dim3A_94 = vector.broadcast %add3A_93 : i32 to vector<16xi32>
      %add3A_95 = arith.constant 96 : i32
      %add3A_96 = arith.addi %add3A_95, %add3A_93 : i32
      %get3A = arith.index_cast %add3A_96 : i32 to index
      %get3A_97 = arith.constant 0 : index
      %get3A_98 = tpu.vector_load %arg4[%get3A, %get3A_97] {strides = array<i32>} : memref<128x32xi32, #tpu.memory_space<vmem>>, vector<16xi32>,
      %add3A_99 = arith.constant 96 : i32
      %add3A_100 = arith.addi %add3A_99, %add3A_93 : i32
      %get3A_101 = arith.index_cast %add3A_100 : i32 to index
      %get3A_102 = arith.constant 16 : index
      %get3A_103 = tpu.vector_load %arg4[%get3A_101, %get3A_102] {strides = array<i32>} : memref<128x32xi32, #tpu.memory_space<vmem>>, vector<16xi32>,
      tpu.vector_store_idx %arg6[%broadcast_in_dim3A_94, %get3A_98], %broadcast_in_dim3A_5 {add = true} : memref<32x768xf32, #tpu.memory_space<vmem>>[vector<16xi32>, vector<16xi32>], vector<16xf32>,
      tpu.vector_store_idx %arg6[%broadcast_in_dim3A_94, %get3A_103], %broadcast_in_dim3A_5 {add = true} : memref<32x768xf32, #tpu.memory_space<vmem>>[vector<16xi32>, vector<16xi32>], vector<16xf32>,
      %mul3A_104 = arith.constant 2 : i32
      %mul3A_105 = arith.muli %mul3A_104, %add3A_89 : i32
      %add3A_106 = arith.constant 1 : i32
      %add3A_107 = arith.addi %mul3A_105, %add3A_106 : i32
      %broadcast_in_dim3A_108 = vector.broadcast %add3A_107 : i32 to vector<16xi32>
      %add3A_109 = arith.constant 96 : i32
      %add3A_110 = arith.addi %add3A_109, %add3A_107 : i32
      %get3A_111 = arith.index_cast %add3A_110 : i32 to index
      %get3A_112 = arith.constant 0 : index
      %get3A_113 = tpu.vector_load %arg4[%get3A_111, %get3A_112] {strides = array<i32>} : memref<128x32xi32, #tpu.memory_space<vmem>>, vector<16xi32>,
      %add3A_114 = arith.constant 96 : i32
      %add3A_115 = arith.addi %add3A_114, %add3A_107 : i32
      %get3A_116 = arith.index_cast %add3A_115 : i32 to index
      %get3A_117 = arith.constant 16 : index
      %get3A_118 = tpu.vector_load %arg4[%get3A_116, %get3A_117] {strides = array<i32>} : memref<128x32xi32, #tpu.memory_space<vmem>>, vector<16xi32>,
      tpu.vector_store_idx %arg6[%broadcast_in_dim3A_108, %get3A_113], %broadcast_in_dim3A_5 {add = true} : memref<32x768xf32, #tpu.memory_space<vmem>>[vector<16xi32>, vector<16xi32>], vector<16xf32>,
      tpu.vector_store_idx %arg6[%broadcast_in_dim3A_108, %get3A_118], %broadcast_in_dim3A_5 {add = true} : memref<32x768xf32, #tpu.memory_space<vmem>>[vector<16xi32>, vector<16xi32>], vector<16xf32>,
    }
    %scan3A_70 = arith.constant 16 : i32
    %add3A_71 = arith.constant 96 : i32
    %add3A_72 = arith.addi %mul3A_2, %add3A_71 : i32
    %dma_start3A_73 = arith.constant 0 : i32
    %dma_start3A_74 = tpu.memref_slice %arg3[%add3A_72, %dma_start3A_73] : memref<4096x768xf32, #tpu.memory_space<hbm>> -> memref<32x768xf32, #tpu.memory_space<hbm>>
    %dma_start3A_75 = arith.constant 0 : i32
    %dma_start3A_76 = tpu.memref_slice %arg3[%add3A_72, %dma_start3A_75] : memref<4096x768xf32, #tpu.memory_space<hbm>> -> memref<32x768xf32, #tpu.memory_space<hbm>>
    tpu.enqueue_dma source(%arg6 : memref<32x768xf32, #tpu.memory_space<vmem>>) target(%dma_start3A_76 : memref<32x768xf32, #tpu.memory_space<hbm>>) target_semaphore(%arg8 : memref<!tpu.dma_semaphore, #tpu.memory_space<semaphore_mem>>)
    %dma_wait3A_77 = arith.constant 0 : i32
    %dma_wait3A_78 = tpu.memref_slice %arg3[%add3A_52, %dma_wait3A_77] : memref<4096x768xf32, #tpu.memory_space<hbm>> -> memref<32x768xf32, #tpu.memory_space<hbm>>
    %dma_wait3A_79 = arith.constant 0 : i32
    %dma_wait3A_80 = tpu.memref_slice %arg3[%add3A_52, %dma_wait3A_79] : memref<4096x768xf32, #tpu.memory_space<hbm>> -> memref<32x768xf32, #tpu.memory_space<hbm>>
    tpu.wait_dma2 semaphore(%arg7 : memref<!tpu.dma_semaphore, #tpu.memory_space<semaphore_mem>>) src(%arg5 : memref<32x768xf32, #tpu.memory_space<vmem>>) dst(%dma_wait3A_80 : memref<32x768xf32, #tpu.memory_space<hbm>>)
    %dma_wait3A_81 = arith.constant 0 : i32
    %dma_wait3A_82 = tpu.memref_slice %arg3[%add3A_72, %dma_wait3A_81] : memref<4096x768xf32, #tpu.memory_space<hbm>> -> memref<32x768xf32, #tpu.memory_space<hbm>>
    %dma_wait3A_83 = arith.constant 0 : i32
    %dma_wait3A_84 = tpu.memref_slice %arg3[%add3A_72, %dma_wait3A_83] : memref<4096x768xf32, #tpu.memory_space<hbm>> -> memref<32x768xf32, #tpu.memory_space<hbm>>
    tpu.wait_dma2 semaphore(%arg8 : memref<!tpu.dma_semaphore, #tpu.memory_space<semaphore_mem>>) src(%arg6 : memref<32x768xf32, #tpu.memory_space<vmem>>) dst(%dma_wait3A_84 : memref<32x768xf32, #tpu.memory_space<hbm>>)
    return
  }
}

#map = affine_map<(d0, d1) -> (0, 0)>
module attributes {stable_mosaic.version = 14 : i64} {
  func.func @_sc_hist_body(%arg0: i32, %arg1: i32, %arg2: memref<16384x32xi32, #tpu.memory_space<hbm>>, %arg3: memref<4096x768xf32, #tpu.memory_space<hbm>>, %arg4: memref<128x32xi32, #tpu.memory_space<vmem>>, %arg5: memref<32x768xf32, #tpu.memory_space<vmem>>, %arg6: memref<32x768xf32, #tpu.memory_space<vmem>>, %arg7: memref<!tpu.dma_semaphore, #tpu.memory_space<semaphore_mem>>, %arg8: memref<!tpu.dma_semaphore, #tpu.memory_space<semaphore_mem>>) attributes {dimension_semantics = [#tpu.dimension_semantics<core_parallel>, #tpu.dimension_semantics<subcore_parallel>], iteration_bounds = array<i64: 2, 16>, scalar_prefetch = 0 : i64, scratch_operands = 5 : i64, tpu.core_type = #tpu.core_type<sc_vector_subcore>, window_params = [{transform_indices = #map}, {transform_indices = #map}]} {
    %mul3A = arith.constant 2 : i32
    %mul3A_0 = arith.muli %arg1, %mul3A : i32
    %add3A = arith.addi %mul3A_0, %arg0 : i32
    %mul3A_1 = arith.constant 128 : i32
    %mul3A_2 = arith.muli %add3A, %mul3A_1 : i32
    %add3A_3 = arith.constant 8192 : i32
    %add3A_4 = arith.addi %add3A_3, %mul3A_2 : i32
    "tpu.region"() ({
      %run_scoped3A = tpu.sem_alloc : memref<!tpu.dma_semaphore, #tpu.memory_space<semaphore_mem>>
      %dma_start3A_85 = arith.constant 0 : i32
      %dma_start3A_86 = tpu.memref_slice %arg2[%add3A_4, %dma_start3A_85] : memref<16384x32xi32, #tpu.memory_space<hbm>> -> memref<128x32xi32, #tpu.memory_space<hbm>>
      %dma_start3A_87 = arith.constant 0 : i32
      %dma_start3A_88 = tpu.memref_slice %arg2[%add3A_4, %dma_start3A_87] : memref<16384x32xi32, #tpu.memory_space<hbm>> -> memref<128x32xi32, #tpu.memory_space<hbm>>
      tpu.enqueue_dma source(%dma_start3A_88 : memref<128x32xi32, #tpu.memory_space<hbm>>) target(%arg4 : memref<128x32xi32, #tpu.memory_space<vmem>>) target_semaphore(%run_scoped3A : memref<!tpu.dma_semaphore, #tpu.memory_space<semaphore_mem>>)
      %dma_wait3A_89 = arith.constant 0 : i32
      %dma_wait3A_90 = tpu.memref_slice %arg2[%add3A_4, %dma_wait3A_89] : memref<16384x32xi32, #tpu.memory_space<hbm>> -> memref<128x32xi32, #tpu.memory_space<hbm>>
      %dma_wait3A_91 = arith.constant 0 : i32
      %dma_wait3A_92 = tpu.memref_slice %arg2[%add3A_4, %dma_wait3A_91] : memref<16384x32xi32, #tpu.memory_space<hbm>> -> memref<128x32xi32, #tpu.memory_space<hbm>>
      tpu.wait_dma2 semaphore(%run_scoped3A : memref<!tpu.dma_semaphore, #tpu.memory_space<semaphore_mem>>) src(%dma_wait3A_92 : memref<128x32xi32, #tpu.memory_space<hbm>>) dst(%arg4 : memref<128x32xi32, #tpu.memory_space<vmem>>)
      tpu.yield
    }) : () -> ()
    %broadcast_in_dim3A = arith.constant 1.000000e+00 : f32
    %broadcast_in_dim3A_5 = vector.broadcast %broadcast_in_dim3A : f32 to vector<16xf32>
    %broadcast_in_dim3A_6 = arith.constant 0.000000e+00 : f32
    %broadcast_in_dim3A_7 = vector.broadcast %broadcast_in_dim3A_6 : f32 to vector<16xf32>
    %scan3A = arith.constant 0 : i32
    %scan3A_8 = arith.constant 32 : i32
    %scan3A_9 = arith.addi %scan3A, %scan3A_8 : i32
    %scan3A_10 = arith.constant 1 : i32
    scf.for %scan3A_85 = %scan3A to %scan3A_9 step %scan3A_10  : i32 {
      %mul3A_86 = arith.constant 1 : i32
      %mul3A_87 = arith.muli %scan3A_85, %mul3A_86 : i32
      %add3A_88 = arith.constant 0 : i32
      %add3A_89 = arith.addi %add3A_88, %mul3A_87 : i32
      %scan3A_90 = arith.constant 0 : i32
      %scan3A_91 = arith.constant 12 : i32
      %scan3A_92 = arith.addi %scan3A_90, %scan3A_91 : i32
      %scan3A_93 = arith.constant 1 : i32
      scf.for %scan3A_95 = %scan3A_90 to %scan3A_92 step %scan3A_93  : i32 {
        %mul3A_96 = arith.constant 64 : i32
        %mul3A_97 = arith.muli %scan3A_95, %mul3A_96 : i32
        %add3A_98 = arith.constant 0 : i32
        %add3A_99 = arith.addi %add3A_98, %mul3A_97 : i32
        %broadcast_in_dim3A_100 = arith.constant 0.000000e+00 : f32
        %broadcast_in_dim3A_101 = vector.broadcast %broadcast_in_dim3A_100 : f32 to vector<16xf32>
        %add3A_102 = arith.constant 0 : i32
        %add3A_103 = arith.addi %add3A_99, %add3A_102 : i32
        %swap3A = arith.index_cast %add3A_89 : i32 to index
        %swap3A_104 = arith.index_cast %add3A_103 : i32 to index
        %swap3A_105 = tpu.vector_load %arg5[%swap3A, %swap3A_104] {strides = array<i32>} : memref<32x768xf32, #tpu.memory_space<vmem>>, vector<16xf32>,
        tpu.vector_store %arg5[%swap3A, %swap3A_104], %broadcast_in_dim3A_101 {strides = array<i32>} : memref<32x768xf32, #tpu.memory_space<vmem>>, vector<16xf32>,
        %add3A_106 = arith.constant 16 : i32
        %add3A_107 = arith.addi %add3A_99, %add3A_106 : i32
        %swap3A_108 = arith.index_cast %add3A_89 : i32 to index
        %swap3A_109 = arith.index_cast %add3A_107 : i32 to index
        %swap3A_110 = tpu.vector_load %arg5[%swap3A_108, %swap3A_109] {strides = array<i32>} : memref<32x768xf32, #tpu.memory_space<vmem>>, vector<16xf32>,
        tpu.vector_store %arg5[%swap3A_108, %swap3A_109], %broadcast_in_dim3A_101 {strides = array<i32>} : memref<32x768xf32, #tpu.memory_space<vmem>>, vector<16xf32>,
        %add3A_111 = arith.constant 32 : i32
        %add3A_112 = arith.addi %add3A_99, %add3A_111 : i32
        %swap3A_113 = arith.index_cast %add3A_89 : i32 to index
        %swap3A_114 = arith.index_cast %add3A_112 : i32 to index
        %swap3A_115 = tpu.vector_load %arg5[%swap3A_113, %swap3A_114] {strides = array<i32>} : memref<32x768xf32, #tpu.memory_space<vmem>>, vector<16xf32>,
        tpu.vector_store %arg5[%swap3A_113, %swap3A_114], %broadcast_in_dim3A_101 {strides = array<i32>} : memref<32x768xf32, #tpu.memory_space<vmem>>, vector<16xf32>,
        %add3A_116 = arith.constant 48 : i32
        %add3A_117 = arith.addi %add3A_99, %add3A_116 : i32
        %swap3A_118 = arith.index_cast %add3A_89 : i32 to index
        %swap3A_119 = arith.index_cast %add3A_117 : i32 to index
        %swap3A_120 = tpu.vector_load %arg5[%swap3A_118, %swap3A_119] {strides = array<i32>} : memref<32x768xf32, #tpu.memory_space<vmem>>, vector<16xf32>,
        tpu.vector_store %arg5[%swap3A_118, %swap3A_119], %broadcast_in_dim3A_101 {strides = array<i32>} : memref<32x768xf32, #tpu.memory_space<vmem>>, vector<16xf32>,
      }
      %scan3A_94 = arith.constant 12 : i32
    }
    %scan3A_11 = arith.constant 32 : i32
    %scan3A_12 = arith.constant 0 : i32
    %scan3A_13 = arith.constant 16 : i32
    %scan3A_14 = arith.addi %scan3A_12, %scan3A_13 : i32
    %scan3A_15 = arith.constant 1 : i32
    scf.for %scan3A_85 = %scan3A_12 to %scan3A_14 step %scan3A_15  : i32 {
      %mul3A_86 = arith.constant 1 : i32
      %mul3A_87 = arith.muli %scan3A_85, %mul3A_86 : i32
      %add3A_88 = arith.constant 0 : i32
      %add3A_89 = arith.addi %add3A_88, %mul3A_87 : i32
      %mul3A_90 = arith.constant 2 : i32
      %mul3A_91 = arith.muli %mul3A_90, %add3A_89 : i32
      %add3A_92 = arith.constant 0 : i32
      %add3A_93 = arith.addi %mul3A_91, %add3A_92 : i32
      %broadcast_in_dim3A_94 = vector.broadcast %add3A_93 : i32 to vector<16xi32>
      %add3A_95 = arith.constant 0 : i32
      %add3A_96 = arith.addi %add3A_95, %add3A_93 : i32
      %get3A = arith.index_cast %add3A_96 : i32 to index
      %get3A_97 = arith.constant 0 : index
      %get3A_98 = tpu.vector_load %arg4[%get3A, %get3A_97] {strides = array<i32>} : memref<128x32xi32, #tpu.memory_space<vmem>>, vector<16xi32>,
      %add3A_99 = arith.constant 0 : i32
      %add3A_100 = arith.addi %add3A_99, %add3A_93 : i32
      %get3A_101 = arith.index_cast %add3A_100 : i32 to index
      %get3A_102 = arith.constant 16 : index
      %get3A_103 = tpu.vector_load %arg4[%get3A_101, %get3A_102] {strides = array<i32>} : memref<128x32xi32, #tpu.memory_space<vmem>>, vector<16xi32>,
      tpu.vector_store_idx %arg5[%broadcast_in_dim3A_94, %get3A_98], %broadcast_in_dim3A_5 {add = true} : memref<32x768xf32, #tpu.memory_space<vmem>>[vector<16xi32>, vector<16xi32>], vector<16xf32>,
      tpu.vector_store_idx %arg5[%broadcast_in_dim3A_94, %get3A_103], %broadcast_in_dim3A_5 {add = true} : memref<32x768xf32, #tpu.memory_space<vmem>>[vector<16xi32>, vector<16xi32>], vector<16xf32>,
      %mul3A_104 = arith.constant 2 : i32
      %mul3A_105 = arith.muli %mul3A_104, %add3A_89 : i32
      %add3A_106 = arith.constant 1 : i32
      %add3A_107 = arith.addi %mul3A_105, %add3A_106 : i32
      %broadcast_in_dim3A_108 = vector.broadcast %add3A_107 : i32 to vector<16xi32>
      %add3A_109 = arith.constant 0 : i32
      %add3A_110 = arith.addi %add3A_109, %add3A_107 : i32
      %get3A_111 = arith.index_cast %add3A_110 : i32 to index
      %get3A_112 = arith.constant 0 : index
      %get3A_113 = tpu.vector_load %arg4[%get3A_111, %get3A_112] {strides = array<i32>} : memref<128x32xi32, #tpu.memory_space<vmem>>, vector<16xi32>,
      %add3A_114 = arith.constant 0 : i32
      %add3A_115 = arith.addi %add3A_114, %add3A_107 : i32
      %get3A_116 = arith.index_cast %add3A_115 : i32 to index
      %get3A_117 = arith.constant 16 : index
      %get3A_118 = tpu.vector_load %arg4[%get3A_116, %get3A_117] {strides = array<i32>} : memref<128x32xi32, #tpu.memory_space<vmem>>, vector<16xi32>,
      tpu.vector_store_idx %arg5[%broadcast_in_dim3A_108, %get3A_113], %broadcast_in_dim3A_5 {add = true} : memref<32x768xf32, #tpu.memory_space<vmem>>[vector<16xi32>, vector<16xi32>], vector<16xf32>,
      tpu.vector_store_idx %arg5[%broadcast_in_dim3A_108, %get3A_118], %broadcast_in_dim3A_5 {add = true} : memref<32x768xf32, #tpu.memory_space<vmem>>[vector<16xi32>, vector<16xi32>], vector<16xf32>,
    }
    %scan3A_16 = arith.constant 16 : i32
    %add3A_17 = arith.constant 0 : i32
    %add3A_18 = arith.addi %mul3A_2, %add3A_17 : i32
    %dma_start3A = arith.constant 0 : i32
    %dma_start3A_19 = tpu.memref_slice %arg3[%add3A_18, %dma_start3A] : memref<4096x768xf32, #tpu.memory_space<hbm>> -> memref<32x768xf32, #tpu.memory_space<hbm>>
    %dma_start3A_20 = arith.constant 0 : i32
    %dma_start3A_21 = tpu.memref_slice %arg3[%add3A_18, %dma_start3A_20] : memref<4096x768xf32, #tpu.memory_space<hbm>> -> memref<32x768xf32, #tpu.memory_space<hbm>>
    tpu.enqueue_dma source(%arg5 : memref<32x768xf32, #tpu.memory_space<vmem>>) target(%dma_start3A_21 : memref<32x768xf32, #tpu.memory_space<hbm>>) target_semaphore(%arg7 : memref<!tpu.dma_semaphore, #tpu.memory_space<semaphore_mem>>)
    %scan3A_22 = arith.constant 0 : i32
    %scan3A_23 = arith.constant 32 : i32
    %scan3A_24 = arith.addi %scan3A_22, %scan3A_23 : i32
    %scan3A_25 = arith.constant 1 : i32
    scf.for %scan3A_85 = %scan3A_22 to %scan3A_24 step %scan3A_25  : i32 {
      %mul3A_86 = arith.constant 1 : i32
      %mul3A_87 = arith.muli %scan3A_85, %mul3A_86 : i32
      %add3A_88 = arith.constant 0 : i32
      %add3A_89 = arith.addi %add3A_88, %mul3A_87 : i32
      %scan3A_90 = arith.constant 0 : i32
      %scan3A_91 = arith.constant 12 : i32
      %scan3A_92 = arith.addi %scan3A_90, %scan3A_91 : i32
      %scan3A_93 = arith.constant 1 : i32
      scf.for %scan3A_95 = %scan3A_90 to %scan3A_92 step %scan3A_93  : i32 {
        %mul3A_96 = arith.constant 64 : i32
        %mul3A_97 = arith.muli %scan3A_95, %mul3A_96 : i32
        %add3A_98 = arith.constant 0 : i32
        %add3A_99 = arith.addi %add3A_98, %mul3A_97 : i32
        %broadcast_in_dim3A_100 = arith.constant 0.000000e+00 : f32
        %broadcast_in_dim3A_101 = vector.broadcast %broadcast_in_dim3A_100 : f32 to vector<16xf32>
        %add3A_102 = arith.constant 0 : i32
        %add3A_103 = arith.addi %add3A_99, %add3A_102 : i32
        %swap3A = arith.index_cast %add3A_89 : i32 to index
        %swap3A_104 = arith.index_cast %add3A_103 : i32 to index
        %swap3A_105 = tpu.vector_load %arg6[%swap3A, %swap3A_104] {strides = array<i32>} : memref<32x768xf32, #tpu.memory_space<vmem>>, vector<16xf32>,
        tpu.vector_store %arg6[%swap3A, %swap3A_104], %broadcast_in_dim3A_101 {strides = array<i32>} : memref<32x768xf32, #tpu.memory_space<vmem>>, vector<16xf32>,
        %add3A_106 = arith.constant 16 : i32
        %add3A_107 = arith.addi %add3A_99, %add3A_106 : i32
        %swap3A_108 = arith.index_cast %add3A_89 : i32 to index
        %swap3A_109 = arith.index_cast %add3A_107 : i32 to index
        %swap3A_110 = tpu.vector_load %arg6[%swap3A_108, %swap3A_109] {strides = array<i32>} : memref<32x768xf32, #tpu.memory_space<vmem>>, vector<16xf32>,
        tpu.vector_store %arg6[%swap3A_108, %swap3A_109], %broadcast_in_dim3A_101 {strides = array<i32>} : memref<32x768xf32, #tpu.memory_space<vmem>>, vector<16xf32>,
        %add3A_111 = arith.constant 32 : i32
        %add3A_112 = arith.addi %add3A_99, %add3A_111 : i32
        %swap3A_113 = arith.index_cast %add3A_89 : i32 to index
        %swap3A_114 = arith.index_cast %add3A_112 : i32 to index
        %swap3A_115 = tpu.vector_load %arg6[%swap3A_113, %swap3A_114] {strides = array<i32>} : memref<32x768xf32, #tpu.memory_space<vmem>>, vector<16xf32>,
        tpu.vector_store %arg6[%swap3A_113, %swap3A_114], %broadcast_in_dim3A_101 {strides = array<i32>} : memref<32x768xf32, #tpu.memory_space<vmem>>, vector<16xf32>,
        %add3A_116 = arith.constant 48 : i32
        %add3A_117 = arith.addi %add3A_99, %add3A_116 : i32
        %swap3A_118 = arith.index_cast %add3A_89 : i32 to index
        %swap3A_119 = arith.index_cast %add3A_117 : i32 to index
        %swap3A_120 = tpu.vector_load %arg6[%swap3A_118, %swap3A_119] {strides = array<i32>} : memref<32x768xf32, #tpu.memory_space<vmem>>, vector<16xf32>,
        tpu.vector_store %arg6[%swap3A_118, %swap3A_119], %broadcast_in_dim3A_101 {strides = array<i32>} : memref<32x768xf32, #tpu.memory_space<vmem>>, vector<16xf32>,
      }
      %scan3A_94 = arith.constant 12 : i32
    }
    %scan3A_26 = arith.constant 32 : i32
    %scan3A_27 = arith.constant 0 : i32
    %scan3A_28 = arith.constant 16 : i32
    %scan3A_29 = arith.addi %scan3A_27, %scan3A_28 : i32
    %scan3A_30 = arith.constant 1 : i32
    scf.for %scan3A_85 = %scan3A_27 to %scan3A_29 step %scan3A_30  : i32 {
      %mul3A_86 = arith.constant 1 : i32
      %mul3A_87 = arith.muli %scan3A_85, %mul3A_86 : i32
      %add3A_88 = arith.constant 0 : i32
      %add3A_89 = arith.addi %add3A_88, %mul3A_87 : i32
      %mul3A_90 = arith.constant 2 : i32
      %mul3A_91 = arith.muli %mul3A_90, %add3A_89 : i32
      %add3A_92 = arith.constant 0 : i32
      %add3A_93 = arith.addi %mul3A_91, %add3A_92 : i32
      %broadcast_in_dim3A_94 = vector.broadcast %add3A_93 : i32 to vector<16xi32>
      %add3A_95 = arith.constant 32 : i32
      %add3A_96 = arith.addi %add3A_95, %add3A_93 : i32
      %get3A = arith.index_cast %add3A_96 : i32 to index
      %get3A_97 = arith.constant 0 : index
      %get3A_98 = tpu.vector_load %arg4[%get3A, %get3A_97] {strides = array<i32>} : memref<128x32xi32, #tpu.memory_space<vmem>>, vector<16xi32>,
      %add3A_99 = arith.constant 32 : i32
      %add3A_100 = arith.addi %add3A_99, %add3A_93 : i32
      %get3A_101 = arith.index_cast %add3A_100 : i32 to index
      %get3A_102 = arith.constant 16 : index
      %get3A_103 = tpu.vector_load %arg4[%get3A_101, %get3A_102] {strides = array<i32>} : memref<128x32xi32, #tpu.memory_space<vmem>>, vector<16xi32>,
      tpu.vector_store_idx %arg6[%broadcast_in_dim3A_94, %get3A_98], %broadcast_in_dim3A_5 {add = true} : memref<32x768xf32, #tpu.memory_space<vmem>>[vector<16xi32>, vector<16xi32>], vector<16xf32>,
      tpu.vector_store_idx %arg6[%broadcast_in_dim3A_94, %get3A_103], %broadcast_in_dim3A_5 {add = true} : memref<32x768xf32, #tpu.memory_space<vmem>>[vector<16xi32>, vector<16xi32>], vector<16xf32>,
      %mul3A_104 = arith.constant 2 : i32
      %mul3A_105 = arith.muli %mul3A_104, %add3A_89 : i32
      %add3A_106 = arith.constant 1 : i32
      %add3A_107 = arith.addi %mul3A_105, %add3A_106 : i32
      %broadcast_in_dim3A_108 = vector.broadcast %add3A_107 : i32 to vector<16xi32>
      %add3A_109 = arith.constant 32 : i32
      %add3A_110 = arith.addi %add3A_109, %add3A_107 : i32
      %get3A_111 = arith.index_cast %add3A_110 : i32 to index
      %get3A_112 = arith.constant 0 : index
      %get3A_113 = tpu.vector_load %arg4[%get3A_111, %get3A_112] {strides = array<i32>} : memref<128x32xi32, #tpu.memory_space<vmem>>, vector<16xi32>,
      %add3A_114 = arith.constant 32 : i32
      %add3A_115 = arith.addi %add3A_114, %add3A_107 : i32
      %get3A_116 = arith.index_cast %add3A_115 : i32 to index
      %get3A_117 = arith.constant 16 : index
      %get3A_118 = tpu.vector_load %arg4[%get3A_116, %get3A_117] {strides = array<i32>} : memref<128x32xi32, #tpu.memory_space<vmem>>, vector<16xi32>,
      tpu.vector_store_idx %arg6[%broadcast_in_dim3A_108, %get3A_113], %broadcast_in_dim3A_5 {add = true} : memref<32x768xf32, #tpu.memory_space<vmem>>[vector<16xi32>, vector<16xi32>], vector<16xf32>,
      tpu.vector_store_idx %arg6[%broadcast_in_dim3A_108, %get3A_118], %broadcast_in_dim3A_5 {add = true} : memref<32x768xf32, #tpu.memory_space<vmem>>[vector<16xi32>, vector<16xi32>], vector<16xf32>,
    }
    %scan3A_31 = arith.constant 16 : i32
    %add3A_32 = arith.constant 32 : i32
    %add3A_33 = arith.addi %mul3A_2, %add3A_32 : i32
    %dma_start3A_34 = arith.constant 0 : i32
    %dma_start3A_35 = tpu.memref_slice %arg3[%add3A_33, %dma_start3A_34] : memref<4096x768xf32, #tpu.memory_space<hbm>> -> memref<32x768xf32, #tpu.memory_space<hbm>>
    %dma_start3A_36 = arith.constant 0 : i32
    %dma_start3A_37 = tpu.memref_slice %arg3[%add3A_33, %dma_start3A_36] : memref<4096x768xf32, #tpu.memory_space<hbm>> -> memref<32x768xf32, #tpu.memory_space<hbm>>
    tpu.enqueue_dma source(%arg6 : memref<32x768xf32, #tpu.memory_space<vmem>>) target(%dma_start3A_37 : memref<32x768xf32, #tpu.memory_space<hbm>>) target_semaphore(%arg8 : memref<!tpu.dma_semaphore, #tpu.memory_space<semaphore_mem>>)
    %dma_wait3A = arith.constant 0 : i32
    %dma_wait3A_38 = tpu.memref_slice %arg3[%add3A_18, %dma_wait3A] : memref<4096x768xf32, #tpu.memory_space<hbm>> -> memref<32x768xf32, #tpu.memory_space<hbm>>
    %dma_wait3A_39 = arith.constant 0 : i32
    %dma_wait3A_40 = tpu.memref_slice %arg3[%add3A_18, %dma_wait3A_39] : memref<4096x768xf32, #tpu.memory_space<hbm>> -> memref<32x768xf32, #tpu.memory_space<hbm>>
    tpu.wait_dma2 semaphore(%arg7 : memref<!tpu.dma_semaphore, #tpu.memory_space<semaphore_mem>>) src(%arg5 : memref<32x768xf32, #tpu.memory_space<vmem>>) dst(%dma_wait3A_40 : memref<32x768xf32, #tpu.memory_space<hbm>>)
    %scan3A_41 = arith.constant 0 : i32
    %scan3A_42 = arith.constant 32 : i32
    %scan3A_43 = arith.addi %scan3A_41, %scan3A_42 : i32
    %scan3A_44 = arith.constant 1 : i32
    scf.for %scan3A_85 = %scan3A_41 to %scan3A_43 step %scan3A_44  : i32 {
      %mul3A_86 = arith.constant 1 : i32
      %mul3A_87 = arith.muli %scan3A_85, %mul3A_86 : i32
      %add3A_88 = arith.constant 0 : i32
      %add3A_89 = arith.addi %add3A_88, %mul3A_87 : i32
      %broadcast_in_dim3A_90 = vector.broadcast %add3A_89 : i32 to vector<16xi32>
      %add3A_91 = arith.constant 0 : i32
      %add3A_92 = arith.addi %add3A_91, %add3A_89 : i32
      %get3A = arith.index_cast %add3A_92 : i32 to index
      %get3A_93 = arith.constant 0 : index
      %get3A_94 = tpu.vector_load %arg4[%get3A, %get3A_93] {strides = array<i32>} : memref<128x32xi32, #tpu.memory_space<vmem>>, vector<16xi32>,
      %add3A_95 = arith.constant 0 : i32
      %add3A_96 = arith.addi %add3A_95, %add3A_89 : i32
      %get3A_97 = arith.index_cast %add3A_96 : i32 to index
      %get3A_98 = arith.constant 16 : index
      %get3A_99 = tpu.vector_load %arg4[%get3A_97, %get3A_98] {strides = array<i32>} : memref<128x32xi32, #tpu.memory_space<vmem>>, vector<16xi32>,
      tpu.vector_store_idx %arg5[%broadcast_in_dim3A_90, %get3A_94], %broadcast_in_dim3A_7 : memref<32x768xf32, #tpu.memory_space<vmem>>[vector<16xi32>, vector<16xi32>], vector<16xf32>,
      tpu.vector_store_idx %arg5[%broadcast_in_dim3A_90, %get3A_99], %broadcast_in_dim3A_7 : memref<32x768xf32, #tpu.memory_space<vmem>>[vector<16xi32>, vector<16xi32>], vector<16xf32>,
    }
    %scan3A_45 = arith.constant 32 : i32
    %scan3A_46 = arith.constant 0 : i32
    %scan3A_47 = arith.constant 16 : i32
    %scan3A_48 = arith.addi %scan3A_46, %scan3A_47 : i32
    %scan3A_49 = arith.constant 1 : i32
    scf.for %scan3A_85 = %scan3A_46 to %scan3A_48 step %scan3A_49  : i32 {
      %mul3A_86 = arith.constant 1 : i32
      %mul3A_87 = arith.muli %scan3A_85, %mul3A_86 : i32
      %add3A_88 = arith.constant 0 : i32
      %add3A_89 = arith.addi %add3A_88, %mul3A_87 : i32
      %mul3A_90 = arith.constant 2 : i32
      %mul3A_91 = arith.muli %mul3A_90, %add3A_89 : i32
      %add3A_92 = arith.constant 0 : i32
      %add3A_93 = arith.addi %mul3A_91, %add3A_92 : i32
      %broadcast_in_dim3A_94 = vector.broadcast %add3A_93 : i32 to vector<16xi32>
      %add3A_95 = arith.constant 64 : i32
      %add3A_96 = arith.addi %add3A_95, %add3A_93 : i32
      %get3A = arith.index_cast %add3A_96 : i32 to index
      %get3A_97 = arith.constant 0 : index
      %get3A_98 = tpu.vector_load %arg4[%get3A, %get3A_97] {strides = array<i32>} : memref<128x32xi32, #tpu.memory_space<vmem>>, vector<16xi32>,
      %add3A_99 = arith.constant 64 : i32
      %add3A_100 = arith.addi %add3A_99, %add3A_93 : i32
      %get3A_101 = arith.index_cast %add3A_100 : i32 to index
      %get3A_102 = arith.constant 16 : index
      %get3A_103 = tpu.vector_load %arg4[%get3A_101, %get3A_102] {strides = array<i32>} : memref<128x32xi32, #tpu.memory_space<vmem>>, vector<16xi32>,
      tpu.vector_store_idx %arg5[%broadcast_in_dim3A_94, %get3A_98], %broadcast_in_dim3A_5 {add = true} : memref<32x768xf32, #tpu.memory_space<vmem>>[vector<16xi32>, vector<16xi32>], vector<16xf32>,
      tpu.vector_store_idx %arg5[%broadcast_in_dim3A_94, %get3A_103], %broadcast_in_dim3A_5 {add = true} : memref<32x768xf32, #tpu.memory_space<vmem>>[vector<16xi32>, vector<16xi32>], vector<16xf32>,
      %mul3A_104 = arith.constant 2 : i32
      %mul3A_105 = arith.muli %mul3A_104, %add3A_89 : i32
      %add3A_106 = arith.constant 1 : i32
      %add3A_107 = arith.addi %mul3A_105, %add3A_106 : i32
      %broadcast_in_dim3A_108 = vector.broadcast %add3A_107 : i32 to vector<16xi32>
      %add3A_109 = arith.constant 64 : i32
      %add3A_110 = arith.addi %add3A_109, %add3A_107 : i32
      %get3A_111 = arith.index_cast %add3A_110 : i32 to index
      %get3A_112 = arith.constant 0 : index
      %get3A_113 = tpu.vector_load %arg4[%get3A_111, %get3A_112] {strides = array<i32>} : memref<128x32xi32, #tpu.memory_space<vmem>>, vector<16xi32>,
      %add3A_114 = arith.constant 64 : i32
      %add3A_115 = arith.addi %add3A_114, %add3A_107 : i32
      %get3A_116 = arith.index_cast %add3A_115 : i32 to index
      %get3A_117 = arith.constant 16 : index
      %get3A_118 = tpu.vector_load %arg4[%get3A_116, %get3A_117] {strides = array<i32>} : memref<128x32xi32, #tpu.memory_space<vmem>>, vector<16xi32>,
      tpu.vector_store_idx %arg5[%broadcast_in_dim3A_108, %get3A_113], %broadcast_in_dim3A_5 {add = true} : memref<32x768xf32, #tpu.memory_space<vmem>>[vector<16xi32>, vector<16xi32>], vector<16xf32>,
      tpu.vector_store_idx %arg5[%broadcast_in_dim3A_108, %get3A_118], %broadcast_in_dim3A_5 {add = true} : memref<32x768xf32, #tpu.memory_space<vmem>>[vector<16xi32>, vector<16xi32>], vector<16xf32>,
    }
    %scan3A_50 = arith.constant 16 : i32
    %add3A_51 = arith.constant 64 : i32
    %add3A_52 = arith.addi %mul3A_2, %add3A_51 : i32
    %dma_start3A_53 = arith.constant 0 : i32
    %dma_start3A_54 = tpu.memref_slice %arg3[%add3A_52, %dma_start3A_53] : memref<4096x768xf32, #tpu.memory_space<hbm>> -> memref<32x768xf32, #tpu.memory_space<hbm>>
    %dma_start3A_55 = arith.constant 0 : i32
    %dma_start3A_56 = tpu.memref_slice %arg3[%add3A_52, %dma_start3A_55] : memref<4096x768xf32, #tpu.memory_space<hbm>> -> memref<32x768xf32, #tpu.memory_space<hbm>>
    tpu.enqueue_dma source(%arg5 : memref<32x768xf32, #tpu.memory_space<vmem>>) target(%dma_start3A_56 : memref<32x768xf32, #tpu.memory_space<hbm>>) target_semaphore(%arg7 : memref<!tpu.dma_semaphore, #tpu.memory_space<semaphore_mem>>)
    %dma_wait3A_57 = arith.constant 0 : i32
    %dma_wait3A_58 = tpu.memref_slice %arg3[%add3A_33, %dma_wait3A_57] : memref<4096x768xf32, #tpu.memory_space<hbm>> -> memref<32x768xf32, #tpu.memory_space<hbm>>
    %dma_wait3A_59 = arith.constant 0 : i32
    %dma_wait3A_60 = tpu.memref_slice %arg3[%add3A_33, %dma_wait3A_59] : memref<4096x768xf32, #tpu.memory_space<hbm>> -> memref<32x768xf32, #tpu.memory_space<hbm>>
    tpu.wait_dma2 semaphore(%arg8 : memref<!tpu.dma_semaphore, #tpu.memory_space<semaphore_mem>>) src(%arg6 : memref<32x768xf32, #tpu.memory_space<vmem>>) dst(%dma_wait3A_60 : memref<32x768xf32, #tpu.memory_space<hbm>>)
    %scan3A_61 = arith.constant 0 : i32
    %scan3A_62 = arith.constant 32 : i32
    %scan3A_63 = arith.addi %scan3A_61, %scan3A_62 : i32
    %scan3A_64 = arith.constant 1 : i32
    scf.for %scan3A_85 = %scan3A_61 to %scan3A_63 step %scan3A_64  : i32 {
      %mul3A_86 = arith.constant 1 : i32
      %mul3A_87 = arith.muli %scan3A_85, %mul3A_86 : i32
      %add3A_88 = arith.constant 0 : i32
      %add3A_89 = arith.addi %add3A_88, %mul3A_87 : i32
      %broadcast_in_dim3A_90 = vector.broadcast %add3A_89 : i32 to vector<16xi32>
      %add3A_91 = arith.constant 32 : i32
      %add3A_92 = arith.addi %add3A_91, %add3A_89 : i32
      %get3A = arith.index_cast %add3A_92 : i32 to index
      %get3A_93 = arith.constant 0 : index
      %get3A_94 = tpu.vector_load %arg4[%get3A, %get3A_93] {strides = array<i32>} : memref<128x32xi32, #tpu.memory_space<vmem>>, vector<16xi32>,
      %add3A_95 = arith.constant 32 : i32
      %add3A_96 = arith.addi %add3A_95, %add3A_89 : i32
      %get3A_97 = arith.index_cast %add3A_96 : i32 to index
      %get3A_98 = arith.constant 16 : index
      %get3A_99 = tpu.vector_load %arg4[%get3A_97, %get3A_98] {strides = array<i32>} : memref<128x32xi32, #tpu.memory_space<vmem>>, vector<16xi32>,
      tpu.vector_store_idx %arg6[%broadcast_in_dim3A_90, %get3A_94], %broadcast_in_dim3A_7 : memref<32x768xf32, #tpu.memory_space<vmem>>[vector<16xi32>, vector<16xi32>], vector<16xf32>,
      tpu.vector_store_idx %arg6[%broadcast_in_dim3A_90, %get3A_99], %broadcast_in_dim3A_7 : memref<32x768xf32, #tpu.memory_space<vmem>>[vector<16xi32>, vector<16xi32>], vector<16xf32>,
    }
    %scan3A_65 = arith.constant 32 : i32
    %scan3A_66 = arith.constant 0 : i32
    %scan3A_67 = arith.constant 16 : i32
    %scan3A_68 = arith.addi %scan3A_66, %scan3A_67 : i32
    %scan3A_69 = arith.constant 1 : i32
    scf.for %scan3A_85 = %scan3A_66 to %scan3A_68 step %scan3A_69  : i32 {
      %mul3A_86 = arith.constant 1 : i32
      %mul3A_87 = arith.muli %scan3A_85, %mul3A_86 : i32
      %add3A_88 = arith.constant 0 : i32
      %add3A_89 = arith.addi %add3A_88, %mul3A_87 : i32
      %mul3A_90 = arith.constant 2 : i32
      %mul3A_91 = arith.muli %mul3A_90, %add3A_89 : i32
      %add3A_92 = arith.constant 0 : i32
      %add3A_93 = arith.addi %mul3A_91, %add3A_92 : i32
      %broadcast_in_dim3A_94 = vector.broadcast %add3A_93 : i32 to vector<16xi32>
      %add3A_95 = arith.constant 96 : i32
      %add3A_96 = arith.addi %add3A_95, %add3A_93 : i32
      %get3A = arith.index_cast %add3A_96 : i32 to index
      %get3A_97 = arith.constant 0 : index
      %get3A_98 = tpu.vector_load %arg4[%get3A, %get3A_97] {strides = array<i32>} : memref<128x32xi32, #tpu.memory_space<vmem>>, vector<16xi32>,
      %add3A_99 = arith.constant 96 : i32
      %add3A_100 = arith.addi %add3A_99, %add3A_93 : i32
      %get3A_101 = arith.index_cast %add3A_100 : i32 to index
      %get3A_102 = arith.constant 16 : index
      %get3A_103 = tpu.vector_load %arg4[%get3A_101, %get3A_102] {strides = array<i32>} : memref<128x32xi32, #tpu.memory_space<vmem>>, vector<16xi32>,
      tpu.vector_store_idx %arg6[%broadcast_in_dim3A_94, %get3A_98], %broadcast_in_dim3A_5 {add = true} : memref<32x768xf32, #tpu.memory_space<vmem>>[vector<16xi32>, vector<16xi32>], vector<16xf32>,
      tpu.vector_store_idx %arg6[%broadcast_in_dim3A_94, %get3A_103], %broadcast_in_dim3A_5 {add = true} : memref<32x768xf32, #tpu.memory_space<vmem>>[vector<16xi32>, vector<16xi32>], vector<16xf32>,
      %mul3A_104 = arith.constant 2 : i32
      %mul3A_105 = arith.muli %mul3A_104, %add3A_89 : i32
      %add3A_106 = arith.constant 1 : i32
      %add3A_107 = arith.addi %mul3A_105, %add3A_106 : i32
      %broadcast_in_dim3A_108 = vector.broadcast %add3A_107 : i32 to vector<16xi32>
      %add3A_109 = arith.constant 96 : i32
      %add3A_110 = arith.addi %add3A_109, %add3A_107 : i32
      %get3A_111 = arith.index_cast %add3A_110 : i32 to index
      %get3A_112 = arith.constant 0 : index
      %get3A_113 = tpu.vector_load %arg4[%get3A_111, %get3A_112] {strides = array<i32>} : memref<128x32xi32, #tpu.memory_space<vmem>>, vector<16xi32>,
      %add3A_114 = arith.constant 96 : i32
      %add3A_115 = arith.addi %add3A_114, %add3A_107 : i32
      %get3A_116 = arith.index_cast %add3A_115 : i32 to index
      %get3A_117 = arith.constant 16 : index
      %get3A_118 = tpu.vector_load %arg4[%get3A_116, %get3A_117] {strides = array<i32>} : memref<128x32xi32, #tpu.memory_space<vmem>>, vector<16xi32>,
      tpu.vector_store_idx %arg6[%broadcast_in_dim3A_108, %get3A_113], %broadcast_in_dim3A_5 {add = true} : memref<32x768xf32, #tpu.memory_space<vmem>>[vector<16xi32>, vector<16xi32>], vector<16xf32>,
      tpu.vector_store_idx %arg6[%broadcast_in_dim3A_108, %get3A_118], %broadcast_in_dim3A_5 {add = true} : memref<32x768xf32, #tpu.memory_space<vmem>>[vector<16xi32>, vector<16xi32>], vector<16xf32>,
    }
    %scan3A_70 = arith.constant 16 : i32
    %add3A_71 = arith.constant 96 : i32
    %add3A_72 = arith.addi %mul3A_2, %add3A_71 : i32
    %dma_start3A_73 = arith.constant 0 : i32
    %dma_start3A_74 = tpu.memref_slice %arg3[%add3A_72, %dma_start3A_73] : memref<4096x768xf32, #tpu.memory_space<hbm>> -> memref<32x768xf32, #tpu.memory_space<hbm>>
    %dma_start3A_75 = arith.constant 0 : i32
    %dma_start3A_76 = tpu.memref_slice %arg3[%add3A_72, %dma_start3A_75] : memref<4096x768xf32, #tpu.memory_space<hbm>> -> memref<32x768xf32, #tpu.memory_space<hbm>>
    tpu.enqueue_dma source(%arg6 : memref<32x768xf32, #tpu.memory_space<vmem>>) target(%dma_start3A_76 : memref<32x768xf32, #tpu.memory_space<hbm>>) target_semaphore(%arg8 : memref<!tpu.dma_semaphore, #tpu.memory_space<semaphore_mem>>)
    %dma_wait3A_77 = arith.constant 0 : i32
    %dma_wait3A_78 = tpu.memref_slice %arg3[%add3A_52, %dma_wait3A_77] : memref<4096x768xf32, #tpu.memory_space<hbm>> -> memref<32x768xf32, #tpu.memory_space<hbm>>
    %dma_wait3A_79 = arith.constant 0 : i32
    %dma_wait3A_80 = tpu.memref_slice %arg3[%add3A_52, %dma_wait3A_79] : memref<4096x768xf32, #tpu.memory_space<hbm>> -> memref<32x768xf32, #tpu.memory_space<hbm>>
    tpu.wait_dma2 semaphore(%arg7 : memref<!tpu.dma_semaphore, #tpu.memory_space<semaphore_mem>>) src(%arg5 : memref<32x768xf32, #tpu.memory_space<vmem>>) dst(%dma_wait3A_80 : memref<32x768xf32, #tpu.memory_space<hbm>>)
    %dma_wait3A_81 = arith.constant 0 : i32
    %dma_wait3A_82 = tpu.memref_slice %arg3[%add3A_72, %dma_wait3A_81] : memref<4096x768xf32, #tpu.memory_space<hbm>> -> memref<32x768xf32, #tpu.memory_space<hbm>>
    %dma_wait3A_83 = arith.constant 0 : i32
    %dma_wait3A_84 = tpu.memref_slice %arg3[%add3A_72, %dma_wait3A_83] : memref<4096x768xf32, #tpu.memory_space<hbm>> -> memref<32x768xf32, #tpu.memory_space<hbm>>
    tpu.wait_dma2 semaphore(%arg8 : memref<!tpu.dma_semaphore, #tpu.memory_space<semaphore_mem>>) src(%arg6 : memref<32x768xf32, #tpu.memory_space<vmem>>) dst(%dma_wait3A_84 : memref<32x768xf32, #tpu.memory_space<hbm>>)
    return
  }
}

#map = affine_map<(d0, d1) -> (0, 0)>
module attributes {stable_mosaic.version = 14 : i64} {
  func.func @_sc_hist_body(%arg0: i32, %arg1: i32, %arg2: memref<16384x32xi32, #tpu.memory_space<hbm>>, %arg3: memref<4096x768xf32, #tpu.memory_space<hbm>>, %arg4: memref<128x32xi32, #tpu.memory_space<vmem>>, %arg5: memref<32x768xf32, #tpu.memory_space<vmem>>, %arg6: memref<32x768xf32, #tpu.memory_space<vmem>>, %arg7: memref<!tpu.dma_semaphore, #tpu.memory_space<semaphore_mem>>, %arg8: memref<!tpu.dma_semaphore, #tpu.memory_space<semaphore_mem>>) attributes {dimension_semantics = [#tpu.dimension_semantics<core_parallel>, #tpu.dimension_semantics<subcore_parallel>], iteration_bounds = array<i64: 2, 16>, scalar_prefetch = 0 : i64, scratch_operands = 5 : i64, tpu.core_type = #tpu.core_type<sc_vector_subcore>, window_params = [{transform_indices = #map}, {transform_indices = #map}]} {
    %mul3A = arith.constant 2 : i32
    %mul3A_0 = arith.muli %arg1, %mul3A : i32
    %add3A = arith.addi %mul3A_0, %arg0 : i32
    %mul3A_1 = arith.constant 128 : i32
    %mul3A_2 = arith.muli %add3A, %mul3A_1 : i32
    %add3A_3 = arith.constant 0 : i32
    %add3A_4 = arith.addi %add3A_3, %mul3A_2 : i32
    "tpu.region"() ({
      %run_scoped3A = tpu.sem_alloc : memref<!tpu.dma_semaphore, #tpu.memory_space<semaphore_mem>>
      %dma_start3A_85 = arith.constant 0 : i32
      %dma_start3A_86 = tpu.memref_slice %arg2[%add3A_4, %dma_start3A_85] : memref<16384x32xi32, #tpu.memory_space<hbm>> -> memref<128x32xi32, #tpu.memory_space<hbm>>
      %dma_start3A_87 = arith.constant 0 : i32
      %dma_start3A_88 = tpu.memref_slice %arg2[%add3A_4, %dma_start3A_87] : memref<16384x32xi32, #tpu.memory_space<hbm>> -> memref<128x32xi32, #tpu.memory_space<hbm>>
      tpu.enqueue_dma source(%dma_start3A_88 : memref<128x32xi32, #tpu.memory_space<hbm>>) target(%arg4 : memref<128x32xi32, #tpu.memory_space<vmem>>) target_semaphore(%run_scoped3A : memref<!tpu.dma_semaphore, #tpu.memory_space<semaphore_mem>>)
      %dma_wait3A_89 = arith.constant 0 : i32
      %dma_wait3A_90 = tpu.memref_slice %arg2[%add3A_4, %dma_wait3A_89] : memref<16384x32xi32, #tpu.memory_space<hbm>> -> memref<128x32xi32, #tpu.memory_space<hbm>>
      %dma_wait3A_91 = arith.constant 0 : i32
      %dma_wait3A_92 = tpu.memref_slice %arg2[%add3A_4, %dma_wait3A_91] : memref<16384x32xi32, #tpu.memory_space<hbm>> -> memref<128x32xi32, #tpu.memory_space<hbm>>
      tpu.wait_dma2 semaphore(%run_scoped3A : memref<!tpu.dma_semaphore, #tpu.memory_space<semaphore_mem>>) src(%dma_wait3A_92 : memref<128x32xi32, #tpu.memory_space<hbm>>) dst(%arg4 : memref<128x32xi32, #tpu.memory_space<vmem>>)
      tpu.yield
    }) : () -> ()
    %broadcast_in_dim3A = arith.constant 1.000000e+00 : f32
    %broadcast_in_dim3A_5 = vector.broadcast %broadcast_in_dim3A : f32 to vector<16xf32>
    %broadcast_in_dim3A_6 = arith.constant 0.000000e+00 : f32
    %broadcast_in_dim3A_7 = vector.broadcast %broadcast_in_dim3A_6 : f32 to vector<16xf32>
    %scan3A = arith.constant 0 : i32
    %scan3A_8 = arith.constant 32 : i32
    %scan3A_9 = arith.addi %scan3A, %scan3A_8 : i32
    %scan3A_10 = arith.constant 1 : i32
    scf.for %scan3A_85 = %scan3A to %scan3A_9 step %scan3A_10  : i32 {
      %mul3A_86 = arith.constant 1 : i32
      %mul3A_87 = arith.muli %scan3A_85, %mul3A_86 : i32
      %add3A_88 = arith.constant 0 : i32
      %add3A_89 = arith.addi %add3A_88, %mul3A_87 : i32
      %scan3A_90 = arith.constant 0 : i32
      %scan3A_91 = arith.constant 12 : i32
      %scan3A_92 = arith.addi %scan3A_90, %scan3A_91 : i32
      %scan3A_93 = arith.constant 1 : i32
      scf.for %scan3A_95 = %scan3A_90 to %scan3A_92 step %scan3A_93  : i32 {
        %mul3A_96 = arith.constant 64 : i32
        %mul3A_97 = arith.muli %scan3A_95, %mul3A_96 : i32
        %add3A_98 = arith.constant 0 : i32
        %add3A_99 = arith.addi %add3A_98, %mul3A_97 : i32
        %broadcast_in_dim3A_100 = arith.constant 0.000000e+00 : f32
        %broadcast_in_dim3A_101 = vector.broadcast %broadcast_in_dim3A_100 : f32 to vector<16xf32>
        %add3A_102 = arith.constant 0 : i32
        %add3A_103 = arith.addi %add3A_99, %add3A_102 : i32
        %swap3A = arith.index_cast %add3A_89 : i32 to index
        %swap3A_104 = arith.index_cast %add3A_103 : i32 to index
        %swap3A_105 = tpu.vector_load %arg5[%swap3A, %swap3A_104] {strides = array<i32>} : memref<32x768xf32, #tpu.memory_space<vmem>>, vector<16xf32>,
        tpu.vector_store %arg5[%swap3A, %swap3A_104], %broadcast_in_dim3A_101 {strides = array<i32>} : memref<32x768xf32, #tpu.memory_space<vmem>>, vector<16xf32>,
        %add3A_106 = arith.constant 16 : i32
        %add3A_107 = arith.addi %add3A_99, %add3A_106 : i32
        %swap3A_108 = arith.index_cast %add3A_89 : i32 to index
        %swap3A_109 = arith.index_cast %add3A_107 : i32 to index
        %swap3A_110 = tpu.vector_load %arg5[%swap3A_108, %swap3A_109] {strides = array<i32>} : memref<32x768xf32, #tpu.memory_space<vmem>>, vector<16xf32>,
        tpu.vector_store %arg5[%swap3A_108, %swap3A_109], %broadcast_in_dim3A_101 {strides = array<i32>} : memref<32x768xf32, #tpu.memory_space<vmem>>, vector<16xf32>,
        %add3A_111 = arith.constant 32 : i32
        %add3A_112 = arith.addi %add3A_99, %add3A_111 : i32
        %swap3A_113 = arith.index_cast %add3A_89 : i32 to index
        %swap3A_114 = arith.index_cast %add3A_112 : i32 to index
        %swap3A_115 = tpu.vector_load %arg5[%swap3A_113, %swap3A_114] {strides = array<i32>} : memref<32x768xf32, #tpu.memory_space<vmem>>, vector<16xf32>,
        tpu.vector_store %arg5[%swap3A_113, %swap3A_114], %broadcast_in_dim3A_101 {strides = array<i32>} : memref<32x768xf32, #tpu.memory_space<vmem>>, vector<16xf32>,
        %add3A_116 = arith.constant 48 : i32
        %add3A_117 = arith.addi %add3A_99, %add3A_116 : i32
        %swap3A_118 = arith.index_cast %add3A_89 : i32 to index
        %swap3A_119 = arith.index_cast %add3A_117 : i32 to index
        %swap3A_120 = tpu.vector_load %arg5[%swap3A_118, %swap3A_119] {strides = array<i32>} : memref<32x768xf32, #tpu.memory_space<vmem>>, vector<16xf32>,
        tpu.vector_store %arg5[%swap3A_118, %swap3A_119], %broadcast_in_dim3A_101 {strides = array<i32>} : memref<32x768xf32, #tpu.memory_space<vmem>>, vector<16xf32>,
      }
      %scan3A_94 = arith.constant 12 : i32
    }
    %scan3A_11 = arith.constant 32 : i32
    %scan3A_12 = arith.constant 0 : i32
    %scan3A_13 = arith.constant 16 : i32
    %scan3A_14 = arith.addi %scan3A_12, %scan3A_13 : i32
    %scan3A_15 = arith.constant 1 : i32
    scf.for %scan3A_85 = %scan3A_12 to %scan3A_14 step %scan3A_15  : i32 {
      %mul3A_86 = arith.constant 1 : i32
      %mul3A_87 = arith.muli %scan3A_85, %mul3A_86 : i32
      %add3A_88 = arith.constant 0 : i32
      %add3A_89 = arith.addi %add3A_88, %mul3A_87 : i32
      %mul3A_90 = arith.constant 2 : i32
      %mul3A_91 = arith.muli %mul3A_90, %add3A_89 : i32
      %add3A_92 = arith.constant 0 : i32
      %add3A_93 = arith.addi %mul3A_91, %add3A_92 : i32
      %broadcast_in_dim3A_94 = vector.broadcast %add3A_93 : i32 to vector<16xi32>
      %add3A_95 = arith.constant 0 : i32
      %add3A_96 = arith.addi %add3A_95, %add3A_93 : i32
      %get3A = arith.index_cast %add3A_96 : i32 to index
      %get3A_97 = arith.constant 0 : index
      %get3A_98 = tpu.vector_load %arg4[%get3A, %get3A_97] {strides = array<i32>} : memref<128x32xi32, #tpu.memory_space<vmem>>, vector<16xi32>,
      %add3A_99 = arith.constant 0 : i32
      %add3A_100 = arith.addi %add3A_99, %add3A_93 : i32
      %get3A_101 = arith.index_cast %add3A_100 : i32 to index
      %get3A_102 = arith.constant 16 : index
      %get3A_103 = tpu.vector_load %arg4[%get3A_101, %get3A_102] {strides = array<i32>} : memref<128x32xi32, #tpu.memory_space<vmem>>, vector<16xi32>,
      tpu.vector_store_idx %arg5[%broadcast_in_dim3A_94, %get3A_98], %broadcast_in_dim3A_5 {add = true} : memref<32x768xf32, #tpu.memory_space<vmem>>[vector<16xi32>, vector<16xi32>], vector<16xf32>,
      tpu.vector_store_idx %arg5[%broadcast_in_dim3A_94, %get3A_103], %broadcast_in_dim3A_5 {add = true} : memref<32x768xf32, #tpu.memory_space<vmem>>[vector<16xi32>, vector<16xi32>], vector<16xf32>,
      %mul3A_104 = arith.constant 2 : i32
      %mul3A_105 = arith.muli %mul3A_104, %add3A_89 : i32
      %add3A_106 = arith.constant 1 : i32
      %add3A_107 = arith.addi %mul3A_105, %add3A_106 : i32
      %broadcast_in_dim3A_108 = vector.broadcast %add3A_107 : i32 to vector<16xi32>
      %add3A_109 = arith.constant 0 : i32
      %add3A_110 = arith.addi %add3A_109, %add3A_107 : i32
      %get3A_111 = arith.index_cast %add3A_110 : i32 to index
      %get3A_112 = arith.constant 0 : index
      %get3A_113 = tpu.vector_load %arg4[%get3A_111, %get3A_112] {strides = array<i32>} : memref<128x32xi32, #tpu.memory_space<vmem>>, vector<16xi32>,
      %add3A_114 = arith.constant 0 : i32
      %add3A_115 = arith.addi %add3A_114, %add3A_107 : i32
      %get3A_116 = arith.index_cast %add3A_115 : i32 to index
      %get3A_117 = arith.constant 16 : index
      %get3A_118 = tpu.vector_load %arg4[%get3A_116, %get3A_117] {strides = array<i32>} : memref<128x32xi32, #tpu.memory_space<vmem>>, vector<16xi32>,
      tpu.vector_store_idx %arg5[%broadcast_in_dim3A_108, %get3A_113], %broadcast_in_dim3A_5 {add = true} : memref<32x768xf32, #tpu.memory_space<vmem>>[vector<16xi32>, vector<16xi32>], vector<16xf32>,
      tpu.vector_store_idx %arg5[%broadcast_in_dim3A_108, %get3A_118], %broadcast_in_dim3A_5 {add = true} : memref<32x768xf32, #tpu.memory_space<vmem>>[vector<16xi32>, vector<16xi32>], vector<16xf32>,
    }
    %scan3A_16 = arith.constant 16 : i32
    %add3A_17 = arith.constant 0 : i32
    %add3A_18 = arith.addi %mul3A_2, %add3A_17 : i32
    %dma_start3A = arith.constant 0 : i32
    %dma_start3A_19 = tpu.memref_slice %arg3[%add3A_18, %dma_start3A] : memref<4096x768xf32, #tpu.memory_space<hbm>> -> memref<32x768xf32, #tpu.memory_space<hbm>>
    %dma_start3A_20 = arith.constant 0 : i32
    %dma_start3A_21 = tpu.memref_slice %arg3[%add3A_18, %dma_start3A_20] : memref<4096x768xf32, #tpu.memory_space<hbm>> -> memref<32x768xf32, #tpu.memory_space<hbm>>
    tpu.enqueue_dma source(%arg5 : memref<32x768xf32, #tpu.memory_space<vmem>>) target(%dma_start3A_21 : memref<32x768xf32, #tpu.memory_space<hbm>>) target_semaphore(%arg7 : memref<!tpu.dma_semaphore, #tpu.memory_space<semaphore_mem>>)
    %scan3A_22 = arith.constant 0 : i32
    %scan3A_23 = arith.constant 32 : i32
    %scan3A_24 = arith.addi %scan3A_22, %scan3A_23 : i32
    %scan3A_25 = arith.constant 1 : i32
    scf.for %scan3A_85 = %scan3A_22 to %scan3A_24 step %scan3A_25  : i32 {
      %mul3A_86 = arith.constant 1 : i32
      %mul3A_87 = arith.muli %scan3A_85, %mul3A_86 : i32
      %add3A_88 = arith.constant 0 : i32
      %add3A_89 = arith.addi %add3A_88, %mul3A_87 : i32
      %scan3A_90 = arith.constant 0 : i32
      %scan3A_91 = arith.constant 12 : i32
      %scan3A_92 = arith.addi %scan3A_90, %scan3A_91 : i32
      %scan3A_93 = arith.constant 1 : i32
      scf.for %scan3A_95 = %scan3A_90 to %scan3A_92 step %scan3A_93  : i32 {
        %mul3A_96 = arith.constant 64 : i32
        %mul3A_97 = arith.muli %scan3A_95, %mul3A_96 : i32
        %add3A_98 = arith.constant 0 : i32
        %add3A_99 = arith.addi %add3A_98, %mul3A_97 : i32
        %broadcast_in_dim3A_100 = arith.constant 0.000000e+00 : f32
        %broadcast_in_dim3A_101 = vector.broadcast %broadcast_in_dim3A_100 : f32 to vector<16xf32>
        %add3A_102 = arith.constant 0 : i32
        %add3A_103 = arith.addi %add3A_99, %add3A_102 : i32
        %swap3A = arith.index_cast %add3A_89 : i32 to index
        %swap3A_104 = arith.index_cast %add3A_103 : i32 to index
        %swap3A_105 = tpu.vector_load %arg6[%swap3A, %swap3A_104] {strides = array<i32>} : memref<32x768xf32, #tpu.memory_space<vmem>>, vector<16xf32>,
        tpu.vector_store %arg6[%swap3A, %swap3A_104], %broadcast_in_dim3A_101 {strides = array<i32>} : memref<32x768xf32, #tpu.memory_space<vmem>>, vector<16xf32>,
        %add3A_106 = arith.constant 16 : i32
        %add3A_107 = arith.addi %add3A_99, %add3A_106 : i32
        %swap3A_108 = arith.index_cast %add3A_89 : i32 to index
        %swap3A_109 = arith.index_cast %add3A_107 : i32 to index
        %swap3A_110 = tpu.vector_load %arg6[%swap3A_108, %swap3A_109] {strides = array<i32>} : memref<32x768xf32, #tpu.memory_space<vmem>>, vector<16xf32>,
        tpu.vector_store %arg6[%swap3A_108, %swap3A_109], %broadcast_in_dim3A_101 {strides = array<i32>} : memref<32x768xf32, #tpu.memory_space<vmem>>, vector<16xf32>,
        %add3A_111 = arith.constant 32 : i32
        %add3A_112 = arith.addi %add3A_99, %add3A_111 : i32
        %swap3A_113 = arith.index_cast %add3A_89 : i32 to index
        %swap3A_114 = arith.index_cast %add3A_112 : i32 to index
        %swap3A_115 = tpu.vector_load %arg6[%swap3A_113, %swap3A_114] {strides = array<i32>} : memref<32x768xf32, #tpu.memory_space<vmem>>, vector<16xf32>,
        tpu.vector_store %arg6[%swap3A_113, %swap3A_114], %broadcast_in_dim3A_101 {strides = array<i32>} : memref<32x768xf32, #tpu.memory_space<vmem>>, vector<16xf32>,
        %add3A_116 = arith.constant 48 : i32
        %add3A_117 = arith.addi %add3A_99, %add3A_116 : i32
        %swap3A_118 = arith.index_cast %add3A_89 : i32 to index
        %swap3A_119 = arith.index_cast %add3A_117 : i32 to index
        %swap3A_120 = tpu.vector_load %arg6[%swap3A_118, %swap3A_119] {strides = array<i32>} : memref<32x768xf32, #tpu.memory_space<vmem>>, vector<16xf32>,
        tpu.vector_store %arg6[%swap3A_118, %swap3A_119], %broadcast_in_dim3A_101 {strides = array<i32>} : memref<32x768xf32, #tpu.memory_space<vmem>>, vector<16xf32>,
      }
      %scan3A_94 = arith.constant 12 : i32
    }
    %scan3A_26 = arith.constant 32 : i32
    %scan3A_27 = arith.constant 0 : i32
    %scan3A_28 = arith.constant 16 : i32
    %scan3A_29 = arith.addi %scan3A_27, %scan3A_28 : i32
    %scan3A_30 = arith.constant 1 : i32
    scf.for %scan3A_85 = %scan3A_27 to %scan3A_29 step %scan3A_30  : i32 {
      %mul3A_86 = arith.constant 1 : i32
      %mul3A_87 = arith.muli %scan3A_85, %mul3A_86 : i32
      %add3A_88 = arith.constant 0 : i32
      %add3A_89 = arith.addi %add3A_88, %mul3A_87 : i32
      %mul3A_90 = arith.constant 2 : i32
      %mul3A_91 = arith.muli %mul3A_90, %add3A_89 : i32
      %add3A_92 = arith.constant 0 : i32
      %add3A_93 = arith.addi %mul3A_91, %add3A_92 : i32
      %broadcast_in_dim3A_94 = vector.broadcast %add3A_93 : i32 to vector<16xi32>
      %add3A_95 = arith.constant 32 : i32
      %add3A_96 = arith.addi %add3A_95, %add3A_93 : i32
      %get3A = arith.index_cast %add3A_96 : i32 to index
      %get3A_97 = arith.constant 0 : index
      %get3A_98 = tpu.vector_load %arg4[%get3A, %get3A_97] {strides = array<i32>} : memref<128x32xi32, #tpu.memory_space<vmem>>, vector<16xi32>,
      %add3A_99 = arith.constant 32 : i32
      %add3A_100 = arith.addi %add3A_99, %add3A_93 : i32
      %get3A_101 = arith.index_cast %add3A_100 : i32 to index
      %get3A_102 = arith.constant 16 : index
      %get3A_103 = tpu.vector_load %arg4[%get3A_101, %get3A_102] {strides = array<i32>} : memref<128x32xi32, #tpu.memory_space<vmem>>, vector<16xi32>,
      tpu.vector_store_idx %arg6[%broadcast_in_dim3A_94, %get3A_98], %broadcast_in_dim3A_5 {add = true} : memref<32x768xf32, #tpu.memory_space<vmem>>[vector<16xi32>, vector<16xi32>], vector<16xf32>,
      tpu.vector_store_idx %arg6[%broadcast_in_dim3A_94, %get3A_103], %broadcast_in_dim3A_5 {add = true} : memref<32x768xf32, #tpu.memory_space<vmem>>[vector<16xi32>, vector<16xi32>], vector<16xf32>,
      %mul3A_104 = arith.constant 2 : i32
      %mul3A_105 = arith.muli %mul3A_104, %add3A_89 : i32
      %add3A_106 = arith.constant 1 : i32
      %add3A_107 = arith.addi %mul3A_105, %add3A_106 : i32
      %broadcast_in_dim3A_108 = vector.broadcast %add3A_107 : i32 to vector<16xi32>
      %add3A_109 = arith.constant 32 : i32
      %add3A_110 = arith.addi %add3A_109, %add3A_107 : i32
      %get3A_111 = arith.index_cast %add3A_110 : i32 to index
      %get3A_112 = arith.constant 0 : index
      %get3A_113 = tpu.vector_load %arg4[%get3A_111, %get3A_112] {strides = array<i32>} : memref<128x32xi32, #tpu.memory_space<vmem>>, vector<16xi32>,
      %add3A_114 = arith.constant 32 : i32
      %add3A_115 = arith.addi %add3A_114, %add3A_107 : i32
      %get3A_116 = arith.index_cast %add3A_115 : i32 to index
      %get3A_117 = arith.constant 16 : index
      %get3A_118 = tpu.vector_load %arg4[%get3A_116, %get3A_117] {strides = array<i32>} : memref<128x32xi32, #tpu.memory_space<vmem>>, vector<16xi32>,
      tpu.vector_store_idx %arg6[%broadcast_in_dim3A_108, %get3A_113], %broadcast_in_dim3A_5 {add = true} : memref<32x768xf32, #tpu.memory_space<vmem>>[vector<16xi32>, vector<16xi32>], vector<16xf32>,
      tpu.vector_store_idx %arg6[%broadcast_in_dim3A_108, %get3A_118], %broadcast_in_dim3A_5 {add = true} : memref<32x768xf32, #tpu.memory_space<vmem>>[vector<16xi32>, vector<16xi32>], vector<16xf32>,
    }
    %scan3A_31 = arith.constant 16 : i32
    %add3A_32 = arith.constant 32 : i32
    %add3A_33 = arith.addi %mul3A_2, %add3A_32 : i32
    %dma_start3A_34 = arith.constant 0 : i32
    %dma_start3A_35 = tpu.memref_slice %arg3[%add3A_33, %dma_start3A_34] : memref<4096x768xf32, #tpu.memory_space<hbm>> -> memref<32x768xf32, #tpu.memory_space<hbm>>
    %dma_start3A_36 = arith.constant 0 : i32
    %dma_start3A_37 = tpu.memref_slice %arg3[%add3A_33, %dma_start3A_36] : memref<4096x768xf32, #tpu.memory_space<hbm>> -> memref<32x768xf32, #tpu.memory_space<hbm>>
    tpu.enqueue_dma source(%arg6 : memref<32x768xf32, #tpu.memory_space<vmem>>) target(%dma_start3A_37 : memref<32x768xf32, #tpu.memory_space<hbm>>) target_semaphore(%arg8 : memref<!tpu.dma_semaphore, #tpu.memory_space<semaphore_mem>>)
    %dma_wait3A = arith.constant 0 : i32
    %dma_wait3A_38 = tpu.memref_slice %arg3[%add3A_18, %dma_wait3A] : memref<4096x768xf32, #tpu.memory_space<hbm>> -> memref<32x768xf32, #tpu.memory_space<hbm>>
    %dma_wait3A_39 = arith.constant 0 : i32
    %dma_wait3A_40 = tpu.memref_slice %arg3[%add3A_18, %dma_wait3A_39] : memref<4096x768xf32, #tpu.memory_space<hbm>> -> memref<32x768xf32, #tpu.memory_space<hbm>>
    tpu.wait_dma2 semaphore(%arg7 : memref<!tpu.dma_semaphore, #tpu.memory_space<semaphore_mem>>) src(%arg5 : memref<32x768xf32, #tpu.memory_space<vmem>>) dst(%dma_wait3A_40 : memref<32x768xf32, #tpu.memory_space<hbm>>)
    %scan3A_41 = arith.constant 0 : i32
    %scan3A_42 = arith.constant 32 : i32
    %scan3A_43 = arith.addi %scan3A_41, %scan3A_42 : i32
    %scan3A_44 = arith.constant 1 : i32
    scf.for %scan3A_85 = %scan3A_41 to %scan3A_43 step %scan3A_44  : i32 {
      %mul3A_86 = arith.constant 1 : i32
      %mul3A_87 = arith.muli %scan3A_85, %mul3A_86 : i32
      %add3A_88 = arith.constant 0 : i32
      %add3A_89 = arith.addi %add3A_88, %mul3A_87 : i32
      %broadcast_in_dim3A_90 = vector.broadcast %add3A_89 : i32 to vector<16xi32>
      %add3A_91 = arith.constant 0 : i32
      %add3A_92 = arith.addi %add3A_91, %add3A_89 : i32
      %get3A = arith.index_cast %add3A_92 : i32 to index
      %get3A_93 = arith.constant 0 : index
      %get3A_94 = tpu.vector_load %arg4[%get3A, %get3A_93] {strides = array<i32>} : memref<128x32xi32, #tpu.memory_space<vmem>>, vector<16xi32>,
      %add3A_95 = arith.constant 0 : i32
      %add3A_96 = arith.addi %add3A_95, %add3A_89 : i32
      %get3A_97 = arith.index_cast %add3A_96 : i32 to index
      %get3A_98 = arith.constant 16 : index
      %get3A_99 = tpu.vector_load %arg4[%get3A_97, %get3A_98] {strides = array<i32>} : memref<128x32xi32, #tpu.memory_space<vmem>>, vector<16xi32>,
      tpu.vector_store_idx %arg5[%broadcast_in_dim3A_90, %get3A_94], %broadcast_in_dim3A_7 : memref<32x768xf32, #tpu.memory_space<vmem>>[vector<16xi32>, vector<16xi32>], vector<16xf32>,
      tpu.vector_store_idx %arg5[%broadcast_in_dim3A_90, %get3A_99], %broadcast_in_dim3A_7 : memref<32x768xf32, #tpu.memory_space<vmem>>[vector<16xi32>, vector<16xi32>], vector<16xf32>,
    }
    %scan3A_45 = arith.constant 32 : i32
    %scan3A_46 = arith.constant 0 : i32
    %scan3A_47 = arith.constant 16 : i32
    %scan3A_48 = arith.addi %scan3A_46, %scan3A_47 : i32
    %scan3A_49 = arith.constant 1 : i32
    scf.for %scan3A_85 = %scan3A_46 to %scan3A_48 step %scan3A_49  : i32 {
      %mul3A_86 = arith.constant 1 : i32
      %mul3A_87 = arith.muli %scan3A_85, %mul3A_86 : i32
      %add3A_88 = arith.constant 0 : i32
      %add3A_89 = arith.addi %add3A_88, %mul3A_87 : i32
      %mul3A_90 = arith.constant 2 : i32
      %mul3A_91 = arith.muli %mul3A_90, %add3A_89 : i32
      %add3A_92 = arith.constant 0 : i32
      %add3A_93 = arith.addi %mul3A_91, %add3A_92 : i32
      %broadcast_in_dim3A_94 = vector.broadcast %add3A_93 : i32 to vector<16xi32>
      %add3A_95 = arith.constant 64 : i32
      %add3A_96 = arith.addi %add3A_95, %add3A_93 : i32
      %get3A = arith.index_cast %add3A_96 : i32 to index
      %get3A_97 = arith.constant 0 : index
      %get3A_98 = tpu.vector_load %arg4[%get3A, %get3A_97] {strides = array<i32>} : memref<128x32xi32, #tpu.memory_space<vmem>>, vector<16xi32>,
      %add3A_99 = arith.constant 64 : i32
      %add3A_100 = arith.addi %add3A_99, %add3A_93 : i32
      %get3A_101 = arith.index_cast %add3A_100 : i32 to index
      %get3A_102 = arith.constant 16 : index
      %get3A_103 = tpu.vector_load %arg4[%get3A_101, %get3A_102] {strides = array<i32>} : memref<128x32xi32, #tpu.memory_space<vmem>>, vector<16xi32>,
      tpu.vector_store_idx %arg5[%broadcast_in_dim3A_94, %get3A_98], %broadcast_in_dim3A_5 {add = true} : memref<32x768xf32, #tpu.memory_space<vmem>>[vector<16xi32>, vector<16xi32>], vector<16xf32>,
      tpu.vector_store_idx %arg5[%broadcast_in_dim3A_94, %get3A_103], %broadcast_in_dim3A_5 {add = true} : memref<32x768xf32, #tpu.memory_space<vmem>>[vector<16xi32>, vector<16xi32>], vector<16xf32>,
      %mul3A_104 = arith.constant 2 : i32
      %mul3A_105 = arith.muli %mul3A_104, %add3A_89 : i32
      %add3A_106 = arith.constant 1 : i32
      %add3A_107 = arith.addi %mul3A_105, %add3A_106 : i32
      %broadcast_in_dim3A_108 = vector.broadcast %add3A_107 : i32 to vector<16xi32>
      %add3A_109 = arith.constant 64 : i32
      %add3A_110 = arith.addi %add3A_109, %add3A_107 : i32
      %get3A_111 = arith.index_cast %add3A_110 : i32 to index
      %get3A_112 = arith.constant 0 : index
      %get3A_113 = tpu.vector_load %arg4[%get3A_111, %get3A_112] {strides = array<i32>} : memref<128x32xi32, #tpu.memory_space<vmem>>, vector<16xi32>,
      %add3A_114 = arith.constant 64 : i32
      %add3A_115 = arith.addi %add3A_114, %add3A_107 : i32
      %get3A_116 = arith.index_cast %add3A_115 : i32 to index
      %get3A_117 = arith.constant 16 : index
      %get3A_118 = tpu.vector_load %arg4[%get3A_116, %get3A_117] {strides = array<i32>} : memref<128x32xi32, #tpu.memory_space<vmem>>, vector<16xi32>,
      tpu.vector_store_idx %arg5[%broadcast_in_dim3A_108, %get3A_113], %broadcast_in_dim3A_5 {add = true} : memref<32x768xf32, #tpu.memory_space<vmem>>[vector<16xi32>, vector<16xi32>], vector<16xf32>,
      tpu.vector_store_idx %arg5[%broadcast_in_dim3A_108, %get3A_118], %broadcast_in_dim3A_5 {add = true} : memref<32x768xf32, #tpu.memory_space<vmem>>[vector<16xi32>, vector<16xi32>], vector<16xf32>,
    }
    %scan3A_50 = arith.constant 16 : i32
    %add3A_51 = arith.constant 64 : i32
    %add3A_52 = arith.addi %mul3A_2, %add3A_51 : i32
    %dma_start3A_53 = arith.constant 0 : i32
    %dma_start3A_54 = tpu.memref_slice %arg3[%add3A_52, %dma_start3A_53] : memref<4096x768xf32, #tpu.memory_space<hbm>> -> memref<32x768xf32, #tpu.memory_space<hbm>>
    %dma_start3A_55 = arith.constant 0 : i32
    %dma_start3A_56 = tpu.memref_slice %arg3[%add3A_52, %dma_start3A_55] : memref<4096x768xf32, #tpu.memory_space<hbm>> -> memref<32x768xf32, #tpu.memory_space<hbm>>
    tpu.enqueue_dma source(%arg5 : memref<32x768xf32, #tpu.memory_space<vmem>>) target(%dma_start3A_56 : memref<32x768xf32, #tpu.memory_space<hbm>>) target_semaphore(%arg7 : memref<!tpu.dma_semaphore, #tpu.memory_space<semaphore_mem>>)
    %dma_wait3A_57 = arith.constant 0 : i32
    %dma_wait3A_58 = tpu.memref_slice %arg3[%add3A_33, %dma_wait3A_57] : memref<4096x768xf32, #tpu.memory_space<hbm>> -> memref<32x768xf32, #tpu.memory_space<hbm>>
    %dma_wait3A_59 = arith.constant 0 : i32
    %dma_wait3A_60 = tpu.memref_slice %arg3[%add3A_33, %dma_wait3A_59] : memref<4096x768xf32, #tpu.memory_space<hbm>> -> memref<32x768xf32, #tpu.memory_space<hbm>>
    tpu.wait_dma2 semaphore(%arg8 : memref<!tpu.dma_semaphore, #tpu.memory_space<semaphore_mem>>) src(%arg6 : memref<32x768xf32, #tpu.memory_space<vmem>>) dst(%dma_wait3A_60 : memref<32x768xf32, #tpu.memory_space<hbm>>)
    %scan3A_61 = arith.constant 0 : i32
    %scan3A_62 = arith.constant 32 : i32
    %scan3A_63 = arith.addi %scan3A_61, %scan3A_62 : i32
    %scan3A_64 = arith.constant 1 : i32
    scf.for %scan3A_85 = %scan3A_61 to %scan3A_63 step %scan3A_64  : i32 {
      %mul3A_86 = arith.constant 1 : i32
      %mul3A_87 = arith.muli %scan3A_85, %mul3A_86 : i32
      %add3A_88 = arith.constant 0 : i32
      %add3A_89 = arith.addi %add3A_88, %mul3A_87 : i32
      %broadcast_in_dim3A_90 = vector.broadcast %add3A_89 : i32 to vector<16xi32>
      %add3A_91 = arith.constant 32 : i32
      %add3A_92 = arith.addi %add3A_91, %add3A_89 : i32
      %get3A = arith.index_cast %add3A_92 : i32 to index
      %get3A_93 = arith.constant 0 : index
      %get3A_94 = tpu.vector_load %arg4[%get3A, %get3A_93] {strides = array<i32>} : memref<128x32xi32, #tpu.memory_space<vmem>>, vector<16xi32>,
      %add3A_95 = arith.constant 32 : i32
      %add3A_96 = arith.addi %add3A_95, %add3A_89 : i32
      %get3A_97 = arith.index_cast %add3A_96 : i32 to index
      %get3A_98 = arith.constant 16 : index
      %get3A_99 = tpu.vector_load %arg4[%get3A_97, %get3A_98] {strides = array<i32>} : memref<128x32xi32, #tpu.memory_space<vmem>>, vector<16xi32>,
      tpu.vector_store_idx %arg6[%broadcast_in_dim3A_90, %get3A_94], %broadcast_in_dim3A_7 : memref<32x768xf32, #tpu.memory_space<vmem>>[vector<16xi32>, vector<16xi32>], vector<16xf32>,
      tpu.vector_store_idx %arg6[%broadcast_in_dim3A_90, %get3A_99], %broadcast_in_dim3A_7 : memref<32x768xf32, #tpu.memory_space<vmem>>[vector<16xi32>, vector<16xi32>], vector<16xf32>,
    }
    %scan3A_65 = arith.constant 32 : i32
    %scan3A_66 = arith.constant 0 : i32
    %scan3A_67 = arith.constant 16 : i32
    %scan3A_68 = arith.addi %scan3A_66, %scan3A_67 : i32
    %scan3A_69 = arith.constant 1 : i32
    scf.for %scan3A_85 = %scan3A_66 to %scan3A_68 step %scan3A_69  : i32 {
      %mul3A_86 = arith.constant 1 : i32
      %mul3A_87 = arith.muli %scan3A_85, %mul3A_86 : i32
      %add3A_88 = arith.constant 0 : i32
      %add3A_89 = arith.addi %add3A_88, %mul3A_87 : i32
      %mul3A_90 = arith.constant 2 : i32
      %mul3A_91 = arith.muli %mul3A_90, %add3A_89 : i32
      %add3A_92 = arith.constant 0 : i32
      %add3A_93 = arith.addi %mul3A_91, %add3A_92 : i32
      %broadcast_in_dim3A_94 = vector.broadcast %add3A_93 : i32 to vector<16xi32>
      %add3A_95 = arith.constant 96 : i32
      %add3A_96 = arith.addi %add3A_95, %add3A_93 : i32
      %get3A = arith.index_cast %add3A_96 : i32 to index
      %get3A_97 = arith.constant 0 : index
      %get3A_98 = tpu.vector_load %arg4[%get3A, %get3A_97] {strides = array<i32>} : memref<128x32xi32, #tpu.memory_space<vmem>>, vector<16xi32>,
      %add3A_99 = arith.constant 96 : i32
      %add3A_100 = arith.addi %add3A_99, %add3A_93 : i32
      %get3A_101 = arith.index_cast %add3A_100 : i32 to index
      %get3A_102 = arith.constant 16 : index
      %get3A_103 = tpu.vector_load %arg4[%get3A_101, %get3A_102] {strides = array<i32>} : memref<128x32xi32, #tpu.memory_space<vmem>>, vector<16xi32>,
      tpu.vector_store_idx %arg6[%broadcast_in_dim3A_94, %get3A_98], %broadcast_in_dim3A_5 {add = true} : memref<32x768xf32, #tpu.memory_space<vmem>>[vector<16xi32>, vector<16xi32>], vector<16xf32>,
      tpu.vector_store_idx %arg6[%broadcast_in_dim3A_94, %get3A_103], %broadcast_in_dim3A_5 {add = true} : memref<32x768xf32, #tpu.memory_space<vmem>>[vector<16xi32>, vector<16xi32>], vector<16xf32>,
      %mul3A_104 = arith.constant 2 : i32
      %mul3A_105 = arith.muli %mul3A_104, %add3A_89 : i32
      %add3A_106 = arith.constant 1 : i32
      %add3A_107 = arith.addi %mul3A_105, %add3A_106 : i32
      %broadcast_in_dim3A_108 = vector.broadcast %add3A_107 : i32 to vector<16xi32>
      %add3A_109 = arith.constant 96 : i32
      %add3A_110 = arith.addi %add3A_109, %add3A_107 : i32
      %get3A_111 = arith.index_cast %add3A_110 : i32 to index
      %get3A_112 = arith.constant 0 : index
      %get3A_113 = tpu.vector_load %arg4[%get3A_111, %get3A_112] {strides = array<i32>} : memref<128x32xi32, #tpu.memory_space<vmem>>, vector<16xi32>,
      %add3A_114 = arith.constant 96 : i32
      %add3A_115 = arith.addi %add3A_114, %add3A_107 : i32
      %get3A_116 = arith.index_cast %add3A_115 : i32 to index
      %get3A_117 = arith.constant 16 : index
      %get3A_118 = tpu.vector_load %arg4[%get3A_116, %get3A_117] {strides = array<i32>} : memref<128x32xi32, #tpu.memory_space<vmem>>, vector<16xi32>,
      tpu.vector_store_idx %arg6[%broadcast_in_dim3A_108, %get3A_113], %broadcast_in_dim3A_5 {add = true} : memref<32x768xf32, #tpu.memory_space<vmem>>[vector<16xi32>, vector<16xi32>], vector<16xf32>,
      tpu.vector_store_idx %arg6[%broadcast_in_dim3A_108, %get3A_118], %broadcast_in_dim3A_5 {add = true} : memref<32x768xf32, #tpu.memory_space<vmem>>[vector<16xi32>, vector<16xi32>], vector<16xf32>,
    }
    %scan3A_70 = arith.constant 16 : i32
    %add3A_71 = arith.constant 96 : i32
    %add3A_72 = arith.addi %mul3A_2, %add3A_71 : i32
    %dma_start3A_73 = arith.constant 0 : i32
    %dma_start3A_74 = tpu.memref_slice %arg3[%add3A_72, %dma_start3A_73] : memref<4096x768xf32, #tpu.memory_space<hbm>> -> memref<32x768xf32, #tpu.memory_space<hbm>>
    %dma_start3A_75 = arith.constant 0 : i32
    %dma_start3A_76 = tpu.memref_slice %arg3[%add3A_72, %dma_start3A_75] : memref<4096x768xf32, #tpu.memory_space<hbm>> -> memref<32x768xf32, #tpu.memory_space<hbm>>
    tpu.enqueue_dma source(%arg6 : memref<32x768xf32, #tpu.memory_space<vmem>>) target(%dma_start3A_76 : memref<32x768xf32, #tpu.memory_space<hbm>>) target_semaphore(%arg8 : memref<!tpu.dma_semaphore, #tpu.memory_space<semaphore_mem>>)
    %dma_wait3A_77 = arith.constant 0 : i32
    %dma_wait3A_78 = tpu.memref_slice %arg3[%add3A_52, %dma_wait3A_77] : memref<4096x768xf32, #tpu.memory_space<hbm>> -> memref<32x768xf32, #tpu.memory_space<hbm>>
    %dma_wait3A_79 = arith.constant 0 : i32
    %dma_wait3A_80 = tpu.memref_slice %arg3[%add3A_52, %dma_wait3A_79] : memref<4096x768xf32, #tpu.memory_space<hbm>> -> memref<32x768xf32, #tpu.memory_space<hbm>>
    tpu.wait_dma2 semaphore(%arg7 : memref<!tpu.dma_semaphore, #tpu.memory_space<semaphore_mem>>) src(%arg5 : memref<32x768xf32, #tpu.memory_space<vmem>>) dst(%dma_wait3A_80 : memref<32x768xf32, #tpu.memory_space<hbm>>)
    %dma_wait3A_81 = arith.constant 0 : i32
    %dma_wait3A_82 = tpu.memref_slice %arg3[%add3A_72, %dma_wait3A_81] : memref<4096x768xf32, #tpu.memory_space<hbm>> -> memref<32x768xf32, #tpu.memory_space<hbm>>
    %dma_wait3A_83 = arith.constant 0 : i32
    %dma_wait3A_84 = tpu.memref_slice %arg3[%add3A_72, %dma_wait3A_83] : memref<4096x768xf32, #tpu.memory_space<hbm>> -> memref<32x768xf32, #tpu.memory_space<hbm>>
    tpu.wait_dma2 semaphore(%arg8 : memref<!tpu.dma_semaphore, #tpu.memory_space<semaphore_mem>>) src(%arg6 : memref<32x768xf32, #tpu.memory_space<vmem>>) dst(%dma_wait3A_84 : memref<32x768xf32, #tpu.memory_space<hbm>>)
    return
  }
}

#map = affine_map<(d0, d1) -> (0, 0)>
module attributes {stable_mosaic.version = 14 : i64} {
  func.func @_sc_hist_body(%arg0: i32, %arg1: i32, %arg2: memref<16384x32xi32, #tpu.memory_space<hbm>>, %arg3: memref<4096x768xf32, #tpu.memory_space<hbm>>, %arg4: memref<128x32xi32, #tpu.memory_space<vmem>>, %arg5: memref<32x768xf32, #tpu.memory_space<vmem>>, %arg6: memref<32x768xf32, #tpu.memory_space<vmem>>, %arg7: memref<!tpu.dma_semaphore, #tpu.memory_space<semaphore_mem>>, %arg8: memref<!tpu.dma_semaphore, #tpu.memory_space<semaphore_mem>>) attributes {dimension_semantics = [#tpu.dimension_semantics<core_parallel>, #tpu.dimension_semantics<subcore_parallel>], iteration_bounds = array<i64: 2, 16>, scalar_prefetch = 0 : i64, scratch_operands = 5 : i64, tpu.core_type = #tpu.core_type<sc_vector_subcore>, window_params = [{transform_indices = #map}, {transform_indices = #map}]} {
    %mul3A = arith.constant 2 : i32
    %mul3A_0 = arith.muli %arg1, %mul3A : i32
    %add3A = arith.addi %mul3A_0, %arg0 : i32
    %mul3A_1 = arith.constant 128 : i32
    %mul3A_2 = arith.muli %add3A, %mul3A_1 : i32
    %add3A_3 = arith.constant 12288 : i32
    %add3A_4 = arith.addi %add3A_3, %mul3A_2 : i32
    "tpu.region"() ({
      %run_scoped3A = tpu.sem_alloc : memref<!tpu.dma_semaphore, #tpu.memory_space<semaphore_mem>>
      %dma_start3A_85 = arith.constant 0 : i32
      %dma_start3A_86 = tpu.memref_slice %arg2[%add3A_4, %dma_start3A_85] : memref<16384x32xi32, #tpu.memory_space<hbm>> -> memref<128x32xi32, #tpu.memory_space<hbm>>
      %dma_start3A_87 = arith.constant 0 : i32
      %dma_start3A_88 = tpu.memref_slice %arg2[%add3A_4, %dma_start3A_87] : memref<16384x32xi32, #tpu.memory_space<hbm>> -> memref<128x32xi32, #tpu.memory_space<hbm>>
      tpu.enqueue_dma source(%dma_start3A_88 : memref<128x32xi32, #tpu.memory_space<hbm>>) target(%arg4 : memref<128x32xi32, #tpu.memory_space<vmem>>) target_semaphore(%run_scoped3A : memref<!tpu.dma_semaphore, #tpu.memory_space<semaphore_mem>>)
      %dma_wait3A_89 = arith.constant 0 : i32
      %dma_wait3A_90 = tpu.memref_slice %arg2[%add3A_4, %dma_wait3A_89] : memref<16384x32xi32, #tpu.memory_space<hbm>> -> memref<128x32xi32, #tpu.memory_space<hbm>>
      %dma_wait3A_91 = arith.constant 0 : i32
      %dma_wait3A_92 = tpu.memref_slice %arg2[%add3A_4, %dma_wait3A_91] : memref<16384x32xi32, #tpu.memory_space<hbm>> -> memref<128x32xi32, #tpu.memory_space<hbm>>
      tpu.wait_dma2 semaphore(%run_scoped3A : memref<!tpu.dma_semaphore, #tpu.memory_space<semaphore_mem>>) src(%dma_wait3A_92 : memref<128x32xi32, #tpu.memory_space<hbm>>) dst(%arg4 : memref<128x32xi32, #tpu.memory_space<vmem>>)
      tpu.yield
    }) : () -> ()
    %broadcast_in_dim3A = arith.constant 1.000000e+00 : f32
    %broadcast_in_dim3A_5 = vector.broadcast %broadcast_in_dim3A : f32 to vector<16xf32>
    %broadcast_in_dim3A_6 = arith.constant 0.000000e+00 : f32
    %broadcast_in_dim3A_7 = vector.broadcast %broadcast_in_dim3A_6 : f32 to vector<16xf32>
    %scan3A = arith.constant 0 : i32
    %scan3A_8 = arith.constant 32 : i32
    %scan3A_9 = arith.addi %scan3A, %scan3A_8 : i32
    %scan3A_10 = arith.constant 1 : i32
    scf.for %scan3A_85 = %scan3A to %scan3A_9 step %scan3A_10  : i32 {
      %mul3A_86 = arith.constant 1 : i32
      %mul3A_87 = arith.muli %scan3A_85, %mul3A_86 : i32
      %add3A_88 = arith.constant 0 : i32
      %add3A_89 = arith.addi %add3A_88, %mul3A_87 : i32
      %scan3A_90 = arith.constant 0 : i32
      %scan3A_91 = arith.constant 12 : i32
      %scan3A_92 = arith.addi %scan3A_90, %scan3A_91 : i32
      %scan3A_93 = arith.constant 1 : i32
      scf.for %scan3A_95 = %scan3A_90 to %scan3A_92 step %scan3A_93  : i32 {
        %mul3A_96 = arith.constant 64 : i32
        %mul3A_97 = arith.muli %scan3A_95, %mul3A_96 : i32
        %add3A_98 = arith.constant 0 : i32
        %add3A_99 = arith.addi %add3A_98, %mul3A_97 : i32
        %broadcast_in_dim3A_100 = arith.constant 0.000000e+00 : f32
        %broadcast_in_dim3A_101 = vector.broadcast %broadcast_in_dim3A_100 : f32 to vector<16xf32>
        %add3A_102 = arith.constant 0 : i32
        %add3A_103 = arith.addi %add3A_99, %add3A_102 : i32
        %swap3A = arith.index_cast %add3A_89 : i32 to index
        %swap3A_104 = arith.index_cast %add3A_103 : i32 to index
        %swap3A_105 = tpu.vector_load %arg5[%swap3A, %swap3A_104] {strides = array<i32>} : memref<32x768xf32, #tpu.memory_space<vmem>>, vector<16xf32>,
        tpu.vector_store %arg5[%swap3A, %swap3A_104], %broadcast_in_dim3A_101 {strides = array<i32>} : memref<32x768xf32, #tpu.memory_space<vmem>>, vector<16xf32>,
        %add3A_106 = arith.constant 16 : i32
        %add3A_107 = arith.addi %add3A_99, %add3A_106 : i32
        %swap3A_108 = arith.index_cast %add3A_89 : i32 to index
        %swap3A_109 = arith.index_cast %add3A_107 : i32 to index
        %swap3A_110 = tpu.vector_load %arg5[%swap3A_108, %swap3A_109] {strides = array<i32>} : memref<32x768xf32, #tpu.memory_space<vmem>>, vector<16xf32>,
        tpu.vector_store %arg5[%swap3A_108, %swap3A_109], %broadcast_in_dim3A_101 {strides = array<i32>} : memref<32x768xf32, #tpu.memory_space<vmem>>, vector<16xf32>,
        %add3A_111 = arith.constant 32 : i32
        %add3A_112 = arith.addi %add3A_99, %add3A_111 : i32
        %swap3A_113 = arith.index_cast %add3A_89 : i32 to index
        %swap3A_114 = arith.index_cast %add3A_112 : i32 to index
        %swap3A_115 = tpu.vector_load %arg5[%swap3A_113, %swap3A_114] {strides = array<i32>} : memref<32x768xf32, #tpu.memory_space<vmem>>, vector<16xf32>,
        tpu.vector_store %arg5[%swap3A_113, %swap3A_114], %broadcast_in_dim3A_101 {strides = array<i32>} : memref<32x768xf32, #tpu.memory_space<vmem>>, vector<16xf32>,
        %add3A_116 = arith.constant 48 : i32
        %add3A_117 = arith.addi %add3A_99, %add3A_116 : i32
        %swap3A_118 = arith.index_cast %add3A_89 : i32 to index
        %swap3A_119 = arith.index_cast %add3A_117 : i32 to index
        %swap3A_120 = tpu.vector_load %arg5[%swap3A_118, %swap3A_119] {strides = array<i32>} : memref<32x768xf32, #tpu.memory_space<vmem>>, vector<16xf32>,
        tpu.vector_store %arg5[%swap3A_118, %swap3A_119], %broadcast_in_dim3A_101 {strides = array<i32>} : memref<32x768xf32, #tpu.memory_space<vmem>>, vector<16xf32>,
      }
      %scan3A_94 = arith.constant 12 : i32
    }
    %scan3A_11 = arith.constant 32 : i32
    %scan3A_12 = arith.constant 0 : i32
    %scan3A_13 = arith.constant 16 : i32
    %scan3A_14 = arith.addi %scan3A_12, %scan3A_13 : i32
    %scan3A_15 = arith.constant 1 : i32
    scf.for %scan3A_85 = %scan3A_12 to %scan3A_14 step %scan3A_15  : i32 {
      %mul3A_86 = arith.constant 1 : i32
      %mul3A_87 = arith.muli %scan3A_85, %mul3A_86 : i32
      %add3A_88 = arith.constant 0 : i32
      %add3A_89 = arith.addi %add3A_88, %mul3A_87 : i32
      %mul3A_90 = arith.constant 2 : i32
      %mul3A_91 = arith.muli %mul3A_90, %add3A_89 : i32
      %add3A_92 = arith.constant 0 : i32
      %add3A_93 = arith.addi %mul3A_91, %add3A_92 : i32
      %broadcast_in_dim3A_94 = vector.broadcast %add3A_93 : i32 to vector<16xi32>
      %add3A_95 = arith.constant 0 : i32
      %add3A_96 = arith.addi %add3A_95, %add3A_93 : i32
      %get3A = arith.index_cast %add3A_96 : i32 to index
      %get3A_97 = arith.constant 0 : index
      %get3A_98 = tpu.vector_load %arg4[%get3A, %get3A_97] {strides = array<i32>} : memref<128x32xi32, #tpu.memory_space<vmem>>, vector<16xi32>,
      %add3A_99 = arith.constant 0 : i32
      %add3A_100 = arith.addi %add3A_99, %add3A_93 : i32
      %get3A_101 = arith.index_cast %add3A_100 : i32 to index
      %get3A_102 = arith.constant 16 : index
      %get3A_103 = tpu.vector_load %arg4[%get3A_101, %get3A_102] {strides = array<i32>} : memref<128x32xi32, #tpu.memory_space<vmem>>, vector<16xi32>,
      tpu.vector_store_idx %arg5[%broadcast_in_dim3A_94, %get3A_98], %broadcast_in_dim3A_5 {add = true} : memref<32x768xf32, #tpu.memory_space<vmem>>[vector<16xi32>, vector<16xi32>], vector<16xf32>,
      tpu.vector_store_idx %arg5[%broadcast_in_dim3A_94, %get3A_103], %broadcast_in_dim3A_5 {add = true} : memref<32x768xf32, #tpu.memory_space<vmem>>[vector<16xi32>, vector<16xi32>], vector<16xf32>,
      %mul3A_104 = arith.constant 2 : i32
      %mul3A_105 = arith.muli %mul3A_104, %add3A_89 : i32
      %add3A_106 = arith.constant 1 : i32
      %add3A_107 = arith.addi %mul3A_105, %add3A_106 : i32
      %broadcast_in_dim3A_108 = vector.broadcast %add3A_107 : i32 to vector<16xi32>
      %add3A_109 = arith.constant 0 : i32
      %add3A_110 = arith.addi %add3A_109, %add3A_107 : i32
      %get3A_111 = arith.index_cast %add3A_110 : i32 to index
      %get3A_112 = arith.constant 0 : index
      %get3A_113 = tpu.vector_load %arg4[%get3A_111, %get3A_112] {strides = array<i32>} : memref<128x32xi32, #tpu.memory_space<vmem>>, vector<16xi32>,
      %add3A_114 = arith.constant 0 : i32
      %add3A_115 = arith.addi %add3A_114, %add3A_107 : i32
      %get3A_116 = arith.index_cast %add3A_115 : i32 to index
      %get3A_117 = arith.constant 16 : index
      %get3A_118 = tpu.vector_load %arg4[%get3A_116, %get3A_117] {strides = array<i32>} : memref<128x32xi32, #tpu.memory_space<vmem>>, vector<16xi32>,
      tpu.vector_store_idx %arg5[%broadcast_in_dim3A_108, %get3A_113], %broadcast_in_dim3A_5 {add = true} : memref<32x768xf32, #tpu.memory_space<vmem>>[vector<16xi32>, vector<16xi32>], vector<16xf32>,
      tpu.vector_store_idx %arg5[%broadcast_in_dim3A_108, %get3A_118], %broadcast_in_dim3A_5 {add = true} : memref<32x768xf32, #tpu.memory_space<vmem>>[vector<16xi32>, vector<16xi32>], vector<16xf32>,
    }
    %scan3A_16 = arith.constant 16 : i32
    %add3A_17 = arith.constant 0 : i32
    %add3A_18 = arith.addi %mul3A_2, %add3A_17 : i32
    %dma_start3A = arith.constant 0 : i32
    %dma_start3A_19 = tpu.memref_slice %arg3[%add3A_18, %dma_start3A] : memref<4096x768xf32, #tpu.memory_space<hbm>> -> memref<32x768xf32, #tpu.memory_space<hbm>>
    %dma_start3A_20 = arith.constant 0 : i32
    %dma_start3A_21 = tpu.memref_slice %arg3[%add3A_18, %dma_start3A_20] : memref<4096x768xf32, #tpu.memory_space<hbm>> -> memref<32x768xf32, #tpu.memory_space<hbm>>
    tpu.enqueue_dma source(%arg5 : memref<32x768xf32, #tpu.memory_space<vmem>>) target(%dma_start3A_21 : memref<32x768xf32, #tpu.memory_space<hbm>>) target_semaphore(%arg7 : memref<!tpu.dma_semaphore, #tpu.memory_space<semaphore_mem>>)
    %scan3A_22 = arith.constant 0 : i32
    %scan3A_23 = arith.constant 32 : i32
    %scan3A_24 = arith.addi %scan3A_22, %scan3A_23 : i32
    %scan3A_25 = arith.constant 1 : i32
    scf.for %scan3A_85 = %scan3A_22 to %scan3A_24 step %scan3A_25  : i32 {
      %mul3A_86 = arith.constant 1 : i32
      %mul3A_87 = arith.muli %scan3A_85, %mul3A_86 : i32
      %add3A_88 = arith.constant 0 : i32
      %add3A_89 = arith.addi %add3A_88, %mul3A_87 : i32
      %scan3A_90 = arith.constant 0 : i32
      %scan3A_91 = arith.constant 12 : i32
      %scan3A_92 = arith.addi %scan3A_90, %scan3A_91 : i32
      %scan3A_93 = arith.constant 1 : i32
      scf.for %scan3A_95 = %scan3A_90 to %scan3A_92 step %scan3A_93  : i32 {
        %mul3A_96 = arith.constant 64 : i32
        %mul3A_97 = arith.muli %scan3A_95, %mul3A_96 : i32
        %add3A_98 = arith.constant 0 : i32
        %add3A_99 = arith.addi %add3A_98, %mul3A_97 : i32
        %broadcast_in_dim3A_100 = arith.constant 0.000000e+00 : f32
        %broadcast_in_dim3A_101 = vector.broadcast %broadcast_in_dim3A_100 : f32 to vector<16xf32>
        %add3A_102 = arith.constant 0 : i32
        %add3A_103 = arith.addi %add3A_99, %add3A_102 : i32
        %swap3A = arith.index_cast %add3A_89 : i32 to index
        %swap3A_104 = arith.index_cast %add3A_103 : i32 to index
        %swap3A_105 = tpu.vector_load %arg6[%swap3A, %swap3A_104] {strides = array<i32>} : memref<32x768xf32, #tpu.memory_space<vmem>>, vector<16xf32>,
        tpu.vector_store %arg6[%swap3A, %swap3A_104], %broadcast_in_dim3A_101 {strides = array<i32>} : memref<32x768xf32, #tpu.memory_space<vmem>>, vector<16xf32>,
        %add3A_106 = arith.constant 16 : i32
        %add3A_107 = arith.addi %add3A_99, %add3A_106 : i32
        %swap3A_108 = arith.index_cast %add3A_89 : i32 to index
        %swap3A_109 = arith.index_cast %add3A_107 : i32 to index
        %swap3A_110 = tpu.vector_load %arg6[%swap3A_108, %swap3A_109] {strides = array<i32>} : memref<32x768xf32, #tpu.memory_space<vmem>>, vector<16xf32>,
        tpu.vector_store %arg6[%swap3A_108, %swap3A_109], %broadcast_in_dim3A_101 {strides = array<i32>} : memref<32x768xf32, #tpu.memory_space<vmem>>, vector<16xf32>,
        %add3A_111 = arith.constant 32 : i32
        %add3A_112 = arith.addi %add3A_99, %add3A_111 : i32
        %swap3A_113 = arith.index_cast %add3A_89 : i32 to index
        %swap3A_114 = arith.index_cast %add3A_112 : i32 to index
        %swap3A_115 = tpu.vector_load %arg6[%swap3A_113, %swap3A_114] {strides = array<i32>} : memref<32x768xf32, #tpu.memory_space<vmem>>, vector<16xf32>,
        tpu.vector_store %arg6[%swap3A_113, %swap3A_114], %broadcast_in_dim3A_101 {strides = array<i32>} : memref<32x768xf32, #tpu.memory_space<vmem>>, vector<16xf32>,
        %add3A_116 = arith.constant 48 : i32
        %add3A_117 = arith.addi %add3A_99, %add3A_116 : i32
        %swap3A_118 = arith.index_cast %add3A_89 : i32 to index
        %swap3A_119 = arith.index_cast %add3A_117 : i32 to index
        %swap3A_120 = tpu.vector_load %arg6[%swap3A_118, %swap3A_119] {strides = array<i32>} : memref<32x768xf32, #tpu.memory_space<vmem>>, vector<16xf32>,
        tpu.vector_store %arg6[%swap3A_118, %swap3A_119], %broadcast_in_dim3A_101 {strides = array<i32>} : memref<32x768xf32, #tpu.memory_space<vmem>>, vector<16xf32>,
      }
      %scan3A_94 = arith.constant 12 : i32
    }
    %scan3A_26 = arith.constant 32 : i32
    %scan3A_27 = arith.constant 0 : i32
    %scan3A_28 = arith.constant 16 : i32
    %scan3A_29 = arith.addi %scan3A_27, %scan3A_28 : i32
    %scan3A_30 = arith.constant 1 : i32
    scf.for %scan3A_85 = %scan3A_27 to %scan3A_29 step %scan3A_30  : i32 {
      %mul3A_86 = arith.constant 1 : i32
      %mul3A_87 = arith.muli %scan3A_85, %mul3A_86 : i32
      %add3A_88 = arith.constant 0 : i32
      %add3A_89 = arith.addi %add3A_88, %mul3A_87 : i32
      %mul3A_90 = arith.constant 2 : i32
      %mul3A_91 = arith.muli %mul3A_90, %add3A_89 : i32
      %add3A_92 = arith.constant 0 : i32
      %add3A_93 = arith.addi %mul3A_91, %add3A_92 : i32
      %broadcast_in_dim3A_94 = vector.broadcast %add3A_93 : i32 to vector<16xi32>
      %add3A_95 = arith.constant 32 : i32
      %add3A_96 = arith.addi %add3A_95, %add3A_93 : i32
      %get3A = arith.index_cast %add3A_96 : i32 to index
      %get3A_97 = arith.constant 0 : index
      %get3A_98 = tpu.vector_load %arg4[%get3A, %get3A_97] {strides = array<i32>} : memref<128x32xi32, #tpu.memory_space<vmem>>, vector<16xi32>,
      %add3A_99 = arith.constant 32 : i32
      %add3A_100 = arith.addi %add3A_99, %add3A_93 : i32
      %get3A_101 = arith.index_cast %add3A_100 : i32 to index
      %get3A_102 = arith.constant 16 : index
      %get3A_103 = tpu.vector_load %arg4[%get3A_101, %get3A_102] {strides = array<i32>} : memref<128x32xi32, #tpu.memory_space<vmem>>, vector<16xi32>,
      tpu.vector_store_idx %arg6[%broadcast_in_dim3A_94, %get3A_98], %broadcast_in_dim3A_5 {add = true} : memref<32x768xf32, #tpu.memory_space<vmem>>[vector<16xi32>, vector<16xi32>], vector<16xf32>,
      tpu.vector_store_idx %arg6[%broadcast_in_dim3A_94, %get3A_103], %broadcast_in_dim3A_5 {add = true} : memref<32x768xf32, #tpu.memory_space<vmem>>[vector<16xi32>, vector<16xi32>], vector<16xf32>,
      %mul3A_104 = arith.constant 2 : i32
      %mul3A_105 = arith.muli %mul3A_104, %add3A_89 : i32
      %add3A_106 = arith.constant 1 : i32
      %add3A_107 = arith.addi %mul3A_105, %add3A_106 : i32
      %broadcast_in_dim3A_108 = vector.broadcast %add3A_107 : i32 to vector<16xi32>
      %add3A_109 = arith.constant 32 : i32
      %add3A_110 = arith.addi %add3A_109, %add3A_107 : i32
      %get3A_111 = arith.index_cast %add3A_110 : i32 to index
      %get3A_112 = arith.constant 0 : index
      %get3A_113 = tpu.vector_load %arg4[%get3A_111, %get3A_112] {strides = array<i32>} : memref<128x32xi32, #tpu.memory_space<vmem>>, vector<16xi32>,
      %add3A_114 = arith.constant 32 : i32
      %add3A_115 = arith.addi %add3A_114, %add3A_107 : i32
      %get3A_116 = arith.index_cast %add3A_115 : i32 to index
      %get3A_117 = arith.constant 16 : index
      %get3A_118 = tpu.vector_load %arg4[%get3A_116, %get3A_117] {strides = array<i32>} : memref<128x32xi32, #tpu.memory_space<vmem>>, vector<16xi32>,
      tpu.vector_store_idx %arg6[%broadcast_in_dim3A_108, %get3A_113], %broadcast_in_dim3A_5 {add = true} : memref<32x768xf32, #tpu.memory_space<vmem>>[vector<16xi32>, vector<16xi32>], vector<16xf32>,
      tpu.vector_store_idx %arg6[%broadcast_in_dim3A_108, %get3A_118], %broadcast_in_dim3A_5 {add = true} : memref<32x768xf32, #tpu.memory_space<vmem>>[vector<16xi32>, vector<16xi32>], vector<16xf32>,
    }
    %scan3A_31 = arith.constant 16 : i32
    %add3A_32 = arith.constant 32 : i32
    %add3A_33 = arith.addi %mul3A_2, %add3A_32 : i32
    %dma_start3A_34 = arith.constant 0 : i32
    %dma_start3A_35 = tpu.memref_slice %arg3[%add3A_33, %dma_start3A_34] : memref<4096x768xf32, #tpu.memory_space<hbm>> -> memref<32x768xf32, #tpu.memory_space<hbm>>
    %dma_start3A_36 = arith.constant 0 : i32
    %dma_start3A_37 = tpu.memref_slice %arg3[%add3A_33, %dma_start3A_36] : memref<4096x768xf32, #tpu.memory_space<hbm>> -> memref<32x768xf32, #tpu.memory_space<hbm>>
    tpu.enqueue_dma source(%arg6 : memref<32x768xf32, #tpu.memory_space<vmem>>) target(%dma_start3A_37 : memref<32x768xf32, #tpu.memory_space<hbm>>) target_semaphore(%arg8 : memref<!tpu.dma_semaphore, #tpu.memory_space<semaphore_mem>>)
    %dma_wait3A = arith.constant 0 : i32
    %dma_wait3A_38 = tpu.memref_slice %arg3[%add3A_18, %dma_wait3A] : memref<4096x768xf32, #tpu.memory_space<hbm>> -> memref<32x768xf32, #tpu.memory_space<hbm>>
    %dma_wait3A_39 = arith.constant 0 : i32
    %dma_wait3A_40 = tpu.memref_slice %arg3[%add3A_18, %dma_wait3A_39] : memref<4096x768xf32, #tpu.memory_space<hbm>> -> memref<32x768xf32, #tpu.memory_space<hbm>>
    tpu.wait_dma2 semaphore(%arg7 : memref<!tpu.dma_semaphore, #tpu.memory_space<semaphore_mem>>) src(%arg5 : memref<32x768xf32, #tpu.memory_space<vmem>>) dst(%dma_wait3A_40 : memref<32x768xf32, #tpu.memory_space<hbm>>)
    %scan3A_41 = arith.constant 0 : i32
    %scan3A_42 = arith.constant 32 : i32
    %scan3A_43 = arith.addi %scan3A_41, %scan3A_42 : i32
    %scan3A_44 = arith.constant 1 : i32
    scf.for %scan3A_85 = %scan3A_41 to %scan3A_43 step %scan3A_44  : i32 {
      %mul3A_86 = arith.constant 1 : i32
      %mul3A_87 = arith.muli %scan3A_85, %mul3A_86 : i32
      %add3A_88 = arith.constant 0 : i32
      %add3A_89 = arith.addi %add3A_88, %mul3A_87 : i32
      %broadcast_in_dim3A_90 = vector.broadcast %add3A_89 : i32 to vector<16xi32>
      %add3A_91 = arith.constant 0 : i32
      %add3A_92 = arith.addi %add3A_91, %add3A_89 : i32
      %get3A = arith.index_cast %add3A_92 : i32 to index
      %get3A_93 = arith.constant 0 : index
      %get3A_94 = tpu.vector_load %arg4[%get3A, %get3A_93] {strides = array<i32>} : memref<128x32xi32, #tpu.memory_space<vmem>>, vector<16xi32>,
      %add3A_95 = arith.constant 0 : i32
      %add3A_96 = arith.addi %add3A_95, %add3A_89 : i32
      %get3A_97 = arith.index_cast %add3A_96 : i32 to index
      %get3A_98 = arith.constant 16 : index
      %get3A_99 = tpu.vector_load %arg4[%get3A_97, %get3A_98] {strides = array<i32>} : memref<128x32xi32, #tpu.memory_space<vmem>>, vector<16xi32>,
      tpu.vector_store_idx %arg5[%broadcast_in_dim3A_90, %get3A_94], %broadcast_in_dim3A_7 : memref<32x768xf32, #tpu.memory_space<vmem>>[vector<16xi32>, vector<16xi32>], vector<16xf32>,
      tpu.vector_store_idx %arg5[%broadcast_in_dim3A_90, %get3A_99], %broadcast_in_dim3A_7 : memref<32x768xf32, #tpu.memory_space<vmem>>[vector<16xi32>, vector<16xi32>], vector<16xf32>,
    }
    %scan3A_45 = arith.constant 32 : i32
    %scan3A_46 = arith.constant 0 : i32
    %scan3A_47 = arith.constant 16 : i32
    %scan3A_48 = arith.addi %scan3A_46, %scan3A_47 : i32
    %scan3A_49 = arith.constant 1 : i32
    scf.for %scan3A_85 = %scan3A_46 to %scan3A_48 step %scan3A_49  : i32 {
      %mul3A_86 = arith.constant 1 : i32
      %mul3A_87 = arith.muli %scan3A_85, %mul3A_86 : i32
      %add3A_88 = arith.constant 0 : i32
      %add3A_89 = arith.addi %add3A_88, %mul3A_87 : i32
      %mul3A_90 = arith.constant 2 : i32
      %mul3A_91 = arith.muli %mul3A_90, %add3A_89 : i32
      %add3A_92 = arith.constant 0 : i32
      %add3A_93 = arith.addi %mul3A_91, %add3A_92 : i32
      %broadcast_in_dim3A_94 = vector.broadcast %add3A_93 : i32 to vector<16xi32>
      %add3A_95 = arith.constant 64 : i32
      %add3A_96 = arith.addi %add3A_95, %add3A_93 : i32
      %get3A = arith.index_cast %add3A_96 : i32 to index
      %get3A_97 = arith.constant 0 : index
      %get3A_98 = tpu.vector_load %arg4[%get3A, %get3A_97] {strides = array<i32>} : memref<128x32xi32, #tpu.memory_space<vmem>>, vector<16xi32>,
      %add3A_99 = arith.constant 64 : i32
      %add3A_100 = arith.addi %add3A_99, %add3A_93 : i32
      %get3A_101 = arith.index_cast %add3A_100 : i32 to index
      %get3A_102 = arith.constant 16 : index
      %get3A_103 = tpu.vector_load %arg4[%get3A_101, %get3A_102] {strides = array<i32>} : memref<128x32xi32, #tpu.memory_space<vmem>>, vector<16xi32>,
      tpu.vector_store_idx %arg5[%broadcast_in_dim3A_94, %get3A_98], %broadcast_in_dim3A_5 {add = true} : memref<32x768xf32, #tpu.memory_space<vmem>>[vector<16xi32>, vector<16xi32>], vector<16xf32>,
      tpu.vector_store_idx %arg5[%broadcast_in_dim3A_94, %get3A_103], %broadcast_in_dim3A_5 {add = true} : memref<32x768xf32, #tpu.memory_space<vmem>>[vector<16xi32>, vector<16xi32>], vector<16xf32>,
      %mul3A_104 = arith.constant 2 : i32
      %mul3A_105 = arith.muli %mul3A_104, %add3A_89 : i32
      %add3A_106 = arith.constant 1 : i32
      %add3A_107 = arith.addi %mul3A_105, %add3A_106 : i32
      %broadcast_in_dim3A_108 = vector.broadcast %add3A_107 : i32 to vector<16xi32>
      %add3A_109 = arith.constant 64 : i32
      %add3A_110 = arith.addi %add3A_109, %add3A_107 : i32
      %get3A_111 = arith.index_cast %add3A_110 : i32 to index
      %get3A_112 = arith.constant 0 : index
      %get3A_113 = tpu.vector_load %arg4[%get3A_111, %get3A_112] {strides = array<i32>} : memref<128x32xi32, #tpu.memory_space<vmem>>, vector<16xi32>,
      %add3A_114 = arith.constant 64 : i32
      %add3A_115 = arith.addi %add3A_114, %add3A_107 : i32
      %get3A_116 = arith.index_cast %add3A_115 : i32 to index
      %get3A_117 = arith.constant 16 : index
      %get3A_118 = tpu.vector_load %arg4[%get3A_116, %get3A_117] {strides = array<i32>} : memref<128x32xi32, #tpu.memory_space<vmem>>, vector<16xi32>,
      tpu.vector_store_idx %arg5[%broadcast_in_dim3A_108, %get3A_113], %broadcast_in_dim3A_5 {add = true} : memref<32x768xf32, #tpu.memory_space<vmem>>[vector<16xi32>, vector<16xi32>], vector<16xf32>,
      tpu.vector_store_idx %arg5[%broadcast_in_dim3A_108, %get3A_118], %broadcast_in_dim3A_5 {add = true} : memref<32x768xf32, #tpu.memory_space<vmem>>[vector<16xi32>, vector<16xi32>], vector<16xf32>,
    }
    %scan3A_50 = arith.constant 16 : i32
    %add3A_51 = arith.constant 64 : i32
    %add3A_52 = arith.addi %mul3A_2, %add3A_51 : i32
    %dma_start3A_53 = arith.constant 0 : i32
    %dma_start3A_54 = tpu.memref_slice %arg3[%add3A_52, %dma_start3A_53] : memref<4096x768xf32, #tpu.memory_space<hbm>> -> memref<32x768xf32, #tpu.memory_space<hbm>>
    %dma_start3A_55 = arith.constant 0 : i32
    %dma_start3A_56 = tpu.memref_slice %arg3[%add3A_52, %dma_start3A_55] : memref<4096x768xf32, #tpu.memory_space<hbm>> -> memref<32x768xf32, #tpu.memory_space<hbm>>
    tpu.enqueue_dma source(%arg5 : memref<32x768xf32, #tpu.memory_space<vmem>>) target(%dma_start3A_56 : memref<32x768xf32, #tpu.memory_space<hbm>>) target_semaphore(%arg7 : memref<!tpu.dma_semaphore, #tpu.memory_space<semaphore_mem>>)
    %dma_wait3A_57 = arith.constant 0 : i32
    %dma_wait3A_58 = tpu.memref_slice %arg3[%add3A_33, %dma_wait3A_57] : memref<4096x768xf32, #tpu.memory_space<hbm>> -> memref<32x768xf32, #tpu.memory_space<hbm>>
    %dma_wait3A_59 = arith.constant 0 : i32
    %dma_wait3A_60 = tpu.memref_slice %arg3[%add3A_33, %dma_wait3A_59] : memref<4096x768xf32, #tpu.memory_space<hbm>> -> memref<32x768xf32, #tpu.memory_space<hbm>>
    tpu.wait_dma2 semaphore(%arg8 : memref<!tpu.dma_semaphore, #tpu.memory_space<semaphore_mem>>) src(%arg6 : memref<32x768xf32, #tpu.memory_space<vmem>>) dst(%dma_wait3A_60 : memref<32x768xf32, #tpu.memory_space<hbm>>)
    %scan3A_61 = arith.constant 0 : i32
    %scan3A_62 = arith.constant 32 : i32
    %scan3A_63 = arith.addi %scan3A_61, %scan3A_62 : i32
    %scan3A_64 = arith.constant 1 : i32
    scf.for %scan3A_85 = %scan3A_61 to %scan3A_63 step %scan3A_64  : i32 {
      %mul3A_86 = arith.constant 1 : i32
      %mul3A_87 = arith.muli %scan3A_85, %mul3A_86 : i32
      %add3A_88 = arith.constant 0 : i32
      %add3A_89 = arith.addi %add3A_88, %mul3A_87 : i32
      %broadcast_in_dim3A_90 = vector.broadcast %add3A_89 : i32 to vector<16xi32>
      %add3A_91 = arith.constant 32 : i32
      %add3A_92 = arith.addi %add3A_91, %add3A_89 : i32
      %get3A = arith.index_cast %add3A_92 : i32 to index
      %get3A_93 = arith.constant 0 : index
      %get3A_94 = tpu.vector_load %arg4[%get3A, %get3A_93] {strides = array<i32>} : memref<128x32xi32, #tpu.memory_space<vmem>>, vector<16xi32>,
      %add3A_95 = arith.constant 32 : i32
      %add3A_96 = arith.addi %add3A_95, %add3A_89 : i32
      %get3A_97 = arith.index_cast %add3A_96 : i32 to index
      %get3A_98 = arith.constant 16 : index
      %get3A_99 = tpu.vector_load %arg4[%get3A_97, %get3A_98] {strides = array<i32>} : memref<128x32xi32, #tpu.memory_space<vmem>>, vector<16xi32>,
      tpu.vector_store_idx %arg6[%broadcast_in_dim3A_90, %get3A_94], %broadcast_in_dim3A_7 : memref<32x768xf32, #tpu.memory_space<vmem>>[vector<16xi32>, vector<16xi32>], vector<16xf32>,
      tpu.vector_store_idx %arg6[%broadcast_in_dim3A_90, %get3A_99], %broadcast_in_dim3A_7 : memref<32x768xf32, #tpu.memory_space<vmem>>[vector<16xi32>, vector<16xi32>], vector<16xf32>,
    }
    %scan3A_65 = arith.constant 32 : i32
    %scan3A_66 = arith.constant 0 : i32
    %scan3A_67 = arith.constant 16 : i32
    %scan3A_68 = arith.addi %scan3A_66, %scan3A_67 : i32
    %scan3A_69 = arith.constant 1 : i32
    scf.for %scan3A_85 = %scan3A_66 to %scan3A_68 step %scan3A_69  : i32 {
      %mul3A_86 = arith.constant 1 : i32
      %mul3A_87 = arith.muli %scan3A_85, %mul3A_86 : i32
      %add3A_88 = arith.constant 0 : i32
      %add3A_89 = arith.addi %add3A_88, %mul3A_87 : i32
      %mul3A_90 = arith.constant 2 : i32
      %mul3A_91 = arith.muli %mul3A_90, %add3A_89 : i32
      %add3A_92 = arith.constant 0 : i32
      %add3A_93 = arith.addi %mul3A_91, %add3A_92 : i32
      %broadcast_in_dim3A_94 = vector.broadcast %add3A_93 : i32 to vector<16xi32>
      %add3A_95 = arith.constant 96 : i32
      %add3A_96 = arith.addi %add3A_95, %add3A_93 : i32
      %get3A = arith.index_cast %add3A_96 : i32 to index
      %get3A_97 = arith.constant 0 : index
      %get3A_98 = tpu.vector_load %arg4[%get3A, %get3A_97] {strides = array<i32>} : memref<128x32xi32, #tpu.memory_space<vmem>>, vector<16xi32>,
      %add3A_99 = arith.constant 96 : i32
      %add3A_100 = arith.addi %add3A_99, %add3A_93 : i32
      %get3A_101 = arith.index_cast %add3A_100 : i32 to index
      %get3A_102 = arith.constant 16 : index
      %get3A_103 = tpu.vector_load %arg4[%get3A_101, %get3A_102] {strides = array<i32>} : memref<128x32xi32, #tpu.memory_space<vmem>>, vector<16xi32>,
      tpu.vector_store_idx %arg6[%broadcast_in_dim3A_94, %get3A_98], %broadcast_in_dim3A_5 {add = true} : memref<32x768xf32, #tpu.memory_space<vmem>>[vector<16xi32>, vector<16xi32>], vector<16xf32>,
      tpu.vector_store_idx %arg6[%broadcast_in_dim3A_94, %get3A_103], %broadcast_in_dim3A_5 {add = true} : memref<32x768xf32, #tpu.memory_space<vmem>>[vector<16xi32>, vector<16xi32>], vector<16xf32>,
      %mul3A_104 = arith.constant 2 : i32
      %mul3A_105 = arith.muli %mul3A_104, %add3A_89 : i32
      %add3A_106 = arith.constant 1 : i32
      %add3A_107 = arith.addi %mul3A_105, %add3A_106 : i32
      %broadcast_in_dim3A_108 = vector.broadcast %add3A_107 : i32 to vector<16xi32>
      %add3A_109 = arith.constant 96 : i32
      %add3A_110 = arith.addi %add3A_109, %add3A_107 : i32
      %get3A_111 = arith.index_cast %add3A_110 : i32 to index
      %get3A_112 = arith.constant 0 : index
      %get3A_113 = tpu.vector_load %arg4[%get3A_111, %get3A_112] {strides = array<i32>} : memref<128x32xi32, #tpu.memory_space<vmem>>, vector<16xi32>,
      %add3A_114 = arith.constant 96 : i32
      %add3A_115 = arith.addi %add3A_114, %add3A_107 : i32
      %get3A_116 = arith.index_cast %add3A_115 : i32 to index
      %get3A_117 = arith.constant 16 : index
      %get3A_118 = tpu.vector_load %arg4[%get3A_116, %get3A_117] {strides = array<i32>} : memref<128x32xi32, #tpu.memory_space<vmem>>, vector<16xi32>,
      tpu.vector_store_idx %arg6[%broadcast_in_dim3A_108, %get3A_113], %broadcast_in_dim3A_5 {add = true} : memref<32x768xf32, #tpu.memory_space<vmem>>[vector<16xi32>, vector<16xi32>], vector<16xf32>,
      tpu.vector_store_idx %arg6[%broadcast_in_dim3A_108, %get3A_118], %broadcast_in_dim3A_5 {add = true} : memref<32x768xf32, #tpu.memory_space<vmem>>[vector<16xi32>, vector<16xi32>], vector<16xf32>,
    }
    %scan3A_70 = arith.constant 16 : i32
    %add3A_71 = arith.constant 96 : i32
    %add3A_72 = arith.addi %mul3A_2, %add3A_71 : i32
    %dma_start3A_73 = arith.constant 0 : i32
    %dma_start3A_74 = tpu.memref_slice %arg3[%add3A_72, %dma_start3A_73] : memref<4096x768xf32, #tpu.memory_space<hbm>> -> memref<32x768xf32, #tpu.memory_space<hbm>>
    %dma_start3A_75 = arith.constant 0 : i32
    %dma_start3A_76 = tpu.memref_slice %arg3[%add3A_72, %dma_start3A_75] : memref<4096x768xf32, #tpu.memory_space<hbm>> -> memref<32x768xf32, #tpu.memory_space<hbm>>
    tpu.enqueue_dma source(%arg6 : memref<32x768xf32, #tpu.memory_space<vmem>>) target(%dma_start3A_76 : memref<32x768xf32, #tpu.memory_space<hbm>>) target_semaphore(%arg8 : memref<!tpu.dma_semaphore, #tpu.memory_space<semaphore_mem>>)
    %dma_wait3A_77 = arith.constant 0 : i32
    %dma_wait3A_78 = tpu.memref_slice %arg3[%add3A_52, %dma_wait3A_77] : memref<4096x768xf32, #tpu.memory_space<hbm>> -> memref<32x768xf32, #tpu.memory_space<hbm>>
    %dma_wait3A_79 = arith.constant 0 : i32
    %dma_wait3A_80 = tpu.memref_slice %arg3[%add3A_52, %dma_wait3A_79] : memref<4096x768xf32, #tpu.memory_space<hbm>> -> memref<32x768xf32, #tpu.memory_space<hbm>>
    tpu.wait_dma2 semaphore(%arg7 : memref<!tpu.dma_semaphore, #tpu.memory_space<semaphore_mem>>) src(%arg5 : memref<32x768xf32, #tpu.memory_space<vmem>>) dst(%dma_wait3A_80 : memref<32x768xf32, #tpu.memory_space<hbm>>)
    %dma_wait3A_81 = arith.constant 0 : i32
    %dma_wait3A_82 = tpu.memref_slice %arg3[%add3A_72, %dma_wait3A_81] : memref<4096x768xf32, #tpu.memory_space<hbm>> -> memref<32x768xf32, #tpu.memory_space<hbm>>
    %dma_wait3A_83 = arith.constant 0 : i32
    %dma_wait3A_84 = tpu.memref_slice %arg3[%add3A_72, %dma_wait3A_83] : memref<4096x768xf32, #tpu.memory_space<hbm>> -> memref<32x768xf32, #tpu.memory_space<hbm>>
    tpu.wait_dma2 semaphore(%arg8 : memref<!tpu.dma_semaphore, #tpu.memory_space<semaphore_mem>>) src(%arg6 : memref<32x768xf32, #tpu.memory_space<vmem>>) dst(%dma_wait3A_84 : memref<32x768xf32, #tpu.memory_space<hbm>>)
    return
  }
}

module attributes {stable_mosaic.version = 14 : i64} {
  func.func @_mlp_body(%arg0: i32, %arg1: memref<1024x768xf32, #tpu.memory_space<vmem>>, %arg2: memref<768x256xbf16, #tpu.memory_space<vmem>>, %arg3: memref<256x512xbf16, #tpu.memory_space<vmem>>, %arg4: memref<1x512xf32, #tpu.memory_space<vmem>>, %arg5: memref<512x256xbf16, #tpu.memory_space<vmem>>, %arg6: memref<1x256xf32, #tpu.memory_space<vmem>>, %arg7: memref<1x256xf32, #tpu.memory_space<vmem>>, %arg8: memref<1x1xf32, #tpu.memory_space<vmem>>, %arg9: memref<1024x1xf32, #tpu.memory_space<vmem>>) attributes {dimension_semantics = [#tpu.dimension_semantics<arbitrary>], iteration_bounds = array<i64: 4>, scalar_prefetch = 0 : i64, scratch_operands = 0 : i64, tpu.core_type = #tpu.core_type<tc>, window_params = [{transform_indices = @transform_0, window_bounds = array<i64: 1024, 768>}, {pipeline_mode = #tpu.pipeline_mode<synchronous>, transform_indices = @transform_1, window_bounds = array<i64: 768, 256>}, {pipeline_mode = #tpu.pipeline_mode<synchronous>, transform_indices = @transform_2, window_bounds = array<i64: 256, 512>}, {pipeline_mode = #tpu.pipeline_mode<synchronous>, transform_indices = @transform_3, window_bounds = array<i64: 1, 512>}, {pipeline_mode = #tpu.pipeline_mode<synchronous>, transform_indices = @transform_4, window_bounds = array<i64: 512, 256>}, {pipeline_mode = #tpu.pipeline_mode<synchronous>, transform_indices = @transform_5, window_bounds = array<i64: 1, 256>}, {pipeline_mode = #tpu.pipeline_mode<synchronous>, transform_indices = @transform_6, window_bounds = array<i64: 1, 256>}, {pipeline_mode = #tpu.pipeline_mode<synchronous>, transform_indices = @transform_7, window_bounds = array<i64: 1, 1>}, {transform_indices = @transform_8, window_bounds = array<i64: 1024, 1>}]} {
    %get3A = arith.constant 0 : index
    %get3A_0 = arith.constant 0 : index
    %get3A_1 = vector.load %arg1[%get3A, %get3A_0] : memref<1024x768xf32, #tpu.memory_space<vmem>>, vector<1024x768xf32>
    %convert_element_type3A = arith.truncf %get3A_1 : vector<1024x768xf32> to vector<1024x768xbf16>
    %get3A_2 = arith.constant 0 : index
    %get3A_3 = arith.constant 0 : index
    %get3A_4 = vector.load %arg2[%get3A_2, %get3A_3] : memref<768x256xbf16, #tpu.memory_space<vmem>>, vector<768x256xbf16>
    %dot_general3A = arith.constant dense<0.000000e+00> : vector<1024x256xf32>
    %dot_general3A_5 = tpu.matmul %convert_element_type3A, %get3A_4, %dot_general3A {dimension_numbers = #tpu.dot_dimension_numbers<[1], [0], [0], [1], [0, 0, 1, 1], [], []>, transpose_lhs_hint = false} : vector<1024x768xbf16>, vector<768x256xbf16>, vector<1024x256xf32> -> vector<1024x256xf32>
    %convert_element_type3A_6 = arith.truncf %dot_general3A_5 : vector<1024x256xf32> to vector<1024x256xbf16>
    %get3A_7 = arith.constant 0 : index
    %get3A_8 = arith.constant 0 : index
    %get3A_9 = vector.load %arg3[%get3A_7, %get3A_8] : memref<256x512xbf16, #tpu.memory_space<vmem>>, vector<256x512xbf16>
    %dot_general3A_10 = arith.constant dense<0.000000e+00> : vector<1024x512xf32>
    %dot_general3A_11 = tpu.matmul %convert_element_type3A_6, %get3A_9, %dot_general3A_10 {dimension_numbers = #tpu.dot_dimension_numbers<[1], [0], [0], [1], [0, 0, 1, 1], [], []>, transpose_lhs_hint = false} : vector<1024x256xbf16>, vector<256x512xbf16>, vector<1024x512xf32> -> vector<1024x512xf32>
    %get3A_12 = arith.constant 0 : index
    %get3A_13 = arith.constant 0 : index
    %get3A_14 = vector.load %arg4[%get3A_12, %get3A_13] : memref<1x512xf32, #tpu.memory_space<vmem>>, vector<1x512xf32>
    %add3A = vector.broadcast %get3A_14 : vector<1x512xf32> to vector<1024x512xf32>
    %add3A_15 = arith.addf %dot_general3A_11, %add3A : vector<1024x512xf32>
    %max3A = arith.constant 0.000000e+00 : f32
    %max3A_16 = vector.broadcast %max3A : f32 to vector<1024x512xf32>
    %max3A_17 = arith.maximumf %add3A_15, %max3A_16 : vector<1024x512xf32>
    %convert_element_type3A_18 = arith.truncf %max3A_17 : vector<1024x512xf32> to vector<1024x512xbf16>
    %get3A_19 = arith.constant 0 : index
    %get3A_20 = arith.constant 0 : index
    %get3A_21 = vector.load %arg5[%get3A_19, %get3A_20] : memref<512x256xbf16, #tpu.memory_space<vmem>>, vector<512x256xbf16>
    %dot_general3A_22 = arith.constant dense<0.000000e+00> : vector<1024x256xf32>
    %dot_general3A_23 = tpu.matmul %convert_element_type3A_18, %get3A_21, %dot_general3A_22 {dimension_numbers = #tpu.dot_dimension_numbers<[1], [0], [0], [1], [0, 0, 1, 1], [], []>, transpose_lhs_hint = false} : vector<1024x512xbf16>, vector<512x256xbf16>, vector<1024x256xf32> -> vector<1024x256xf32>
    %get3A_24 = arith.constant 0 : index
    %get3A_25 = arith.constant 0 : index
    %get3A_26 = vector.load %arg6[%get3A_24, %get3A_25] : memref<1x256xf32, #tpu.memory_space<vmem>>, vector<1x256xf32>
    %add3A_27 = vector.broadcast %get3A_26 : vector<1x256xf32> to vector<1024x256xf32>
    %add3A_28 = arith.addf %dot_general3A_23, %add3A_27 : vector<1024x256xf32>
    %max3A_29 = arith.constant 0.000000e+00 : f32
    %max3A_30 = vector.broadcast %max3A_29 : f32 to vector<1024x256xf32>
    %max3A_31 = arith.maximumf %add3A_28, %max3A_30 : vector<1024x256xf32>
    %get3A_32 = arith.constant 0 : index
    %get3A_33 = arith.constant 0 : index
    %get3A_34 = vector.load %arg7[%get3A_32, %get3A_33] : memref<1x256xf32, #tpu.memory_space<vmem>>, vector<1x256xf32>
    %mul3A = vector.broadcast %get3A_34 : vector<1x256xf32> to vector<1024x256xf32>
    %mul3A_35 = arith.mulf %max3A_31, %mul3A : vector<1024x256xf32>
    %reduce_sum3A = arith.constant dense<0.000000e+00> : vector<1024xf32>
    %reduce_sum3A_36 = vector.multi_reduction <add>, %mul3A_35, %reduce_sum3A [1] : vector<1024x256xf32> to vector<1024xf32>
    %broadcast_in_dim3A = vector.shape_cast %reduce_sum3A_36 : vector<1024xf32> to vector<1024x1xf32>
    %get3A_37 = arith.constant 0 : index
    %get3A_38 = arith.constant 0 : index
    %get3A_39 = vector.load %arg8[%get3A_37, %get3A_38] : memref<1x1xf32, #tpu.memory_space<vmem>>, vector<1x1xf32>
    %add3A_40 = vector.broadcast %get3A_39 : vector<1x1xf32> to vector<1024x1xf32>
    %add3A_41 = arith.addf %broadcast_in_dim3A, %add3A_40 : vector<1024x1xf32>
    %swap3A = arith.constant 0 : index
    %swap3A_42 = arith.constant 0 : index
    %swap3A_43 = vector.load %arg9[%swap3A, %swap3A_42] : memref<1024x1xf32, #tpu.memory_space<vmem>>, vector<1024x1xf32>
    tpu.vector_store %arg9[%swap3A, %swap3A_42], %add3A_41 {strides = array<i32>} : memref<1024x1xf32, #tpu.memory_space<vmem>>, vector<1024x1xf32>,
    return
  }
  func.func @transform_0(%arg0: i32) -> (i32, i32) {
    %c0_i32 = arith.constant 0 : i32
    %c0_i32_0 = arith.constant 0 : i32
    return %arg0, %c0_i32 : i32, i32
  }
  func.func @transform_1(%arg0: i32) -> (i32, i32) {
    %c0_i32 = arith.constant 0 : i32
    %c0_i32_0 = arith.constant 0 : i32
    %c0_i32_1 = arith.constant 0 : i32
    return %c0_i32, %c0_i32_0 : i32, i32
  }
  func.func @transform_2(%arg0: i32) -> (i32, i32) {
    %c0_i32 = arith.constant 0 : i32
    %c0_i32_0 = arith.constant 0 : i32
    %c0_i32_1 = arith.constant 0 : i32
    return %c0_i32, %c0_i32_0 : i32, i32
  }
  func.func @transform_3(%arg0: i32) -> (i32, i32) {
    %c0_i32 = arith.constant 0 : i32
    %c0_i32_0 = arith.constant 0 : i32
    %c0_i32_1 = arith.constant 0 : i32
    return %c0_i32, %c0_i32_0 : i32, i32
  }
  func.func @transform_4(%arg0: i32) -> (i32, i32) {
    %c0_i32 = arith.constant 0 : i32
    %c0_i32_0 = arith.constant 0 : i32
    %c0_i32_1 = arith.constant 0 : i32
    return %c0_i32, %c0_i32_0 : i32, i32
  }
  func.func @transform_5(%arg0: i32) -> (i32, i32) {
    %c0_i32 = arith.constant 0 : i32
    %c0_i32_0 = arith.constant 0 : i32
    %c0_i32_1 = arith.constant 0 : i32
    return %c0_i32, %c0_i32_0 : i32, i32
  }
  func.func @transform_6(%arg0: i32) -> (i32, i32) {
    %c0_i32 = arith.constant 0 : i32
    %c0_i32_0 = arith.constant 0 : i32
    %c0_i32_1 = arith.constant 0 : i32
    return %c0_i32, %c0_i32_0 : i32, i32
  }
  func.func @transform_7(%arg0: i32) -> (i32, i32) {
    %c0_i32 = arith.constant 0 : i32
    %c0_i32_0 = arith.constant 0 : i32
    %c0_i32_1 = arith.constant 0 : i32
    return %c0_i32, %c0_i32_0 : i32, i32
  }
  func.func @transform_8(%arg0: i32) -> (i32, i32) {
    %add3A = arith.constant 0 : i32
    %add3A_0 = arith.addi %add3A, %arg0 : i32
    %c0_i32 = arith.constant 0 : i32
    %c0_i32_1 = arith.constant 0 : i32
    return %add3A_0, %c0_i32 : i32, i32
  }
}

module attributes {stable_mosaic.version = 14 : i64} {
  func.func @_mlp_body(%arg0: i32, %arg1: memref<1024x768xf32, #tpu.memory_space<vmem>>, %arg2: memref<768x256xbf16, #tpu.memory_space<vmem>>, %arg3: memref<256x512xbf16, #tpu.memory_space<vmem>>, %arg4: memref<1x512xf32, #tpu.memory_space<vmem>>, %arg5: memref<512x256xbf16, #tpu.memory_space<vmem>>, %arg6: memref<1x256xf32, #tpu.memory_space<vmem>>, %arg7: memref<1x256xf32, #tpu.memory_space<vmem>>, %arg8: memref<1x1xf32, #tpu.memory_space<vmem>>, %arg9: memref<16384x1xf32, #tpu.memory_space<hbm>>, %arg10: memref<1024x1xf32, #tpu.memory_space<vmem>>) attributes {dimension_semantics = [#tpu.dimension_semantics<arbitrary>], iteration_bounds = array<i64: 4>, scalar_prefetch = 0 : i64, scratch_operands = 0 : i64, tpu.core_type = #tpu.core_type<tc>, window_params = [{transform_indices = @transform_0, window_bounds = array<i64: 1024, 768>}, {pipeline_mode = #tpu.pipeline_mode<synchronous>, transform_indices = @transform_1, window_bounds = array<i64: 768, 256>}, {pipeline_mode = #tpu.pipeline_mode<synchronous>, transform_indices = @transform_2, window_bounds = array<i64: 256, 512>}, {pipeline_mode = #tpu.pipeline_mode<synchronous>, transform_indices = @transform_3, window_bounds = array<i64: 1, 512>}, {pipeline_mode = #tpu.pipeline_mode<synchronous>, transform_indices = @transform_4, window_bounds = array<i64: 512, 256>}, {pipeline_mode = #tpu.pipeline_mode<synchronous>, transform_indices = @transform_5, window_bounds = array<i64: 1, 256>}, {pipeline_mode = #tpu.pipeline_mode<synchronous>, transform_indices = @transform_6, window_bounds = array<i64: 1, 256>}, {pipeline_mode = #tpu.pipeline_mode<synchronous>, transform_indices = @transform_7, window_bounds = array<i64: 1, 1>}, {}, {transform_indices = @transform_9, window_bounds = array<i64: 1024, 1>}]} {
    %get3A = arith.constant 0 : index
    %get3A_0 = arith.constant 0 : index
    %get3A_1 = vector.load %arg1[%get3A, %get3A_0] : memref<1024x768xf32, #tpu.memory_space<vmem>>, vector<1024x768xf32>
    %convert_element_type3A = arith.truncf %get3A_1 : vector<1024x768xf32> to vector<1024x768xbf16>
    %get3A_2 = arith.constant 0 : index
    %get3A_3 = arith.constant 0 : index
    %get3A_4 = vector.load %arg2[%get3A_2, %get3A_3] : memref<768x256xbf16, #tpu.memory_space<vmem>>, vector<768x256xbf16>
    %dot_general3A = arith.constant dense<0.000000e+00> : vector<1024x256xf32>
    %dot_general3A_5 = tpu.matmul %convert_element_type3A, %get3A_4, %dot_general3A {dimension_numbers = #tpu.dot_dimension_numbers<[1], [0], [0], [1], [0, 0, 1, 1], [], []>, transpose_lhs_hint = false} : vector<1024x768xbf16>, vector<768x256xbf16>, vector<1024x256xf32> -> vector<1024x256xf32>
    %convert_element_type3A_6 = arith.truncf %dot_general3A_5 : vector<1024x256xf32> to vector<1024x256xbf16>
    %get3A_7 = arith.constant 0 : index
    %get3A_8 = arith.constant 0 : index
    %get3A_9 = vector.load %arg3[%get3A_7, %get3A_8] : memref<256x512xbf16, #tpu.memory_space<vmem>>, vector<256x512xbf16>
    %dot_general3A_10 = arith.constant dense<0.000000e+00> : vector<1024x512xf32>
    %dot_general3A_11 = tpu.matmul %convert_element_type3A_6, %get3A_9, %dot_general3A_10 {dimension_numbers = #tpu.dot_dimension_numbers<[1], [0], [0], [1], [0, 0, 1, 1], [], []>, transpose_lhs_hint = false} : vector<1024x256xbf16>, vector<256x512xbf16>, vector<1024x512xf32> -> vector<1024x512xf32>
    %get3A_12 = arith.constant 0 : index
    %get3A_13 = arith.constant 0 : index
    %get3A_14 = vector.load %arg4[%get3A_12, %get3A_13] : memref<1x512xf32, #tpu.memory_space<vmem>>, vector<1x512xf32>
    %add3A = vector.broadcast %get3A_14 : vector<1x512xf32> to vector<1024x512xf32>
    %add3A_15 = arith.addf %dot_general3A_11, %add3A : vector<1024x512xf32>
    %max3A = arith.constant 0.000000e+00 : f32
    %max3A_16 = vector.broadcast %max3A : f32 to vector<1024x512xf32>
    %max3A_17 = arith.maximumf %add3A_15, %max3A_16 : vector<1024x512xf32>
    %convert_element_type3A_18 = arith.truncf %max3A_17 : vector<1024x512xf32> to vector<1024x512xbf16>
    %get3A_19 = arith.constant 0 : index
    %get3A_20 = arith.constant 0 : index
    %get3A_21 = vector.load %arg5[%get3A_19, %get3A_20] : memref<512x256xbf16, #tpu.memory_space<vmem>>, vector<512x256xbf16>
    %dot_general3A_22 = arith.constant dense<0.000000e+00> : vector<1024x256xf32>
    %dot_general3A_23 = tpu.matmul %convert_element_type3A_18, %get3A_21, %dot_general3A_22 {dimension_numbers = #tpu.dot_dimension_numbers<[1], [0], [0], [1], [0, 0, 1, 1], [], []>, transpose_lhs_hint = false} : vector<1024x512xbf16>, vector<512x256xbf16>, vector<1024x256xf32> -> vector<1024x256xf32>
    %get3A_24 = arith.constant 0 : index
    %get3A_25 = arith.constant 0 : index
    %get3A_26 = vector.load %arg6[%get3A_24, %get3A_25] : memref<1x256xf32, #tpu.memory_space<vmem>>, vector<1x256xf32>
    %add3A_27 = vector.broadcast %get3A_26 : vector<1x256xf32> to vector<1024x256xf32>
    %add3A_28 = arith.addf %dot_general3A_23, %add3A_27 : vector<1024x256xf32>
    %max3A_29 = arith.constant 0.000000e+00 : f32
    %max3A_30 = vector.broadcast %max3A_29 : f32 to vector<1024x256xf32>
    %max3A_31 = arith.maximumf %add3A_28, %max3A_30 : vector<1024x256xf32>
    %get3A_32 = arith.constant 0 : index
    %get3A_33 = arith.constant 0 : index
    %get3A_34 = vector.load %arg7[%get3A_32, %get3A_33] : memref<1x256xf32, #tpu.memory_space<vmem>>, vector<1x256xf32>
    %mul3A = vector.broadcast %get3A_34 : vector<1x256xf32> to vector<1024x256xf32>
    %mul3A_35 = arith.mulf %max3A_31, %mul3A : vector<1024x256xf32>
    %reduce_sum3A = arith.constant dense<0.000000e+00> : vector<1024xf32>
    %reduce_sum3A_36 = vector.multi_reduction <add>, %mul3A_35, %reduce_sum3A [1] : vector<1024x256xf32> to vector<1024xf32>
    %broadcast_in_dim3A = vector.shape_cast %reduce_sum3A_36 : vector<1024xf32> to vector<1024x1xf32>
    %get3A_37 = arith.constant 0 : index
    %get3A_38 = arith.constant 0 : index
    %get3A_39 = vector.load %arg8[%get3A_37, %get3A_38] : memref<1x1xf32, #tpu.memory_space<vmem>>, vector<1x1xf32>
    %add3A_40 = vector.broadcast %get3A_39 : vector<1x1xf32> to vector<1024x1xf32>
    %add3A_41 = arith.addf %broadcast_in_dim3A, %add3A_40 : vector<1024x1xf32>
    %swap3A = arith.constant 0 : index
    %swap3A_42 = arith.constant 0 : index
    %swap3A_43 = vector.load %arg10[%swap3A, %swap3A_42] : memref<1024x1xf32, #tpu.memory_space<vmem>>, vector<1024x1xf32>
    tpu.vector_store %arg10[%swap3A, %swap3A_42], %add3A_41 {strides = array<i32>} : memref<1024x1xf32, #tpu.memory_space<vmem>>, vector<1024x1xf32>,
    return
  }
  func.func @transform_0(%arg0: i32) -> (i32, i32) {
    %c0_i32 = arith.constant 0 : i32
    %c0_i32_0 = arith.constant 0 : i32
    return %arg0, %c0_i32 : i32, i32
  }
  func.func @transform_1(%arg0: i32) -> (i32, i32) {
    %c0_i32 = arith.constant 0 : i32
    %c0_i32_0 = arith.constant 0 : i32
    %c0_i32_1 = arith.constant 0 : i32
    return %c0_i32, %c0_i32_0 : i32, i32
  }
  func.func @transform_2(%arg0: i32) -> (i32, i32) {
    %c0_i32 = arith.constant 0 : i32
    %c0_i32_0 = arith.constant 0 : i32
    %c0_i32_1 = arith.constant 0 : i32
    return %c0_i32, %c0_i32_0 : i32, i32
  }
  func.func @transform_3(%arg0: i32) -> (i32, i32) {
    %c0_i32 = arith.constant 0 : i32
    %c0_i32_0 = arith.constant 0 : i32
    %c0_i32_1 = arith.constant 0 : i32
    return %c0_i32, %c0_i32_0 : i32, i32
  }
  func.func @transform_4(%arg0: i32) -> (i32, i32) {
    %c0_i32 = arith.constant 0 : i32
    %c0_i32_0 = arith.constant 0 : i32
    %c0_i32_1 = arith.constant 0 : i32
    return %c0_i32, %c0_i32_0 : i32, i32
  }
  func.func @transform_5(%arg0: i32) -> (i32, i32) {
    %c0_i32 = arith.constant 0 : i32
    %c0_i32_0 = arith.constant 0 : i32
    %c0_i32_1 = arith.constant 0 : i32
    return %c0_i32, %c0_i32_0 : i32, i32
  }
  func.func @transform_6(%arg0: i32) -> (i32, i32) {
    %c0_i32 = arith.constant 0 : i32
    %c0_i32_0 = arith.constant 0 : i32
    %c0_i32_1 = arith.constant 0 : i32
    return %c0_i32, %c0_i32_0 : i32, i32
  }
  func.func @transform_7(%arg0: i32) -> (i32, i32) {
    %c0_i32 = arith.constant 0 : i32
    %c0_i32_0 = arith.constant 0 : i32
    %c0_i32_1 = arith.constant 0 : i32
    return %c0_i32, %c0_i32_0 : i32, i32
  }
  func.func @transform_9(%arg0: i32) -> (i32, i32) {
    %add3A = arith.constant 4 : i32
    %add3A_0 = arith.addi %add3A, %arg0 : i32
    %c0_i32 = arith.constant 0 : i32
    %c0_i32_1 = arith.constant 0 : i32
    return %add3A_0, %c0_i32 : i32, i32
  }
}

module attributes {stable_mosaic.version = 14 : i64} {
  func.func @_mlp_body(%arg0: i32, %arg1: memref<1024x768xf32, #tpu.memory_space<vmem>>, %arg2: memref<768x256xbf16, #tpu.memory_space<vmem>>, %arg3: memref<256x512xbf16, #tpu.memory_space<vmem>>, %arg4: memref<1x512xf32, #tpu.memory_space<vmem>>, %arg5: memref<512x256xbf16, #tpu.memory_space<vmem>>, %arg6: memref<1x256xf32, #tpu.memory_space<vmem>>, %arg7: memref<1x256xf32, #tpu.memory_space<vmem>>, %arg8: memref<1x1xf32, #tpu.memory_space<vmem>>, %arg9: memref<16384x1xf32, #tpu.memory_space<hbm>>, %arg10: memref<1024x1xf32, #tpu.memory_space<vmem>>) attributes {dimension_semantics = [#tpu.dimension_semantics<arbitrary>], iteration_bounds = array<i64: 4>, scalar_prefetch = 0 : i64, scratch_operands = 0 : i64, tpu.core_type = #tpu.core_type<tc>, window_params = [{transform_indices = @transform_0, window_bounds = array<i64: 1024, 768>}, {pipeline_mode = #tpu.pipeline_mode<synchronous>, transform_indices = @transform_1, window_bounds = array<i64: 768, 256>}, {pipeline_mode = #tpu.pipeline_mode<synchronous>, transform_indices = @transform_2, window_bounds = array<i64: 256, 512>}, {pipeline_mode = #tpu.pipeline_mode<synchronous>, transform_indices = @transform_3, window_bounds = array<i64: 1, 512>}, {pipeline_mode = #tpu.pipeline_mode<synchronous>, transform_indices = @transform_4, window_bounds = array<i64: 512, 256>}, {pipeline_mode = #tpu.pipeline_mode<synchronous>, transform_indices = @transform_5, window_bounds = array<i64: 1, 256>}, {pipeline_mode = #tpu.pipeline_mode<synchronous>, transform_indices = @transform_6, window_bounds = array<i64: 1, 256>}, {pipeline_mode = #tpu.pipeline_mode<synchronous>, transform_indices = @transform_7, window_bounds = array<i64: 1, 1>}, {}, {transform_indices = @transform_9, window_bounds = array<i64: 1024, 1>}]} {
    %get3A = arith.constant 0 : index
    %get3A_0 = arith.constant 0 : index
    %get3A_1 = vector.load %arg1[%get3A, %get3A_0] : memref<1024x768xf32, #tpu.memory_space<vmem>>, vector<1024x768xf32>
    %convert_element_type3A = arith.truncf %get3A_1 : vector<1024x768xf32> to vector<1024x768xbf16>
    %get3A_2 = arith.constant 0 : index
    %get3A_3 = arith.constant 0 : index
    %get3A_4 = vector.load %arg2[%get3A_2, %get3A_3] : memref<768x256xbf16, #tpu.memory_space<vmem>>, vector<768x256xbf16>
    %dot_general3A = arith.constant dense<0.000000e+00> : vector<1024x256xf32>
    %dot_general3A_5 = tpu.matmul %convert_element_type3A, %get3A_4, %dot_general3A {dimension_numbers = #tpu.dot_dimension_numbers<[1], [0], [0], [1], [0, 0, 1, 1], [], []>, transpose_lhs_hint = false} : vector<1024x768xbf16>, vector<768x256xbf16>, vector<1024x256xf32> -> vector<1024x256xf32>
    %convert_element_type3A_6 = arith.truncf %dot_general3A_5 : vector<1024x256xf32> to vector<1024x256xbf16>
    %get3A_7 = arith.constant 0 : index
    %get3A_8 = arith.constant 0 : index
    %get3A_9 = vector.load %arg3[%get3A_7, %get3A_8] : memref<256x512xbf16, #tpu.memory_space<vmem>>, vector<256x512xbf16>
    %dot_general3A_10 = arith.constant dense<0.000000e+00> : vector<1024x512xf32>
    %dot_general3A_11 = tpu.matmul %convert_element_type3A_6, %get3A_9, %dot_general3A_10 {dimension_numbers = #tpu.dot_dimension_numbers<[1], [0], [0], [1], [0, 0, 1, 1], [], []>, transpose_lhs_hint = false} : vector<1024x256xbf16>, vector<256x512xbf16>, vector<1024x512xf32> -> vector<1024x512xf32>
    %get3A_12 = arith.constant 0 : index
    %get3A_13 = arith.constant 0 : index
    %get3A_14 = vector.load %arg4[%get3A_12, %get3A_13] : memref<1x512xf32, #tpu.memory_space<vmem>>, vector<1x512xf32>
    %add3A = vector.broadcast %get3A_14 : vector<1x512xf32> to vector<1024x512xf32>
    %add3A_15 = arith.addf %dot_general3A_11, %add3A : vector<1024x512xf32>
    %max3A = arith.constant 0.000000e+00 : f32
    %max3A_16 = vector.broadcast %max3A : f32 to vector<1024x512xf32>
    %max3A_17 = arith.maximumf %add3A_15, %max3A_16 : vector<1024x512xf32>
    %convert_element_type3A_18 = arith.truncf %max3A_17 : vector<1024x512xf32> to vector<1024x512xbf16>
    %get3A_19 = arith.constant 0 : index
    %get3A_20 = arith.constant 0 : index
    %get3A_21 = vector.load %arg5[%get3A_19, %get3A_20] : memref<512x256xbf16, #tpu.memory_space<vmem>>, vector<512x256xbf16>
    %dot_general3A_22 = arith.constant dense<0.000000e+00> : vector<1024x256xf32>
    %dot_general3A_23 = tpu.matmul %convert_element_type3A_18, %get3A_21, %dot_general3A_22 {dimension_numbers = #tpu.dot_dimension_numbers<[1], [0], [0], [1], [0, 0, 1, 1], [], []>, transpose_lhs_hint = false} : vector<1024x512xbf16>, vector<512x256xbf16>, vector<1024x256xf32> -> vector<1024x256xf32>
    %get3A_24 = arith.constant 0 : index
    %get3A_25 = arith.constant 0 : index
    %get3A_26 = vector.load %arg6[%get3A_24, %get3A_25] : memref<1x256xf32, #tpu.memory_space<vmem>>, vector<1x256xf32>
    %add3A_27 = vector.broadcast %get3A_26 : vector<1x256xf32> to vector<1024x256xf32>
    %add3A_28 = arith.addf %dot_general3A_23, %add3A_27 : vector<1024x256xf32>
    %max3A_29 = arith.constant 0.000000e+00 : f32
    %max3A_30 = vector.broadcast %max3A_29 : f32 to vector<1024x256xf32>
    %max3A_31 = arith.maximumf %add3A_28, %max3A_30 : vector<1024x256xf32>
    %get3A_32 = arith.constant 0 : index
    %get3A_33 = arith.constant 0 : index
    %get3A_34 = vector.load %arg7[%get3A_32, %get3A_33] : memref<1x256xf32, #tpu.memory_space<vmem>>, vector<1x256xf32>
    %mul3A = vector.broadcast %get3A_34 : vector<1x256xf32> to vector<1024x256xf32>
    %mul3A_35 = arith.mulf %max3A_31, %mul3A : vector<1024x256xf32>
    %reduce_sum3A = arith.constant dense<0.000000e+00> : vector<1024xf32>
    %reduce_sum3A_36 = vector.multi_reduction <add>, %mul3A_35, %reduce_sum3A [1] : vector<1024x256xf32> to vector<1024xf32>
    %broadcast_in_dim3A = vector.shape_cast %reduce_sum3A_36 : vector<1024xf32> to vector<1024x1xf32>
    %get3A_37 = arith.constant 0 : index
    %get3A_38 = arith.constant 0 : index
    %get3A_39 = vector.load %arg8[%get3A_37, %get3A_38] : memref<1x1xf32, #tpu.memory_space<vmem>>, vector<1x1xf32>
    %add3A_40 = vector.broadcast %get3A_39 : vector<1x1xf32> to vector<1024x1xf32>
    %add3A_41 = arith.addf %broadcast_in_dim3A, %add3A_40 : vector<1024x1xf32>
    %swap3A = arith.constant 0 : index
    %swap3A_42 = arith.constant 0 : index
    %swap3A_43 = vector.load %arg10[%swap3A, %swap3A_42] : memref<1024x1xf32, #tpu.memory_space<vmem>>, vector<1024x1xf32>
    tpu.vector_store %arg10[%swap3A, %swap3A_42], %add3A_41 {strides = array<i32>} : memref<1024x1xf32, #tpu.memory_space<vmem>>, vector<1024x1xf32>,
    return
  }
  func.func @transform_0(%arg0: i32) -> (i32, i32) {
    %c0_i32 = arith.constant 0 : i32
    %c0_i32_0 = arith.constant 0 : i32
    return %arg0, %c0_i32 : i32, i32
  }
  func.func @transform_1(%arg0: i32) -> (i32, i32) {
    %c0_i32 = arith.constant 0 : i32
    %c0_i32_0 = arith.constant 0 : i32
    %c0_i32_1 = arith.constant 0 : i32
    return %c0_i32, %c0_i32_0 : i32, i32
  }
  func.func @transform_2(%arg0: i32) -> (i32, i32) {
    %c0_i32 = arith.constant 0 : i32
    %c0_i32_0 = arith.constant 0 : i32
    %c0_i32_1 = arith.constant 0 : i32
    return %c0_i32, %c0_i32_0 : i32, i32
  }
  func.func @transform_3(%arg0: i32) -> (i32, i32) {
    %c0_i32 = arith.constant 0 : i32
    %c0_i32_0 = arith.constant 0 : i32
    %c0_i32_1 = arith.constant 0 : i32
    return %c0_i32, %c0_i32_0 : i32, i32
  }
  func.func @transform_4(%arg0: i32) -> (i32, i32) {
    %c0_i32 = arith.constant 0 : i32
    %c0_i32_0 = arith.constant 0 : i32
    %c0_i32_1 = arith.constant 0 : i32
    return %c0_i32, %c0_i32_0 : i32, i32
  }
  func.func @transform_5(%arg0: i32) -> (i32, i32) {
    %c0_i32 = arith.constant 0 : i32
    %c0_i32_0 = arith.constant 0 : i32
    %c0_i32_1 = arith.constant 0 : i32
    return %c0_i32, %c0_i32_0 : i32, i32
  }
  func.func @transform_6(%arg0: i32) -> (i32, i32) {
    %c0_i32 = arith.constant 0 : i32
    %c0_i32_0 = arith.constant 0 : i32
    %c0_i32_1 = arith.constant 0 : i32
    return %c0_i32, %c0_i32_0 : i32, i32
  }
  func.func @transform_7(%arg0: i32) -> (i32, i32) {
    %c0_i32 = arith.constant 0 : i32
    %c0_i32_0 = arith.constant 0 : i32
    %c0_i32_1 = arith.constant 0 : i32
    return %c0_i32, %c0_i32_0 : i32, i32
  }
  func.func @transform_9(%arg0: i32) -> (i32, i32) {
    %add3A = arith.constant 8 : i32
    %add3A_0 = arith.addi %add3A, %arg0 : i32
    %c0_i32 = arith.constant 0 : i32
    %c0_i32_1 = arith.constant 0 : i32
    return %add3A_0, %c0_i32 : i32, i32
  }
}

module attributes {stable_mosaic.version = 14 : i64} {
  func.func @_mlp_body(%arg0: i32, %arg1: memref<1024x768xf32, #tpu.memory_space<vmem>>, %arg2: memref<768x256xbf16, #tpu.memory_space<vmem>>, %arg3: memref<256x512xbf16, #tpu.memory_space<vmem>>, %arg4: memref<1x512xf32, #tpu.memory_space<vmem>>, %arg5: memref<512x256xbf16, #tpu.memory_space<vmem>>, %arg6: memref<1x256xf32, #tpu.memory_space<vmem>>, %arg7: memref<1x256xf32, #tpu.memory_space<vmem>>, %arg8: memref<1x1xf32, #tpu.memory_space<vmem>>, %arg9: memref<16384x1xf32, #tpu.memory_space<hbm>>, %arg10: memref<1024x1xf32, #tpu.memory_space<vmem>>) attributes {dimension_semantics = [#tpu.dimension_semantics<arbitrary>], iteration_bounds = array<i64: 4>, scalar_prefetch = 0 : i64, scratch_operands = 0 : i64, tpu.core_type = #tpu.core_type<tc>, window_params = [{transform_indices = @transform_0, window_bounds = array<i64: 1024, 768>}, {pipeline_mode = #tpu.pipeline_mode<synchronous>, transform_indices = @transform_1, window_bounds = array<i64: 768, 256>}, {pipeline_mode = #tpu.pipeline_mode<synchronous>, transform_indices = @transform_2, window_bounds = array<i64: 256, 512>}, {pipeline_mode = #tpu.pipeline_mode<synchronous>, transform_indices = @transform_3, window_bounds = array<i64: 1, 512>}, {pipeline_mode = #tpu.pipeline_mode<synchronous>, transform_indices = @transform_4, window_bounds = array<i64: 512, 256>}, {pipeline_mode = #tpu.pipeline_mode<synchronous>, transform_indices = @transform_5, window_bounds = array<i64: 1, 256>}, {pipeline_mode = #tpu.pipeline_mode<synchronous>, transform_indices = @transform_6, window_bounds = array<i64: 1, 256>}, {pipeline_mode = #tpu.pipeline_mode<synchronous>, transform_indices = @transform_7, window_bounds = array<i64: 1, 1>}, {}, {transform_indices = @transform_9, window_bounds = array<i64: 1024, 1>}]} {
    %get3A = arith.constant 0 : index
    %get3A_0 = arith.constant 0 : index
    %get3A_1 = vector.load %arg1[%get3A, %get3A_0] : memref<1024x768xf32, #tpu.memory_space<vmem>>, vector<1024x768xf32>
    %convert_element_type3A = arith.truncf %get3A_1 : vector<1024x768xf32> to vector<1024x768xbf16>
    %get3A_2 = arith.constant 0 : index
    %get3A_3 = arith.constant 0 : index
    %get3A_4 = vector.load %arg2[%get3A_2, %get3A_3] : memref<768x256xbf16, #tpu.memory_space<vmem>>, vector<768x256xbf16>
    %dot_general3A = arith.constant dense<0.000000e+00> : vector<1024x256xf32>
    %dot_general3A_5 = tpu.matmul %convert_element_type3A, %get3A_4, %dot_general3A {dimension_numbers = #tpu.dot_dimension_numbers<[1], [0], [0], [1], [0, 0, 1, 1], [], []>, transpose_lhs_hint = false} : vector<1024x768xbf16>, vector<768x256xbf16>, vector<1024x256xf32> -> vector<1024x256xf32>
    %convert_element_type3A_6 = arith.truncf %dot_general3A_5 : vector<1024x256xf32> to vector<1024x256xbf16>
    %get3A_7 = arith.constant 0 : index
    %get3A_8 = arith.constant 0 : index
    %get3A_9 = vector.load %arg3[%get3A_7, %get3A_8] : memref<256x512xbf16, #tpu.memory_space<vmem>>, vector<256x512xbf16>
    %dot_general3A_10 = arith.constant dense<0.000000e+00> : vector<1024x512xf32>
    %dot_general3A_11 = tpu.matmul %convert_element_type3A_6, %get3A_9, %dot_general3A_10 {dimension_numbers = #tpu.dot_dimension_numbers<[1], [0], [0], [1], [0, 0, 1, 1], [], []>, transpose_lhs_hint = false} : vector<1024x256xbf16>, vector<256x512xbf16>, vector<1024x512xf32> -> vector<1024x512xf32>
    %get3A_12 = arith.constant 0 : index
    %get3A_13 = arith.constant 0 : index
    %get3A_14 = vector.load %arg4[%get3A_12, %get3A_13] : memref<1x512xf32, #tpu.memory_space<vmem>>, vector<1x512xf32>
    %add3A = vector.broadcast %get3A_14 : vector<1x512xf32> to vector<1024x512xf32>
    %add3A_15 = arith.addf %dot_general3A_11, %add3A : vector<1024x512xf32>
    %max3A = arith.constant 0.000000e+00 : f32
    %max3A_16 = vector.broadcast %max3A : f32 to vector<1024x512xf32>
    %max3A_17 = arith.maximumf %add3A_15, %max3A_16 : vector<1024x512xf32>
    %convert_element_type3A_18 = arith.truncf %max3A_17 : vector<1024x512xf32> to vector<1024x512xbf16>
    %get3A_19 = arith.constant 0 : index
    %get3A_20 = arith.constant 0 : index
    %get3A_21 = vector.load %arg5[%get3A_19, %get3A_20] : memref<512x256xbf16, #tpu.memory_space<vmem>>, vector<512x256xbf16>
    %dot_general3A_22 = arith.constant dense<0.000000e+00> : vector<1024x256xf32>
    %dot_general3A_23 = tpu.matmul %convert_element_type3A_18, %get3A_21, %dot_general3A_22 {dimension_numbers = #tpu.dot_dimension_numbers<[1], [0], [0], [1], [0, 0, 1, 1], [], []>, transpose_lhs_hint = false} : vector<1024x512xbf16>, vector<512x256xbf16>, vector<1024x256xf32> -> vector<1024x256xf32>
    %get3A_24 = arith.constant 0 : index
    %get3A_25 = arith.constant 0 : index
    %get3A_26 = vector.load %arg6[%get3A_24, %get3A_25] : memref<1x256xf32, #tpu.memory_space<vmem>>, vector<1x256xf32>
    %add3A_27 = vector.broadcast %get3A_26 : vector<1x256xf32> to vector<1024x256xf32>
    %add3A_28 = arith.addf %dot_general3A_23, %add3A_27 : vector<1024x256xf32>
    %max3A_29 = arith.constant 0.000000e+00 : f32
    %max3A_30 = vector.broadcast %max3A_29 : f32 to vector<1024x256xf32>
    %max3A_31 = arith.maximumf %add3A_28, %max3A_30 : vector<1024x256xf32>
    %get3A_32 = arith.constant 0 : index
    %get3A_33 = arith.constant 0 : index
    %get3A_34 = vector.load %arg7[%get3A_32, %get3A_33] : memref<1x256xf32, #tpu.memory_space<vmem>>, vector<1x256xf32>
    %mul3A = vector.broadcast %get3A_34 : vector<1x256xf32> to vector<1024x256xf32>
    %mul3A_35 = arith.mulf %max3A_31, %mul3A : vector<1024x256xf32>
    %reduce_sum3A = arith.constant dense<0.000000e+00> : vector<1024xf32>
    %reduce_sum3A_36 = vector.multi_reduction <add>, %mul3A_35, %reduce_sum3A [1] : vector<1024x256xf32> to vector<1024xf32>
    %broadcast_in_dim3A = vector.shape_cast %reduce_sum3A_36 : vector<1024xf32> to vector<1024x1xf32>
    %get3A_37 = arith.constant 0 : index
    %get3A_38 = arith.constant 0 : index
    %get3A_39 = vector.load %arg8[%get3A_37, %get3A_38] : memref<1x1xf32, #tpu.memory_space<vmem>>, vector<1x1xf32>
    %add3A_40 = vector.broadcast %get3A_39 : vector<1x1xf32> to vector<1024x1xf32>
    %add3A_41 = arith.addf %broadcast_in_dim3A, %add3A_40 : vector<1024x1xf32>
    %swap3A = arith.constant 0 : index
    %swap3A_42 = arith.constant 0 : index
    %swap3A_43 = vector.load %arg10[%swap3A, %swap3A_42] : memref<1024x1xf32, #tpu.memory_space<vmem>>, vector<1024x1xf32>
    tpu.vector_store %arg10[%swap3A, %swap3A_42], %add3A_41 {strides = array<i32>} : memref<1024x1xf32, #tpu.memory_space<vmem>>, vector<1024x1xf32>,
    return
  }
  func.func @transform_0(%arg0: i32) -> (i32, i32) {
    %c0_i32 = arith.constant 0 : i32
    %c0_i32_0 = arith.constant 0 : i32
    return %arg0, %c0_i32 : i32, i32
  }
  func.func @transform_1(%arg0: i32) -> (i32, i32) {
    %c0_i32 = arith.constant 0 : i32
    %c0_i32_0 = arith.constant 0 : i32
    %c0_i32_1 = arith.constant 0 : i32
    return %c0_i32, %c0_i32_0 : i32, i32
  }
  func.func @transform_2(%arg0: i32) -> (i32, i32) {
    %c0_i32 = arith.constant 0 : i32
    %c0_i32_0 = arith.constant 0 : i32
    %c0_i32_1 = arith.constant 0 : i32
    return %c0_i32, %c0_i32_0 : i32, i32
  }
  func.func @transform_3(%arg0: i32) -> (i32, i32) {
    %c0_i32 = arith.constant 0 : i32
    %c0_i32_0 = arith.constant 0 : i32
    %c0_i32_1 = arith.constant 0 : i32
    return %c0_i32, %c0_i32_0 : i32, i32
  }
  func.func @transform_4(%arg0: i32) -> (i32, i32) {
    %c0_i32 = arith.constant 0 : i32
    %c0_i32_0 = arith.constant 0 : i32
    %c0_i32_1 = arith.constant 0 : i32
    return %c0_i32, %c0_i32_0 : i32, i32
  }
  func.func @transform_5(%arg0: i32) -> (i32, i32) {
    %c0_i32 = arith.constant 0 : i32
    %c0_i32_0 = arith.constant 0 : i32
    %c0_i32_1 = arith.constant 0 : i32
    return %c0_i32, %c0_i32_0 : i32, i32
  }
  func.func @transform_6(%arg0: i32) -> (i32, i32) {
    %c0_i32 = arith.constant 0 : i32
    %c0_i32_0 = arith.constant 0 : i32
    %c0_i32_1 = arith.constant 0 : i32
    return %c0_i32, %c0_i32_0 : i32, i32
  }
  func.func @transform_7(%arg0: i32) -> (i32, i32) {
    %c0_i32 = arith.constant 0 : i32
    %c0_i32_0 = arith.constant 0 : i32
    %c0_i32_1 = arith.constant 0 : i32
    return %c0_i32, %c0_i32_0 : i32, i32
  }
  func.func @transform_9(%arg0: i32) -> (i32, i32) {
    %add3A = arith.constant 12 : i32
    %add3A_0 = arith.addi %add3A, %arg0 : i32
    %c0_i32 = arith.constant 0 : i32
    %c0_i32_1 = arith.constant 0 : i32
    return %add3A_0, %c0_i32 : i32, i32
  }
}

</mosaic_0001>

<sc_bundles>
// kernel: kernel.10.cloned.1.call-start
scs
__scs_entry_jumppad:
0x0: {  	(pc) =	sbr.rel $0x88, $3  }
0x1: {  	(tag) =	ssettag $0x0;
	lr =	simm.s32 $0x1  }
0x2: {  	[smem:$0x3F99] =	sst lr;
	_ =	strace $0xD0000000  }
0x3: {  	_ = 	snop  }
0x4: {  	_ = 	snop  }
0x5: {  	_ = 	snop  }
0x6: {  	_ = 	snop  }
0x7: {  	_ = 	snop  }
__scs_overlays_trampoline_lowered:
0x8: {  	[smem:$0x3FA8] =	sst s0  }
0x9: {  	[smem:$0x3FA9] =	sst s1  }
0xa: {  	[smem:$0x3FAA] =	sst s2  }
0xb: {  	[smem:$0x3FAB] =	sst s3  }
0xc: {  	[smem:$0x3FAC] =	sst s4  }
0xd: {  	[smem:$0x3FAD] =	sst s5  }
0xe: {  	[smem:$0x3FAE] =	sst s6  }
0xf: {  	[smem:$0x3FAF] =	sst s7  }
0x10: {  	[smem:$0x3FB0] =	sst s8  }
0x11: {  	[smem:$0x3FB1] =	sst s9;
	s0 =	simm.s32 @!p0 $0x0  }
0x12: {  	s1 =	sld [smem:$0x3F97];
	s0 =	simm.s32 @p0 $0x1  }
0x13: {  	[smem:$0x3FB2] =	sst s0;
	s0 =	simm.s32 @!p1 $0x0  }
0x14: {  	s2 =	sld [smem:$0x3F96];
	s0 =	simm.s32 @p1 $0x1  }
0x15: {  	[smem:$0x3FB3] =	sst s0;
	s0 =	simm.s32 @!p2 $0x0  }
0x16: {  	s3 =	sld [smem:$0x3FDB];
	s0 =	simm.s32 @p2 $0x1  }
0x17: {  	s4 =	simm.s32 $0x1BF5;
	[smem:$0x3FB5] =	sst s0  }
0x18: {  	s0 =	sld [smem:$0x3F98];
	_ =	swait.ge [sflag:s4], $0x0  }
0x19: {  	s7 =	sld [smem:$0x3F99]  }
0x1a: {  	s8 =	sadd.s32 $0xFFFFE003, lr  }
0x1b: {  	s9 =	sadd.s32 $0xFFFFFEF7, lr;
	s5 =	simm.s32 $0xFFFFFFFF;
	p2 =	slt.u32 s8, $0xFFFFF086  }
0x1c: {  	p1 =	slt.u32 s9, $0xF7A;
	s5 =	simm.s32 @!p2 $0x0  }
0x1d: {  	s5 =	simm.s32 @p1 $0x1;
	p0 =	seq.s32 s7, s2  }
0x1e: {  	s7 =	smul.u32 @!p0 $0xF7A, s2;
	p2 =	seq.s32 @!p0 s5, $0x0  }
0x1f: {  	s9 =	smul.u32 $0xF7A, s1;
	s8 =	simm.s32 @!p0 $0x1BF5;
	p2 =	por !p2, p0  }
0x20: {  	[sflag:s8] =	ssyncset.s32 @!p0 $0xFFFFF086;
	s6 =	sadd.s32 @!p0 s3, s7;
	s7 =	simm.s32 @!p0 $0x108  }
0x21: {  	s3 =	sadd.s32 s3, s9;
	s6 =	sadd.s32 @!p0 $0x88, s6;
	s7 =	simm.s32 @p2 $0x1082  }
0x22: {  	[simem:s7], [sflag:s8] =	dma.local @!p0 [hbm:s6], $0xF7A  }
0x23: {  	s9 =	sor.u32 $0xD0000000, s2;
	s6 =	simm.s32 $0x108;
	_ =	swait.ge @!p0 [sflag:s8], $0x0  }
0x24: {  	s3 =	sadd.s32 $0x88, s3;
	s6 =	simm.s32 @!p1 $0x1082;
	[sflag:s4] =	ssyncset.s32 $0xFFFFF086  }
0x25: {  	[simem:s6], [sflag:s4] =	dma.local [hbm:s3], $0xF7A  }
0x26: {  	[smem:$0x3F99] =	sst s1;
	(tag) =	ssettag s2;
	_ =	strace s9  }
0x27: {  	s1 =	sld [smem:$0x3FA9]  }
0x28: {  	s2 =	sld [smem:$0x3FAA]  }
0x29: {  	s4 =	sld [smem:$0x3FAC]  }
0x2a: {  	p0 =	seq.s32 s5, $0x0;
	s5 =	sld [smem:$0x3FAD]  }
0x2b: {  	s6 =	sld [smem:$0x3FAE]  }
0x2c: {  	s7 =	sld [smem:$0x3FAF]  }
0x2d: {  	s3 =	simm.s32 $0x108;
	s8 =	sld [smem:$0x3FB0]  }
0x2e: {  	s3 =	simm.s32 @!p0 $0x1082;
	s9 =	sld [smem:$0x3FB1]  }
0x2f: {  	lr =	sadd.s32 s0, s3;
	s0 =	sld [smem:$0x3FA8]  }
0x30: {  	s3 =	sld [smem:$0x3FAB]  }
0x31: {  	[smem:$0x3FB4] =	sst s10  }
0x32: {  	s10 =	sld [smem:$0x3FB2];
	_ =	sdelay $0x3  }
0x33: {  	p0 =	seq.s32 s10, $0x1;
	s10 =	sld [smem:$0x3FB4];
	_ =	sdelay $0x3  }
0x34: {  	[smem:$0x3FB4] =	sst s10  }
0x35: {  	s10 =	sld [smem:$0x3FB3];
	_ =	sdelay $0x3  }
0x36: {  	p1 =	seq.s32 s10, $0x1;
	s10 =	sld [smem:$0x3FB4];
	_ =	sdelay $0x3  }
0x37: {  	[smem:$0x3FB4] =	sst s10  }
0x38: {  	s10 =	sld [smem:$0x3FB5]  }
0x39: {  	_ = 	snop;
	(pc) =	sbr.ind lr, $3  }
0x3a: {  	_ = 	snop  }
0x3b: {  	_ = 	snop  }
0x3c: {  	p2 =	seq.s32 s10, $0x1;
	s10 =	sld [smem:$0x3FB4]  }
0x3d: {  	_ =	shalt  }
0x3e: {  	_ =	shalt  }
0x3f: {  	_ =	shalt  }
0x40: {  	_ =	shalt  }
0x41: {  	_ =	shalt  }
0x42: {  	_ =	shalt  }
0x43: {  	_ =	shalt  }
0x44: {  	_ =	shalt  }
0x45: {  	_ =	shalt  }
0x46: {  	_ =	shalt  }
0x47: {  	_ =	shalt  }
0x48: {  	_ =	shalt  }
0x49: {  	_ =	shalt  }
0x4a: {  	_ =	shalt  }
0x4b: {  	_ =	shalt  }
0x4c: {  	_ =	shalt  }
0x4d: {  	_ =	shalt  }
0x4e: {  	_ =	shalt  }
0x4f: {  	_ =	shalt  }
0x50: {  	_ =	shalt  }
0x51: {  	_ =	shalt  }
0x52: {  	_ =	shalt  }
0x53: {  	_ =	shalt  }
0x54: {  	_ =	shalt  }
0x55: {  	_ =	shalt  }
0x56: {  	_ =	shalt  }
0x57: {  	_ =	shalt  }
0x58: {  	_ =	shalt  }
0x59: {  	_ =	shalt  }
0x5a: {  	_ =	shalt  }
0x5b: {  	_ =	shalt  }
0x5c: {  	_ =	shalt  }
0x5d: {  	_ =	shalt  }
0x5e: {  	_ =	shalt  }
0x5f: {  	_ =	shalt  }
0x60: {  	_ =	shalt  }
0x61: {  	_ =	shalt  }
0x62: {  	_ =	shalt  }
0x63: {  	_ =	shalt  }
0x64: {  	_ =	shalt  }
0x65: {  	_ =	shalt  }
0x66: {  	_ =	shalt  }
0x67: {  	_ =	shalt  }
0x68: {  	_ =	shalt  }
0x69: {  	_ =	shalt  }
0x6a: {  	_ =	shalt  }
0x6b: {  	_ =	shalt  }
0x6c: {  	_ =	shalt  }
0x6d: {  	_ =	shalt  }
0x6e: {  	_ =	shalt  }
0x6f: {  	_ =	shalt  }
0x70: {  	_ =	shalt  }
0x71: {  	_ =	shalt  }
0x72: {  	_ =	shalt  }
0x73: {  	_ =	shalt  }
0x74: {  	_ =	shalt  }
0x75: {  	_ =	shalt  }
0x76: {  	_ =	shalt  }
0x77: {  	_ =	shalt  }
0x78: {  	_ =	shalt  }
0x79: {  	_ =	shalt  }
0x7a: {  	_ =	shalt  }
0x7b: {  	_ =	shalt  }
0x7c: {  	_ =	shalt  }
0x7d: {  	_ =	shalt  }
0x7e: {  	_ =	shalt  }
0x7f: {  	_ =	shalt  }
0x80: {  	_ =	shalt  }
0x81: {  	_ =	shalt  }
0x82: {  	_ =	shalt  }
0x83: {  	_ =	shalt  }
0x84: {  	_ =	shalt  }
0x85: {  	_ =	shalt  }
0x86: {  	_ =	shalt  }
0x87: {  	_ =	shalt  }
.Lfunc_end0:
.L_simem_size_0:
called_computation_lowered:
.L_overlay_start_0:
0x88: {  	s2 =	sld [smem:$0x3FD9]  }
0x89: {  	s3 =	sld [smem:$0x3FFE];
	_ =	sdelay $0x1  }
0x8a: {  	s1 =	srdreg.scid  }
0x8b: {  	s0 =	sand.u32 $0x1, s1  }
0x8c: {  	s16 =	sshll.u32 s0, $0xA;
	s2 =	sadd.s32 s3, s2  }
0x8d: {  	s2 =	sadd.s32 s2, s16  }
0x8e: {  	[smem:$0x3FC0] =	sst s2  }
0x8f: {  	_ = 	snop  }
0x90: {  	(tm) =	ssettm $0x1  }
0x91: {  	s17 =	sld [smem:$0x3FFB];
	_ =	sdelay $0x3  }
0x92: {  	_ =	strace s17  }
0x93: {  	s2 =	sld [smem:$0x3FFC];
	_ =	sdelay $0x3  }
0x94: {  	_ =	strace s2  }
0x95: {  	s2 =	sld [smem:$0x3FFD];
	_ =	sdelay $0x3  }
0x96: {  	_ =	strace s2  }
0x97: {  	_ =	strace $0x8FFFFFFF  }
0x98: {  	s18 =	sld [smem:$0x3FDB];
	_ =	sdelay $0x1  }
0x99: {  	s19 =	simm.s32 $_scs_section_size  }
0x9a: {  	s4 =	simm.s32 $_size__tile_overlayer_lowered;
	s5 =	simm.s32 $_tile_overlayer_lowered  }
0x9b: {  	s22 =	simm.s32 $0x1BFF;
	s21 =	sshll.u32 s5, $0x1;
	s2 =	sadd.s32 s19, s18  }
0x9c: {  	s6 =	simm.s32 $0x0;
	s20 =	sshll.u32 s4, $0x1;
	s4 =	sadd.s32 s21, s2  }
0x9d: {  	[timem:s6], [sflag:s22] =	dma.local [hbm:s4], s20  }
0x9e: {  	_ =	swait.ge [sflag:s22], s20  }
0x9f: {  	s3 =	ssub.s32 $0x0, s20;
	[sflag:s22] =	ssyncset.done $0x0  }
0xa0: {  	[sflag:s22] =	ssyncadd.s32 s3;
	_ =	sdelay $0x1  }
0xa1: {  	s23 =	simm.s32 $0x1B8B  }
0xa2: {  	_ =	swait.ge [sflag:s23], $0x1  }
0xa3: {  	[sflag:s23] =	ssyncset.done $0x0  }
0xa4: {  	s25 =	simm.s32 $0x1B8E;
	s24 =	sld [smem:$0x3FFE];
	[sflag:s23] =	ssyncadd.s32 $0xFFFFFFFF  }
0xa5: {  	s26 =	simm.s32 $execute0_lowered;
	[smem:$0x3FD2] =	sst s25  }
0xa6: {  	s4 =	sshll.u32 s26, $0x1;
	_ =	strace $0x80000046;
	[dreg:$0x1] =	wrdreg $0xFFFFFFFF  }
0xa7: {  	s28 =	simm.s32 $_size_execute0_lowered;
	s2 =	sadd.s32 s2, s4;
	[dreg:$0x0] =	wrdreg $0x0  }
0xa8: {  	s4 =	sshll.u32 s28, $0x1;
	[dreg:$0x2] =	wrdreg s2  }
0xa9: {  	[dreg:$0x3] =	wrdreg s4  }
0xaa: {  	[dreg:$0x4] =	wrdreg $0xC0  }
0xab: {  	_ =	task [dreg:s6], $0x5FFFF  }
0xac: {  	[dreg:$0x1] =	wrdreg $0xFFFFFFFF  }
0xad: {  	[dreg:$0x0] =	wrdreg $0x60  }
0xae: {  	[dreg:$0x2] =	wrdreg s24  }
0xaf: {  	[dreg:$0x3] =	wrdreg $0x9  }
0xb0: {  	_ =	task.clear_ibuf [dreg:s6], $0x4FFFF;
	_ =	strace $0x90000046  }
0xb1: {  	s29 =	simm.s32 $0x9;
	_ =	strace $0x80000048  }
0xb2: {  	_ =	swait.ge [sflag:s29], $0x1  }
0xb3: {  	[sflag:s29] =	ssyncadd.s32 $0xFFFFFFFF  }
0xb4: {  	_ =	strace $0x90000048  }
0xb5: {  	_ =	sfence  }
0xb6: {  	s30 =	sld [smem:$0x0];
	_ =	sdelay $0x2  }
0xb7: {  	s31 =	sshll.u32 s1, $0xD;
	s1 =	sshrl.u32 s1, $0x2  }
0xb8: {  	s3 =	sand.u32 $0x4000, s31;
	s1 =	sadd.s32 s1, s30  }
0xb9: {  	s0 =	sor.u32 s3, s0;
	s1 =	sshll.u32 s1, $0x11  }
0xba: {  	s0 =	sor.u32 s1, s0  }
0xbb: {  	s0 =	sadd.s32 $0x8F2B, s0  }
0xbc: {  	[sflag:s0] =	ssyncadd.remote.s32 $0x1  }
0xbd: {  	_ =	sfence.sel $0xFFFF  }
0xbe: {  	[dreg:$0x0] =	wrdreg $0xFFFFFFFF;
	(pc) =	sbr.abs _section_cstart, $3  }
0xbf: {  	[dreg:$0x1] =	wrdreg $0xFFFFFFFF  }
0xc0: {  	_ =	task.clear_ibuf [dreg:s6], $0x2FFFF;
	_ =	strace $0x9FFFFFFF  }
0xc1: {  	(tm) =	ssettm $0x7FFFFFFF  }
tec
execute0_lowered:
.L_overlay_start_1:
0x0: {  	(tag) =	ssettag $0x1  }
0x1: {  	s1 =	srdreg.scid  }
0x2: {  	s0 =	stileid.u32;
	s4 =	rddreg [dreg:$0x0];
	s2 =	simm.s32 $0x0  }
0x3: {  	s10 =	simm.s32 $0x4000;
	s11 =	simm.s32 $0xA000;
	s3 =	sand.u32 $0x1, s1  }
0x4: {  	s12 =	simm.s32 $0x1;
	s5 =	sshll.u32 s0, $0x8;
	s6 =	sshll.u32 s3, $0x7  }
0x5: {  	s13 =	simm.s32 $0x2;
	s1 =	rddreg [dreg:$0x1];
	s5 =	sor.u32 s6, s5  }
0x6: {  	s14 =	simm.s32 $0x0;
	[smem:$0x7FF] =	sst s2;
	s6 =	sshrl.u32 s5, $0x3  }
0x7: {  	s8 =	sadd.s32 $0x42400, s4;
	s3 =	ssub.s32 $0x2, s3;
	s7 =	smul.u32 $0x300, s6  }
0x8: {  	s30 =	sshrl.u32 s3, $0x1;
	s5 =	sshll.u32 s5, $0x4;
	s6 =	smul.u32 $0x1800, s6  }
0x9: {  	_ =	strace $0x80000047;
	s9 =	ssub.s32 s3, s30;
	s5 =	sadd.s32 s5, s4  }
0xa: {  	s4 =	sadd.s32 $0x2400, s5;
	s3 =	sadd.s32 s8, s7;
	s6 =	sshrl.u32 s6, $0x3  }
0xb: {  	s5 =	sadd.s32 $0xC00, s3;
	s31 =	sadd.s32 s8, s6;
	s8 =	smax.u32 s9, $0x1  }
0xc: {  	v0 =	vimm.f32 $0.0e+00;
	v1 =	vimm.f32 $1.000000000e+00;
	s9 =	simm.s32 $0x3;
	s6 =	sadd.s32 $0x1800, s31;
	s7 =	sadd.s32 $0x2400, s31  }
.LBB2_1:
0xd: {  	[tilespmem:s2], [sflag:$0x3] =	stream.linear.gather [hbm4b:s4+s2], $0x4000, $0x38;
	[tilespmem:$0x10000] =	vst v63  }
0xe: {  	_ =	swait.ge [sflag:s9], $0x4000  }
0xf: {  	[sflag:s9] =	ssyncset.done $0x0  }
0x10: {  	s15 =	simm.s32 $0x0;
	[sflag:s9] =	ssyncadd.s32 $0xFFFFC000  }
.LBB2_2:
0x11: {  	s16 =	sshrl.u32 s15, $0x3;
	s17 =	sshll.u32 s15, $0x7  }
0x12: {  	s17 =	sand.u32 $0x380, s17;
	s16 =	smul.u32 $0x6000, s16  }
0x13: {  	v2 =	vmov s17  }
0x14: {  	s18 =	simm.s32 $0x0;
	s16 =	sshra.s32 s16, $0x2  }
0x15: {  	s31 =	sand.u32 $0x1C00, s18;
	s17 =	sadd.s32 $0x4000, s16  }
0x16: {  	s18 =	sand.u32 $0x40, s18;
	s16 =	sadd.s32 s31, s17  }
0x17: {  	s16 =	sadd.s32 s18, s16  }
0x18: {  	s19 =	simm.s32 $0x40;
	s18 =	simm.s32 $0x200;
	[tilespmem:v2+s16+$0x0 ss:$0x1] =	vst.idx.msk $0xffff, v0  }
.LBB2_3:
0x19: {  	s20 =	sand.u32 $0x1C00, s18;
	[tilespmem:v2+s16+$0x10 ss:$0x1] =	vst.idx.msk $0xffff, v0;
	p0 =	sne.s32 s19, $0x2C0  }
.Ltmp0:
0x1a: {  	s21 =	sand.u32 $0x40, s19;
	s20 =	sadd.s32 s20, s17;
	[tilespmem:v2+s16+$0x20 ss:$0x1] =	vst.idx.msk $0xffff, v0;
	(pc) =	sbr.rel @p0 .LBB2_3-.Ltmp0, $3  }
0x1b: {  	[tilespmem:v2+s16+$0x30 ss:$0x1] =	vst.idx.msk $0xffff, v0;
	s16 =	sadd.s32 s21, s20  }
0x1c: {  	[tilespmem:v2+s16+$0x0 ss:$0x1] =	vst.idx.msk $0xffff, v0;
	_ =	sdelay $0x1  }
0x1d: {  	s18 =	sadd.s32 $0x200, s18;
	s19 =	sadd.s32 $0x40, s19  }
0x1e: {  	s15 =	sadd.s32 $0x1, s15  }
0x1f: {  	p0 =	sne.s32 s15, $0x20  }
.Ltmp1:
0x20: {  	_ = 	snop;
	(pc) =	sbr.rel @p0 .LBB2_2-.Ltmp1, $4  }
0x21: {  	_ = 	snop  }
0x22: {  	[tilespmem:v2+s16+$0x10 ss:$0x1] =	vst.idx.msk $0xffff, v0  }
0x23: {  	[tilespmem:v2+s16+$0x20 ss:$0x1] =	vst.idx.msk $0xffff, v0  }
0x24: {  	[tilespmem:v2+s16+$0x30 ss:$0x1] =	vst.idx.msk $0xffff, v0  }
0x25: {  	s15 =	simm.s32 $0x0;
	s16 =	simm.s32 $0x90  }
.LBB2_6:
0x26: {  	v2 =	vld [tilespmem:s16+$0xFFFFFF70]  }
0x27: {  	v3 =	vld [tilespmem:s16+$0xFFFFFF80];
	_ =	sdelay $0x1  }
0x28: {  	v4 =	vmov s15  }
0x29: {  	v5 =	vshrl.u32 v4, $0x3  }
0x2a: {  	v5 =	vmul.u32 $0x1800, v5;
	v6 =	vand.u32 $0x7F, v2;
	v2 =	vshll.u32 v2, $0x3  }
0x2b: {  	v4 =	vshll.u32 v4, $0x7;
	v7 =	vshll.u32 v3, $0x3;
	v2 =	vand.u32 $0xFFFFFC00, v2  }
0x2c: {  	v4 =	vand.u32 $0x300, v4;
	v7 =	vand.u32 $0xFFFFFC00, v7;
	v2 =	vadd.s32 v5, v2  }
0x2d: {  	v3 =	vand.u32 $0x7F, v3;
	v5 =	vadd.s32 v5, v7;
	v2 =	vor.u32 v6, v2  }
0x2e: {  	v3 =	vor.u32 v3, v5;
	v2 =	vor.u32 v4, v2  }
0x2f: {  	v3 =	vor.u32 v4, v3;
	_ =	sdelay $0x3  }
0x30: {  	[tilespmem:v2+s10+$0x0] =	vst.idx.add.f32.msk $0xffff, v1  }
0x31: {  	[tilespmem:v3+s10+$0x0] =	vst.idx.add.f32.msk $0xffff, v1  }
0x32: {  	v2 =	vld [tilespmem:s16+$0xFFFFFFF0]  }
0x33: {  	v3 =	vld [tilespmem:s16+$0x0]  }
0x34: {  	s17 =	sadd.s32 $0x1, s15  }
0x35: {  	v59 =	vmov s17  }
0x36: {  	v60 =	vshrl.u32 v59, $0x3  }
0x37: {  	v5 =	vmul.u32 $0x1800, v60;
	v4 =	vshll.u32 v59, $0x7;
	v61 =	vshll.u32 v2, $0x3  }
0x38: {  	v4 =	vand.u32 $0x380, v4;
	v62 =	vshll.u32 v3, $0x3;
	v6 =	vand.u32 $0xFFFFFC00, v61  }
0x39: {  	v2 =	vand.u32 $0x7F, v2;
	v63 =	vand.u32 $0xFFFFFC00, v62;
	v6 =	vadd.s32 v5, v6  }
0x3a: {  	v3 =	vand.u32 $0x7F, v3;
	v5 =	vadd.s32 v5, v63;
	v2 =	vor.u32 v2, v6  }
0x3b: {  	v3 =	vor.u32 v3, v5;
	v2 =	vor.u32 v4, v2  }
0x3c: {  	p0 =	sne.s32 s15, $0x1E;
	v3 =	vor.u32 v4, v3  }
.Ltmp2:
0x3d: {  	_ = 	snop;
	(pc) =	sbr.rel @p0 .LBB2_6-.Ltmp2, $3  }
0x3e: {  	_ =	sdelay $0x1  }
0x3f: {  	[tilespmem:v2+s10+$0x0] =	vst.idx.add.f32.msk $0xffff, v1  }
0x40: {  	s15 =	sadd.s32 $0x2, s15;
	s16 =	sadd.s32 $0x100, s16;
	[tilespmem:v3+s10+$0x0] =	vst.idx.add.f32.msk $0xffff, v1  }
0x41: {  	s15 =	simm.s32 $0x0;
	s16 =	simm.s32 $0x0  }
0x42: {  	[hbm4b:s3+s15] =	stream.linear.scatter [tilespmem:s10], [sflag:$0x1], $0x6000, $0x38;
	[tilespmem:$0x10000] =	vst v63  }
.LBB2_8:
0x43: {  	s17 =	sshrl.u32 s16, $0x3;
	s18 =	sshll.u32 s16, $0x7  }
0x44: {  	s18 =	sand.u32 $0x380, s18;
	s17 =	smul.u32 $0x6000, s17  }
0x45: {  	v2 =	vmov s18  }
0x46: {  	s17 =	sshra.s32 s17, $0x2  }
0x47: {  	s31 =	sand.u32 $0x1C00, s15;
	s18 =	sadd.s32 $0xA000, s17  }
0x48: {  	s19 =	sand.u32 $0x40, s15;
	s17 =	sadd.s32 s31, s18  }
0x49: {  	s17 =	sadd.s32 s19, s17  }
0x4a: {  	s20 =	simm.s32 $0x40;
	s19 =	simm.s32 $0x200;
	[tilespmem:v2+s17+$0x0 ss:$0x1] =	vst.idx.msk $0xffff, v0  }
.LBB2_9:
0x4b: {  	s21 =	sand.u32 $0x1C00, s19;
	[tilespmem:v2+s17+$0x10 ss:$0x1] =	vst.idx.msk $0xffff, v0;
	p0 =	sne.s32 s20, $0x2C0  }
.Ltmp3:
0x4c: {  	s22 =	sand.u32 $0x40, s20;
	s21 =	sadd.s32 s21, s18;
	[tilespmem:v2+s17+$0x20 ss:$0x1] =	vst.idx.msk $0xffff, v0;
	(pc) =	sbr.rel @p0 .LBB2_9-.Ltmp3, $3  }
0x4d: {  	[tilespmem:v2+s17+$0x30 ss:$0x1] =	vst.idx.msk $0xffff, v0;
	s17 =	sadd.s32 s22, s21  }
0x4e: {  	[tilespmem:v2+s17+$0x0 ss:$0x1] =	vst.idx.msk $0xffff, v0;
	_ =	sdelay $0x1  }
0x4f: {  	s19 =	sadd.s32 $0x200, s19;
	s20 =	sadd.s32 $0x40, s20  }
0x50: {  	s16 =	sadd.s32 $0x1, s16  }
0x51: {  	p0 =	sne.s32 s16, $0x20  }
.Ltmp4:
0x52: {  	_ = 	snop;
	(pc) =	sbr.rel @p0 .LBB2_8-.Ltmp4, $4  }
0x53: {  	_ = 	snop  }
0x54: {  	[tilespmem:v2+s17+$0x10 ss:$0x1] =	vst.idx.msk $0xffff, v0  }
0x55: {  	[tilespmem:v2+s17+$0x20 ss:$0x1] =	vst.idx.msk $0xffff, v0  }
0x56: {  	[tilespmem:v2+s17+$0x30 ss:$0x1] =	vst.idx.msk $0xffff, v0  }
0x57: {  	s15 =	simm.s32 $0x0;
	s16 =	simm.s32 $0x1090  }
.LBB2_12:
0x58: {  	v2 =	vld [tilespmem:s16+$0xFFFFFF70]  }
0x59: {  	v3 =	vld [tilespmem:s16+$0xFFFFFF80];
	_ =	sdelay $0x1  }
0x5a: {  	v4 =	vmov s15  }
0x5b: {  	v5 =	vshrl.u32 v4, $0x3  }
0x5c: {  	v5 =	vmul.u32 $0x1800, v5;
	v6 =	vand.u32 $0x7F, v2;
	v2 =	vshll.u32 v2, $0x3  }
0x5d: {  	v4 =	vshll.u32 v4, $0x7;
	v7 =	vshll.u32 v3, $0x3;
	v2 =	vand.u32 $0xFFFFFC00, v2  }
0x5e: {  	v4 =	vand.u32 $0x300, v4;
	v7 =	vand.u32 $0xFFFFFC00, v7;
	v2 =	vadd.s32 v5, v2  }
0x5f: {  	v3 =	vand.u32 $0x7F, v3;
	v5 =	vadd.s32 v5, v7;
	v2 =	vor.u32 v6, v2  }
0x60: {  	v3 =	vor.u32 v3, v5;
	v2 =	vor.u32 v4, v2  }
0x61: {  	v3 =	vor.u32 v4, v3;
	_ =	sdelay $0x3  }
0x62: {  	[tilespmem:v2+s11+$0x0] =	vst.idx.add.f32.msk $0xffff, v1  }
0x63: {  	[tilespmem:v3+s11+$0x0] =	vst.idx.add.f32.msk $0xffff, v1  }
0x64: {  	v2 =	vld [tilespmem:s16+$0xFFFFFFF0]  }
0x65: {  	v3 =	vld [tilespmem:s16+$0x0]  }
0x66: {  	s17 =	sadd.s32 $0x1, s15  }
0x67: {  	v59 =	vmov s17  }
0x68: {  	v60 =	vshrl.u32 v59, $0x3  }
0x69: {  	v5 =	vmul.u32 $0x1800, v60;
	v4 =	vshll.u32 v59, $0x7;
	v61 =	vshll.u32 v2, $0x3  }
0x6a: {  	v4 =	vand.u32 $0x380, v4;
	v62 =	vshll.u32 v3, $0x3;
	v6 =	vand.u32 $0xFFFFFC00, v61  }
0x6b: {  	v2 =	vand.u32 $0x7F, v2;
	v63 =	vand.u32 $0xFFFFFC00, v62;
	v6 =	vadd.s32 v5, v6  }
0x6c: {  	v3 =	vand.u32 $0x7F, v3;
	v5 =	vadd.s32 v5, v63;
	v2 =	vor.u32 v2, v6  }
0x6d: {  	v3 =	vor.u32 v3, v5;
	v2 =	vor.u32 v4, v2  }
0x6e: {  	p0 =	sne.s32 s15, $0x1E;
	v3 =	vor.u32 v4, v3  }
.Ltmp5:
0x6f: {  	_ = 	snop;
	(pc) =	sbr.rel @p0 .LBB2_12-.Ltmp5, $3  }
0x70: {  	_ =	sdelay $0x1  }
0x71: {  	[tilespmem:v2+s11+$0x0] =	vst.idx.add.f32.msk $0xffff, v1  }
0x72: {  	s15 =	sadd.s32 $0x2, s15;
	s16 =	sadd.s32 $0x100, s16;
	[tilespmem:v3+s11+$0x0] =	vst.idx.add.f32.msk $0xffff, v1  }
0x73: {  	s15 =	simm.s32 $0x0  }
0x74: {  	[hbm4b:s5+s15] =	stream.linear.scatter [tilespmem:s11], [sflag:$0x2], $0x6000, $0x38;
	[tilespmem:$0x10000] =	vst v63  }
0x75: {  	_ =	swait.ge [sflag:s12], $0x6000  }
0x76: {  	[sflag:s12] =	ssyncset.done $0x0  }
0x77: {  	s16 =	simm.s32 $0x10;
	s17 =	simm.s32 $0x0;
	[sflag:s12] =	ssyncadd.s32 $0xFFFFA000  }
.LBB2_14:
0x78: {  	v2 =	vld [tilespmem:s16+$0xFFFFFFF0]  }
0x79: {  	v3 =	vld [tilespmem:s16+$0x0];
	_ =	sdelay $0x1  }
0x7a: {  	v4 =	vmov s17  }
0x7b: {  	v5 =	vshrl.u32 v4, $0x3  }
0x7c: {  	v4 =	vshll.u32 v4, $0x7;
	v5 =	vmul.u32 $0x1800, v5;
	v6 =	vshll.u32 v2, $0x3  }
0x7d: {  	v4 =	vand.u32 $0x380, v4;
	v7 =	vshll.u32 v3, $0x3;
	v6 =	vand.u32 $0xFFFFFC00, v6  }
0x7e: {  	v2 =	vand.u32 $0x7F, v2;
	v63 =	vand.u32 $0xFFFFFC00, v7;
	v6 =	vadd.s32 v5, v6  }
0x7f: {  	v3 =	vand.u32 $0x7F, v3;
	v5 =	vadd.s32 v5, v63;
	v2 =	vor.u32 v2, v6  }
0x80: {  	v3 =	vor.u32 v3, v5;
	v2 =	vor.u32 v4, v2  }
0x81: {  	p0 =	sne.s32 s17, $0x1F;
	v3 =	vor.u32 v4, v3  }
.Ltmp6:
0x82: {  	_ = 	snop;
	(pc) =	sbr.rel @p0 .LBB2_14-.Ltmp6, $3  }
0x83: {  	_ =	sdelay $0x1  }
0x84: {  	[tilespmem:v2+s10+$0x0] =	vst.idx.msk $0xffff, v0  }
0x85: {  	s16 =	sadd.s32 $0x80, s16;
	s17 =	sadd.s32 $0x1, s17;
	[tilespmem:v3+s10+$0x0] =	vst.idx.msk $0xffff, v0  }
0x86: {  	s16 =	simm.s32 $0x2090  }
.LBB2_16:
0x87: {  	v2 =	vld [tilespmem:s16+$0xFFFFFF70]  }
0x88: {  	v3 =	vld [tilespmem:s16+$0xFFFFFF80];
	_ =	sdelay $0x1  }
0x89: {  	v4 =	vmov s15  }
0x8a: {  	v5 =	vshrl.u32 v4, $0x3  }
0x8b: {  	v5 =	vmul.u32 $0x1800, v5;
	v6 =	vand.u32 $0x7F, v2;
	v2 =	vshll.u32 v2, $0x3  }
0x8c: {  	v4 =	vshll.u32 v4, $0x7;
	v7 =	vshll.u32 v3, $0x3;
	v2 =	vand.u32 $0xFFFFFC00, v2  }
0x8d: {  	v4 =	vand.u32 $0x300, v4;
	v7 =	vand.u32 $0xFFFFFC00, v7;
	v2 =	vadd.s32 v5, v2  }
0x8e: {  	v3 =	vand.u32 $0x7F, v3;
	v5 =	vadd.s32 v5, v7;
	v2 =	vor.u32 v6, v2  }
0x8f: {  	v3 =	vor.u32 v3, v5;
	v2 =	vor.u32 v4, v2  }
0x90: {  	v3 =	vor.u32 v4, v3;
	_ =	sdelay $0x3  }
0x91: {  	[tilespmem:v2+s10+$0x0] =	vst.idx.add.f32.msk $0xffff, v1  }
0x92: {  	[tilespmem:v3+s10+$0x0] =	vst.idx.add.f32.msk $0xffff, v1  }
0x93: {  	v2 =	vld [tilespmem:s16+$0xFFFFFFF0]  }
0x94: {  	v3 =	vld [tilespmem:s16+$0x0]  }
0x95: {  	s17 =	sadd.s32 $0x1, s15  }
0x96: {  	v59 =	vmov s17  }
0x97: {  	v60 =	vshrl.u32 v59, $0x3  }
0x98: {  	v5 =	vmul.u32 $0x1800, v60;
	v4 =	vshll.u32 v59, $0x7;
	v61 =	vshll.u32 v2, $0x3  }
0x99: {  	v4 =	vand.u32 $0x380, v4;
	v62 =	vshll.u32 v3, $0x3;
	v6 =	vand.u32 $0xFFFFFC00, v61  }
0x9a: {  	v2 =	vand.u32 $0x7F, v2;
	v63 =	vand.u32 $0xFFFFFC00, v62;
	v6 =	vadd.s32 v5, v6  }
0x9b: {  	v3 =	vand.u32 $0x7F, v3;
	v5 =	vadd.s32 v5, v63;
	v2 =	vor.u32 v2, v6  }
0x9c: {  	v3 =	vor.u32 v3, v5;
	v2 =	vor.u32 v4, v2  }
0x9d: {  	p0 =	sne.s32 s15, $0x1E;
	v3 =	vor.u32 v4, v3  }
.Ltmp7:
0x9e: {  	_ = 	snop;
	(pc) =	sbr.rel @p0 .LBB2_16-.Ltmp7, $3  }
0x9f: {  	_ =	sdelay $0x1  }
0xa0: {  	[tilespmem:v2+s10+$0x0] =	vst.idx.add.f32.msk $0xffff, v1  }
0xa1: {  	s15 =	sadd.s32 $0x2, s15;
	s16 =	sadd.s32 $0x100, s16;
	[tilespmem:v3+s10+$0x0] =	vst.idx.add.f32.msk $0xffff, v1  }
0xa2: {  	s15 =	simm.s32 $0x0  }
0xa3: {  	[hbm4b:s6+s15] =	stream.linear.scatter [tilespmem:s10], [sflag:$0x1], $0x6000, $0x38;
	[tilespmem:$0x10000] =	vst v63  }
0xa4: {  	_ =	swait.ge [sflag:s13], $0x6000  }
0xa5: {  	[sflag:s13] =	ssyncset.done $0x0  }
0xa6: {  	s16 =	simm.s32 $0x1010;
	s17 =	simm.s32 $0x0;
	[sflag:s13] =	ssyncadd.s32 $0xFFFFA000  }
.LBB2_18:
0xa7: {  	v2 =	vld [tilespmem:s16+$0xFFFFFFF0]  }
0xa8: {  	v3 =	vld [tilespmem:s16+$0x0];
	_ =	sdelay $0x1  }
0xa9: {  	v4 =	vmov s17  }
0xaa: {  	v5 =	vshrl.u32 v4, $0x3  }
0xab: {  	v4 =	vshll.u32 v4, $0x7;
	v5 =	vmul.u32 $0x1800, v5;
	v6 =	vshll.u32 v2, $0x3  }
0xac: {  	v4 =	vand.u32 $0x380, v4;
	v7 =	vshll.u32 v3, $0x3;
	v6 =	vand.u32 $0xFFFFFC00, v6  }
0xad: {  	v2 =	vand.u32 $0x7F, v2;
	v63 =	vand.u32 $0xFFFFFC00, v7;
	v6 =	vadd.s32 v5, v6  }
0xae: {  	v3 =	vand.u32 $0x7F, v3;
	v5 =	vadd.s32 v5, v63;
	v2 =	vor.u32 v2, v6  }
0xaf: {  	v3 =	vor.u32 v3, v5;
	v2 =	vor.u32 v4, v2  }
0xb0: {  	p0 =	sne.s32 s17, $0x1F;
	v3 =	vor.u32 v4, v3  }
.Ltmp8:
0xb1: {  	_ = 	snop;
	(pc) =	sbr.rel @p0 .LBB2_18-.Ltmp8, $3  }
0xb2: {  	_ =	sdelay $0x1  }
0xb3: {  	[tilespmem:v2+s11+$0x0] =	vst.idx.msk $0xffff, v0  }
0xb4: {  	s16 =	sadd.s32 $0x80, s16;
	s17 =	sadd.s32 $0x1, s17;
	[tilespmem:v3+s11+$0x0] =	vst.idx.msk $0xffff, v0  }
0xb5: {  	s16 =	simm.s32 $0x3090  }
.LBB2_20:
0xb6: {  	v2 =	vld [tilespmem:s16+$0xFFFFFF70]  }
0xb7: {  	v3 =	vld [tilespmem:s16+$0xFFFFFF80];
	_ =	sdelay $0x1  }
0xb8: {  	v4 =	vmov s15  }
0xb9: {  	v5 =	vshrl.u32 v4, $0x3  }
0xba: {  	v5 =	vmul.u32 $0x1800, v5;
	v6 =	vand.u32 $0x7F, v2;
	v2 =	vshll.u32 v2, $0x3  }
0xbb: {  	v4 =	vshll.u32 v4, $0x7;
	v7 =	vshll.u32 v3, $0x3;
	v2 =	vand.u32 $0xFFFFFC00, v2  }
0xbc: {  	v4 =	vand.u32 $0x300, v4;
	v7 =	vand.u32 $0xFFFFFC00, v7;
	v2 =	vadd.s32 v5, v2  }
0xbd: {  	v3 =	vand.u32 $0x7F, v3;
	v5 =	vadd.s32 v5, v7;
	v2 =	vor.u32 v6, v2  }
0xbe: {  	v3 =	vor.u32 v3, v5;
	v2 =	vor.u32 v4, v2  }
0xbf: {  	v3 =	vor.u32 v4, v3;
	_ =	sdelay $0x3  }
0xc0: {  	[tilespmem:v2+s11+$0x0] =	vst.idx.add.f32.msk $0xffff, v1  }
0xc1: {  	[tilespmem:v3+s11+$0x0] =	vst.idx.add.f32.msk $0xffff, v1  }
0xc2: {  	v2 =	vld [tilespmem:s16+$0xFFFFFFF0]  }
0xc3: {  	v3 =	vld [tilespmem:s16+$0x0]  }
0xc4: {  	s17 =	sadd.s32 $0x1, s15  }
0xc5: {  	v59 =	vmov s17  }
0xc6: {  	v60 =	vshrl.u32 v59, $0x3  }
0xc7: {  	v5 =	vmul.u32 $0x1800, v60;
	v4 =	vshll.u32 v59, $0x7;
	v61 =	vshll.u32 v2, $0x3  }
0xc8: {  	v4 =	vand.u32 $0x380, v4;
	v62 =	vshll.u32 v3, $0x3;
	v6 =	vand.u32 $0xFFFFFC00, v61  }
0xc9: {  	v2 =	vand.u32 $0x7F, v2;
	v63 =	vand.u32 $0xFFFFFC00, v62;
	v6 =	vadd.s32 v5, v6  }
0xca: {  	v3 =	vand.u32 $0x7F, v3;
	v5 =	vadd.s32 v5, v63;
	v2 =	vor.u32 v2, v6  }
0xcb: {  	v3 =	vor.u32 v3, v5;
	v2 =	vor.u32 v4, v2  }
0xcc: {  	p0 =	sne.s32 s15, $0x1E;
	v3 =	vor.u32 v4, v3  }
.Ltmp9:
0xcd: {  	_ = 	snop;
	(pc) =	sbr.rel @p0 .LBB2_20-.Ltmp9, $3  }
0xce: {  	_ =	sdelay $0x1  }
0xcf: {  	[tilespmem:v2+s11+$0x0] =	vst.idx.add.f32.msk $0xffff, v1  }
0xd0: {  	s15 =	sadd.s32 $0x2, s15;
	s16 =	sadd.s32 $0x100, s16;
	[tilespmem:v3+s11+$0x0] =	vst.idx.add.f32.msk $0xffff, v1  }
0xd1: {  	[hbm4b:s7+s2] =	stream.linear.scatter [tilespmem:s11], [sflag:$0x2], $0x6000, $0x38;
	[tilespmem:$0x10000] =	vst v63  }
0xd2: {  	s14 =	sadd.s32 $0x1, s14  }
0xd3: {  	_ =	swait.ge [sflag:s12], $0x6000;
	p0 =	sne.s32 s14, s8  }
.Ltmp10:
0xd4: {  	[sflag:s12] =	ssyncset.done $0x0;
	(pc) =	sbr.rel @p0 .LBB2_1-.Ltmp10, $4  }
0xd5: {  	[sflag:s12] =	ssyncadd.s32 $0xFFFFA000  }
0xd6: {  	_ =	swait.ge [sflag:s13], $0x6000  }
0xd7: {  	[sflag:s13] =	ssyncset.done $0x0  }
0xd8: {  	[sflag:s13] =	ssyncadd.s32 $0xFFFFA000  }
0xd9: {  	_ =	sfence.sel $0x180000  }
0xda: {  	[bflag:$0x0] =	sbarrier.arrive $0xFFFF  }
0xdb: {  	p0 =	sne.s32 s0, $0x0;
	_ =	strace $0x90000047  }
0xdc: {  	s0 =	sadd.s32 @!p0 $0x100000, s1;
	[bflag:$0x2] =	sbarrier.arrive $0xFFFF  }
0xdd: {  	[sflag:s0] =	ssyncadd.tile.s32 @!p0 $0x1;
	_ =	shalt  }
.Lfunc_end2:
_tile_overlayer_lowered:
.L_overlay_start_2:
0xde: {  	(tag) =	ssettag $0x2  }
0xdf: {  	s0 =	rddreg [dreg:$0x0];
	s2 =	stileid.u32  }
0xe0: {  	s1 =	rddreg [dreg:$0x1];
	p0 =	sne.s32 s2, $0x0  }
0xe1: {  	s3 =	rddreg [dreg:$0x2];
	[bflag:$0x3] =	sbarrier.arrive $0xFFFF;
	s2 =	simm.s32 @!p0 $0x1C03  }
0xe2: {  	[timem:s3], [sflag:s2] =	dma.local @!p0 [hbm:s0], s1  }
0xe3: {  	s0 =	simm.s32 @!p0 $0x3  }
0xe4: {  	_ =	swait.ge @!p0 [sflag:s0], s1  }
0xe5: {  	s1 =	ssub.s32 @!p0 $0x0, s1;
	[sflag:s0] =	ssyncset.done @!p0 $0x0  }
0xe6: {  	[sflag:s0] =	ssyncadd.s32 @!p0 s1  }
0xe7: {  	[bflag:$0x3] =	sbarrier.arrive $0xFFFF  }
0xe8: {  	_ =	shalt  }

// kernel: kernel.13.cloned.1.call-start
scs
__scs_entry_jumppad:
0x0: {  	(pc) =	sbr.rel $0x88, $3  }
0x1: {  	(tag) =	ssettag $0x0;
	lr =	simm.s32 $0x1  }
0x2: {  	[smem:$0x3F99] =	sst lr;
	_ =	strace $0xD0000000  }
0x3: {  	_ = 	snop  }
0x4: {  	_ = 	snop  }
0x5: {  	_ = 	snop  }
0x6: {  	_ = 	snop  }
0x7: {  	_ = 	snop  }
__scs_overlays_trampoline_lowered:
0x8: {  	[smem:$0x3FA8] =	sst s0  }
0x9: {  	[smem:$0x3FA9] =	sst s1  }
0xa: {  	[smem:$0x3FAA] =	sst s2  }
0xb: {  	[smem:$0x3FAB] =	sst s3  }
0xc: {  	[smem:$0x3FAC] =	sst s4  }
0xd: {  	[smem:$0x3FAD] =	sst s5  }
0xe: {  	[smem:$0x3FAE] =	sst s6  }
0xf: {  	[smem:$0x3FAF] =	sst s7  }
0x10: {  	[smem:$0x3FB0] =	sst s8  }
0x11: {  	[smem:$0x3FB1] =	sst s9;
	s0 =	simm.s32 @!p0 $0x0  }
0x12: {  	s1 =	sld [smem:$0x3F97];
	s0 =	simm.s32 @p0 $0x1  }
0x13: {  	[smem:$0x3FB2] =	sst s0;
	s0 =	simm.s32 @!p1 $0x0  }
0x14: {  	s2 =	sld [smem:$0x3F96];
	s0 =	simm.s32 @p1 $0x1  }
0x15: {  	[smem:$0x3FB3] =	sst s0;
	s0 =	simm.s32 @!p2 $0x0  }
0x16: {  	s3 =	sld [smem:$0x3FDB];
	s0 =	simm.s32 @p2 $0x1  }
0x17: {  	s4 =	simm.s32 $0x1BF5;
	[smem:$0x3FB5] =	sst s0  }
0x18: {  	s0 =	sld [smem:$0x3F98];
	_ =	swait.ge [sflag:s4], $0x0  }
0x19: {  	s7 =	sld [smem:$0x3F99]  }
0x1a: {  	s8 =	sadd.s32 $0xFFFFE003, lr  }
0x1b: {  	s9 =	sadd.s32 $0xFFFFFEF7, lr;
	s5 =	simm.s32 $0xFFFFFFFF;
	p2 =	slt.u32 s8, $0xFFFFF086  }
0x1c: {  	p1 =	slt.u32 s9, $0xF7A;
	s5 =	simm.s32 @!p2 $0x0  }
0x1d: {  	s5 =	simm.s32 @p1 $0x1;
	p0 =	seq.s32 s7, s2  }
0x1e: {  	s7 =	smul.u32 @!p0 $0xF7A, s2;
	p2 =	seq.s32 @!p0 s5, $0x0  }
0x1f: {  	s9 =	smul.u32 $0xF7A, s1;
	s8 =	simm.s32 @!p0 $0x1BF5;
	p2 =	por !p2, p0  }
0x20: {  	[sflag:s8] =	ssyncset.s32 @!p0 $0xFFFFF086;
	s6 =	sadd.s32 @!p0 s3, s7;
	s7 =	simm.s32 @!p0 $0x108  }
0x21: {  	s3 =	sadd.s32 s3, s9;
	s6 =	sadd.s32 @!p0 $0x88, s6;
	s7 =	simm.s32 @p2 $0x1082  }
0x22: {  	[simem:s7], [sflag:s8] =	dma.local @!p0 [hbm:s6], $0xF7A  }
0x23: {  	s9 =	sor.u32 $0xD0000000, s2;
	s6 =	simm.s32 $0x108;
	_ =	swait.ge @!p0 [sflag:s8], $0x0  }
0x24: {  	s3 =	sadd.s32 $0x88, s3;
	s6 =	simm.s32 @!p1 $0x1082;
	[sflag:s4] =	ssyncset.s32 $0xFFFFF086  }
0x25: {  	[simem:s6], [sflag:s4] =	dma.local [hbm:s3], $0xF7A  }
0x26: {  	[smem:$0x3F99] =	sst s1;
	(tag) =	ssettag s2;
	_ =	strace s9  }
0x27: {  	s1 =	sld [smem:$0x3FA9]  }
0x28: {  	s2 =	sld [smem:$0x3FAA]  }
0x29: {  	s4 =	sld [smem:$0x3FAC]  }
0x2a: {  	p0 =	seq.s32 s5, $0x0;
	s5 =	sld [smem:$0x3FAD]  }
0x2b: {  	s6 =	sld [smem:$0x3FAE]  }
0x2c: {  	s7 =	sld [smem:$0x3FAF]  }
0x2d: {  	s3 =	simm.s32 $0x108;
	s8 =	sld [smem:$0x3FB0]  }
0x2e: {  	s3 =	simm.s32 @!p0 $0x1082;
	s9 =	sld [smem:$0x3FB1]  }
0x2f: {  	lr =	sadd.s32 s0, s3;
	s0 =	sld [smem:$0x3FA8]  }
0x30: {  	s3 =	sld [smem:$0x3FAB]  }
0x31: {  	[smem:$0x3FB4] =	sst s10  }
0x32: {  	s10 =	sld [smem:$0x3FB2];
	_ =	sdelay $0x3  }
0x33: {  	p0 =	seq.s32 s10, $0x1;
	s10 =	sld [smem:$0x3FB4];
	_ =	sdelay $0x3  }
0x34: {  	[smem:$0x3FB4] =	sst s10  }
0x35: {  	s10 =	sld [smem:$0x3FB3];
	_ =	sdelay $0x3  }
0x36: {  	p1 =	seq.s32 s10, $0x1;
	s10 =	sld [smem:$0x3FB4];
	_ =	sdelay $0x3  }
0x37: {  	[smem:$0x3FB4] =	sst s10  }
0x38: {  	s10 =	sld [smem:$0x3FB5]  }
0x39: {  	_ = 	snop;
	(pc) =	sbr.ind lr, $3  }
0x3a: {  	_ = 	snop  }
0x3b: {  	_ = 	snop  }
0x3c: {  	p2 =	seq.s32 s10, $0x1;
	s10 =	sld [smem:$0x3FB4]  }
0x3d: {  	_ =	shalt  }
0x3e: {  	_ =	shalt  }
0x3f: {  	_ =	shalt  }
0x40: {  	_ =	shalt  }
0x41: {  	_ =	shalt  }
0x42: {  	_ =	shalt  }
0x43: {  	_ =	shalt  }
0x44: {  	_ =	shalt  }
0x45: {  	_ =	shalt  }
0x46: {  	_ =	shalt  }
0x47: {  	_ =	shalt  }
0x48: {  	_ =	shalt  }
0x49: {  	_ =	shalt  }
0x4a: {  	_ =	shalt  }
0x4b: {  	_ =	shalt  }
0x4c: {  	_ =	shalt  }
0x4d: {  	_ =	shalt  }
0x4e: {  	_ =	shalt  }
0x4f: {  	_ =	shalt  }
0x50: {  	_ =	shalt  }
0x51: {  	_ =	shalt  }
0x52: {  	_ =	shalt  }
0x53: {  	_ =	shalt  }
0x54: {  	_ =	shalt  }
0x55: {  	_ =	shalt  }
0x56: {  	_ =	shalt  }
0x57: {  	_ =	shalt  }
0x58: {  	_ =	shalt  }
0x59: {  	_ =	shalt  }
0x5a: {  	_ =	shalt  }
0x5b: {  	_ =	shalt  }
0x5c: {  	_ =	shalt  }
0x5d: {  	_ =	shalt  }
0x5e: {  	_ =	shalt  }
0x5f: {  	_ =	shalt  }
0x60: {  	_ =	shalt  }
0x61: {  	_ =	shalt  }
0x62: {  	_ =	shalt  }
0x63: {  	_ =	shalt  }
0x64: {  	_ =	shalt  }
0x65: {  	_ =	shalt  }
0x66: {  	_ =	shalt  }
0x67: {  	_ =	shalt  }
0x68: {  	_ =	shalt  }
0x69: {  	_ =	shalt  }
0x6a: {  	_ =	shalt  }
0x6b: {  	_ =	shalt  }
0x6c: {  	_ =	shalt  }
0x6d: {  	_ =	shalt  }
0x6e: {  	_ =	shalt  }
0x6f: {  	_ =	shalt  }
0x70: {  	_ =	shalt  }
0x71: {  	_ =	shalt  }
0x72: {  	_ =	shalt  }
0x73: {  	_ =	shalt  }
0x74: {  	_ =	shalt  }
0x75: {  	_ =	shalt  }
0x76: {  	_ =	shalt  }
0x77: {  	_ =	shalt  }
0x78: {  	_ =	shalt  }
0x79: {  	_ =	shalt  }
0x7a: {  	_ =	shalt  }
0x7b: {  	_ =	shalt  }
0x7c: {  	_ =	shalt  }
0x7d: {  	_ =	shalt  }
0x7e: {  	_ =	shalt  }
0x7f: {  	_ =	shalt  }
0x80: {  	_ =	shalt  }
0x81: {  	_ =	shalt  }
0x82: {  	_ =	shalt  }
0x83: {  	_ =	shalt  }
0x84: {  	_ =	shalt  }
0x85: {  	_ =	shalt  }
0x86: {  	_ =	shalt  }
0x87: {  	_ =	shalt  }
.Lfunc_end0:
.L_simem_size_0:
called_computation.1_lowered:
.L_overlay_start_0:
0x88: {  	s2 =	sld [smem:$0x3FD9]  }
0x89: {  	s3 =	sld [smem:$0x3FFE];
	_ =	sdelay $0x1  }
0x8a: {  	s1 =	srdreg.scid  }
0x8b: {  	s0 =	sand.u32 $0x1, s1  }
0x8c: {  	s17 =	sshll.u32 s0, $0xA;
	s2 =	sadd.s32 s3, s2  }
0x8d: {  	s2 =	sadd.s32 s2, s17  }
0x8e: {  	[smem:$0x3FC0] =	sst s2  }
0x8f: {  	_ = 	snop  }
0x90: {  	(tm) =	ssettm $0x1  }
0x91: {  	s18 =	sld [smem:$0x3FFB];
	_ =	sdelay $0x3  }
0x92: {  	_ =	strace s18  }
0x93: {  	s2 =	sld [smem:$0x3FFC];
	_ =	sdelay $0x3  }
0x94: {  	_ =	strace s2  }
0x95: {  	s2 =	sld [smem:$0x3FFD];
	_ =	sdelay $0x3  }
0x96: {  	_ =	strace s2  }
0x97: {  	_ =	strace $0x8FFFFFFF  }
0x98: {  	s19 =	sld [smem:$0x3FDB];
	_ =	sdelay $0x1  }
0x99: {  	s20 =	simm.s32 $_scs_section_size  }
0x9a: {  	s4 =	simm.s32 $_size__tile_overlayer_lowered;
	s5 =	simm.s32 $_tile_overlayer_lowered  }
0x9b: {  	s6 =	simm.s32 $0x1BFF;
	s21 =	sshll.u32 s5, $0x1;
	s3 =	sadd.s32 s20, s19  }
0x9c: {  	s22 =	simm.s32 $0x0;
	s4 =	sshll.u32 s4, $0x1;
	s5 =	sadd.s32 s21, s3  }
0x9d: {  	[timem:s22], [sflag:s6] =	dma.local [hbm:s5], s4  }
0x9e: {  	_ =	swait.ge [sflag:s6], s4  }
0x9f: {  	s4 =	ssub.s32 $0x0, s4;
	[sflag:s6] =	ssyncset.done $0x0  }
0xa0: {  	[sflag:s6] =	ssyncadd.s32 s4;
	_ =	sdelay $0x1  }
0xa1: {  	s23 =	simm.s32 $0x1B8B  }
0xa2: {  	_ =	swait.ge [sflag:s23], $0x1  }
0xa3: {  	[sflag:s23] =	ssyncset.done $0x0  }
0xa4: {  	[sflag:s23] =	ssyncadd.s32 $0xFFFFFFFF  }
0xa5: {  	s4 =	sld [smem:$0x0]  }
0xa6: {  	s5 =	sand.u32 $0xFFFFFFFE, s1  }
0xa7: {  	p0 =	sne.s32 s1, s5  }
0xa8: {  	s5 =	sshll.u32 @p0 s5, $0xE  }
0xa9: {  	s5 =	sadd.s32 @p0 $0x11B8D, s5;
	s6 =	sshll.u32 @p0 s4, $0x11  }
0xaa: {  	s5 =	sor.u32 @p0 s6, s5  }
0xab: {  	[sflag:s5] =	ssyncadd.remote.s32 @p0 $0x1;
	_ =	sdelay $0x1  }
0xac: {  	s5 =	simm.s32 @p0 $0x1B8D  }
0xad: {  	_ =	swait.eq @p0 [sflag:s5], $0x1  }
0xae: {  	[sflag:s5] =	ssyncadd.s32 @p0 $0xFFFFFFFF  }
0xaf: {  	s6 =	sshll.u32 @!p0 s1, $0xE  }
0xb0: {  	s6 =	sor.u32 @!p0 $0x4000, s6;
	s5 =	simm.s32 @!p0 $0x1B8D  }
0xb1: {  	s4 =	sshll.u32 @!p0 s4, $0x11;
	s6 =	sadd.s32 @!p0 $0x11B8D, s6;
	_ =	swait.eq @!p0 [sflag:s5], $0x1  }
0xb2: {  	s4 =	sor.u32 @!p0 s4, s6;
	[sflag:s5] =	ssyncadd.s32 @!p0 $0xFFFFFFFF  }
0xb3: {  	s25 =	simm.s32 $0x1B8E;
	s24 =	sld [smem:$0x3FFE];
	[sflag:s4] =	ssyncadd.remote.s32 @!p0 $0x1  }
0xb4: {  	s26 =	simm.s32 $execute0_lowered;
	[smem:$0x3FD2] =	sst s25  }
0xb5: {  	s5 =	sshll.u32 s26, $0x1;
	_ =	strace $0x80000049;
	[dreg:$0x1] =	wrdreg $0xFFFFFFFF  }
0xb6: {  	s28 =	simm.s32 $_size_execute0_lowered;
	s3 =	sadd.s32 s3, s5;
	[dreg:$0x0] =	wrdreg $0x0  }
0xb7: {  	s5 =	sshll.u32 s28, $0x1;
	[dreg:$0x2] =	wrdreg s3  }
0xb8: {  	[dreg:$0x3] =	wrdreg s5  }
0xb9: {  	[dreg:$0x4] =	wrdreg $0xC0  }
0xba: {  	_ =	task [dreg:s22], $0x5FFFF  }
0xbb: {  	[dreg:$0x1] =	wrdreg $0xFFFFFFFF  }
0xbc: {  	[dreg:$0x0] =	wrdreg $0x60  }
0xbd: {  	[dreg:$0x2] =	wrdreg s24  }
0xbe: {  	[dreg:$0x3] =	wrdreg $0xA  }
0xbf: {  	_ =	task.clear_ibuf [dreg:s22], $0x4FFFF;
	_ =	strace $0x90000049  }
0xc0: {  	s29 =	simm.s32 $0xA;
	_ =	strace $0x8000004B  }
0xc1: {  	_ =	swait.ge [sflag:s29], $0x1  }
0xc2: {  	[sflag:s29] =	ssyncadd.s32 $0xFFFFFFFF  }
0xc3: {  	_ =	strace $0x9000004B  }
0xc4: {  	_ =	sfence  }
0xc5: {  	s30 =	sld [smem:$0x0];
	_ =	sdelay $0x2  }
0xc6: {  	s31 =	sshll.u32 s1, $0xD;
	s1 =	sshrl.u32 s1, $0x2  }
0xc7: {  	s4 =	sand.u32 $0x4000, s31;
	s1 =	sadd.s32 s1, s30  }
0xc8: {  	s0 =	sor.u32 s4, s0;
	s1 =	sshll.u32 s1, $0x11  }
0xc9: {  	s0 =	sor.u32 s1, s0  }
0xca: {  	s0 =	sadd.s32 $0x8F2B, s0  }
0xcb: {  	[sflag:s0] =	ssyncadd.remote.s32 $0x1  }
0xcc: {  	_ =	sfence.sel $0xFFFF  }
0xcd: {  	[dreg:$0x0] =	wrdreg $0xFFFFFFFF;
	(pc) =	sbr.abs _section_cstart, $3  }
0xce: {  	[dreg:$0x1] =	wrdreg $0xFFFFFFFF  }
0xcf: {  	_ =	task.clear_ibuf [dreg:s22], $0x2FFFF;
	_ =	strace $0x9FFFFFFF  }
0xd0: {  	(tm) =	ssettm $0x7FFFFFFF  }
0xd1: {  	_ =	shalt  }
tec
execute0_lowered:
.L_overlay_start_1:
0x0: {  	(tag) =	ssettag $0x1  }
0x1: {  	s1 =	srdreg.scid  }
0x2: {  	s0 =	stileid.u32;
	s4 =	rddreg [dreg:$0x0];
	s2 =	simm.s32 $0x0  }
0x3: {  	s10 =	simm.s32 $0x4000;
	s11 =	simm.s32 $0xA000;
	s3 =	sand.u32 $0x1, s1  }
0x4: {  	s12 =	simm.s32 $0x1;
	s5 =	sshll.u32 s0, $0x8;
	s6 =	sshll.u32 s3, $0x7  }
0x5: {  	s13 =	simm.s32 $0x2;
	s1 =	rddreg [dreg:$0x1];
	s5 =	sor.u32 s6, s5  }
0x6: {  	s14 =	simm.s32 $0x0;
	[smem:$0x7FF] =	sst s2;
	s6 =	sshrl.u32 s5, $0x3  }
0x7: {  	s8 =	sadd.s32 $0xA2400, s4;
	s3 =	ssub.s32 $0x2, s3;
	s7 =	smul.u32 $0x300, s6  }
0x8: {  	s30 =	sshrl.u32 s3, $0x1;
	s5 =	sshll.u32 s5, $0x4;
	s6 =	smul.u32 $0x1800, s6  }
0x9: {  	_ =	strace $0x8000004A;
	s9 =	ssub.s32 s3, s30;
	s5 =	sadd.s32 s5, s4  }
0xa: {  	s4 =	sadd.s32 $0x12400, s5;
	s3 =	sadd.s32 s8, s7;
	s6 =	sshrl.u32 s6, $0x3  }
0xb: {  	s5 =	sadd.s32 $0xC00, s3;
	s31 =	sadd.s32 s8, s6;
	s8 =	smax.u32 s9, $0x1  }
0xc: {  	v0 =	vimm.f32 $0.0e+00;
	v1 =	vimm.f32 $1.000000000e+00;
	s9 =	simm.s32 $0x3;
	s6 =	sadd.s32 $0x1800, s31;
	s7 =	sadd.s32 $0x2400, s31  }
.LBB2_1:
0xd: {  	[tilespmem:s2], [sflag:$0x3] =	stream.linear.gather [hbm4b:s4+s2], $0x4000, $0x38;
	[tilespmem:$0x10000] =	vst v63  }
0xe: {  	_ =	swait.ge [sflag:s9], $0x4000  }
0xf: {  	[sflag:s9] =	ssyncset.done $0x0  }
0x10: {  	s15 =	simm.s32 $0x0;
	[sflag:s9] =	ssyncadd.s32 $0xFFFFC000  }
.LBB2_2:
0x11: {  	s16 =	sshrl.u32 s15, $0x3;
	s17 =	sshll.u32 s15, $0x7  }
0x12: {  	s17 =	sand.u32 $0x380, s17;
	s16 =	smul.u32 $0x6000, s16  }
0x13: {  	v2 =	vmov s17  }
0x14: {  	s18 =	simm.s32 $0x0;
	s16 =	sshra.s32 s16, $0x2  }
0x15: {  	s31 =	sand.u32 $0x1C00, s18;
	s17 =	sadd.s32 $0x4000, s16  }
0x16: {  	s18 =	sand.u32 $0x40, s18;
	s16 =	sadd.s32 s31, s17  }
0x17: {  	s16 =	sadd.s32 s18, s16  }
0x18: {  	s19 =	simm.s32 $0x40;
	s18 =	simm.s32 $0x200;
	[tilespmem:v2+s16+$0x0 ss:$0x1] =	vst.idx.msk $0xffff, v0  }
.LBB2_3:
0x19: {  	s20 =	sand.u32 $0x1C00, s18;
	[tilespmem:v2+s16+$0x10 ss:$0x1] =	vst.idx.msk $0xffff, v0;
	p0 =	sne.s32 s19, $0x2C0  }
.Ltmp0:
0x1a: {  	s21 =	sand.u32 $0x40, s19;
	s20 =	sadd.s32 s20, s17;
	[tilespmem:v2+s16+$0x20 ss:$0x1] =	vst.idx.msk $0xffff, v0;
	(pc) =	sbr.rel @p0 .LBB2_3-.Ltmp0, $3  }
0x1b: {  	[tilespmem:v2+s16+$0x30 ss:$0x1] =	vst.idx.msk $0xffff, v0;
	s16 =	sadd.s32 s21, s20  }
0x1c: {  	[tilespmem:v2+s16+$0x0 ss:$0x1] =	vst.idx.msk $0xffff, v0;
	_ =	sdelay $0x1  }
0x1d: {  	s18 =	sadd.s32 $0x200, s18;
	s19 =	sadd.s32 $0x40, s19  }
0x1e: {  	s15 =	sadd.s32 $0x1, s15  }
0x1f: {  	p0 =	sne.s32 s15, $0x20  }
.Ltmp1:
0x20: {  	_ = 	snop;
	(pc) =	sbr.rel @p0 .LBB2_2-.Ltmp1, $4  }
0x21: {  	_ = 	snop  }
0x22: {  	[tilespmem:v2+s16+$0x10 ss:$0x1] =	vst.idx.msk $0xffff, v0  }
0x23: {  	[tilespmem:v2+s16+$0x20 ss:$0x1] =	vst.idx.msk $0xffff, v0  }
0x24: {  	[tilespmem:v2+s16+$0x30 ss:$0x1] =	vst.idx.msk $0xffff, v0  }
0x25: {  	s15 =	simm.s32 $0x0;
	s16 =	simm.s32 $0x90  }
.LBB2_6:
0x26: {  	v2 =	vld [tilespmem:s16+$0xFFFFFF70]  }
0x27: {  	v3 =	vld [tilespmem:s16+$0xFFFFFF80];
	_ =	sdelay $0x1  }
0x28: {  	v4 =	vmov s15  }
0x29: {  	v5 =	vshrl.u32 v4, $0x3  }
0x2a: {  	v5 =	vmul.u32 $0x1800, v5;
	v6 =	vand.u32 $0x7F, v2;
	v2 =	vshll.u32 v2, $0x3  }
0x2b: {  	v4 =	vshll.u32 v4, $0x7;
	v7 =	vshll.u32 v3, $0x3;
	v2 =	vand.u32 $0xFFFFFC00, v2  }
0x2c: {  	v4 =	vand.u32 $0x300, v4;
	v7 =	vand.u32 $0xFFFFFC00, v7;
	v2 =	vadd.s32 v5, v2  }
0x2d: {  	v3 =	vand.u32 $0x7F, v3;
	v5 =	vadd.s32 v5, v7;
	v2 =	vor.u32 v6, v2  }
0x2e: {  	v3 =	vor.u32 v3, v5;
	v2 =	vor.u32 v4, v2  }
0x2f: {  	v3 =	vor.u32 v4, v3;
	_ =	sdelay $0x3  }
0x30: {  	[tilespmem:v2+s10+$0x0] =	vst.idx.add.f32.msk $0xffff, v1  }
0x31: {  	[tilespmem:v3+s10+$0x0] =	vst.idx.add.f32.msk $0xffff, v1  }
0x32: {  	v2 =	vld [tilespmem:s16+$0xFFFFFFF0]  }
0x33: {  	v3 =	vld [tilespmem:s16+$0x0]  }
0x34: {  	s17 =	sadd.s32 $0x1, s15  }
0x35: {  	v59 =	vmov s17  }
0x36: {  	v60 =	vshrl.u32 v59, $0x3  }
0x37: {  	v5 =	vmul.u32 $0x1800, v60;
	v4 =	vshll.u32 v59, $0x7;
	v61 =	vshll.u32 v2, $0x3  }
0x38: {  	v4 =	vand.u32 $0x380, v4;
	v62 =	vshll.u32 v3, $0x3;
	v6 =	vand.u32 $0xFFFFFC00, v61  }
0x39: {  	v2 =	vand.u32 $0x7F, v2;
	v63 =	vand.u32 $0xFFFFFC00, v62;
	v6 =	vadd.s32 v5, v6  }
0x3a: {  	v3 =	vand.u32 $0x7F, v3;
	v5 =	vadd.s32 v5, v63;
	v2 =	vor.u32 v2, v6  }
0x3b: {  	v3 =	vor.u32 v3, v5;
	v2 =	vor.u32 v4, v2  }
0x3c: {  	p0 =	sne.s32 s15, $0x1E;
	v3 =	vor.u32 v4, v3  }
.Ltmp2:
0x3d: {  	_ = 	snop;
	(pc) =	sbr.rel @p0 .LBB2_6-.Ltmp2, $3  }
0x3e: {  	_ =	sdelay $0x1  }
0x3f: {  	[tilespmem:v2+s10+$0x0] =	vst.idx.add.f32.msk $0xffff, v1  }
0x40: {  	s15 =	sadd.s32 $0x2, s15;
	s16 =	sadd.s32 $0x100, s16;
	[tilespmem:v3+s10+$0x0] =	vst.idx.add.f32.msk $0xffff, v1  }
0x41: {  	s15 =	simm.s32 $0x0;
	s16 =	simm.s32 $0x0  }
0x42: {  	[hbm4b:s3+s15] =	stream.linear.scatter [tilespmem:s10], [sflag:$0x1], $0x6000, $0x38;
	[tilespmem:$0x10000] =	vst v63  }
.LBB2_8:
0x43: {  	s17 =	sshrl.u32 s16, $0x3;
	s18 =	sshll.u32 s16, $0x7  }
0x44: {  	s18 =	sand.u32 $0x380, s18;
	s17 =	smul.u32 $0x6000, s17  }
0x45: {  	v2 =	vmov s18  }
0x46: {  	s17 =	sshra.s32 s17, $0x2  }
0x47: {  	s31 =	sand.u32 $0x1C00, s15;
	s18 =	sadd.s32 $0xA000, s17  }
0x48: {  	s19 =	sand.u32 $0x40, s15;
	s17 =	sadd.s32 s31, s18  }
0x49: {  	s17 =	sadd.s32 s19, s17  }
0x4a: {  	s20 =	simm.s32 $0x40;
	s19 =	simm.s32 $0x200;
	[tilespmem:v2+s17+$0x0 ss:$0x1] =	vst.idx.msk $0xffff, v0  }
.LBB2_9:
0x4b: {  	s21 =	sand.u32 $0x1C00, s19;
	[tilespmem:v2+s17+$0x10 ss:$0x1] =	vst.idx.msk $0xffff, v0;
	p0 =	sne.s32 s20, $0x2C0  }
.Ltmp3:
0x4c: {  	s22 =	sand.u32 $0x40, s20;
	s21 =	sadd.s32 s21, s18;
	[tilespmem:v2+s17+$0x20 ss:$0x1] =	vst.idx.msk $0xffff, v0;
	(pc) =	sbr.rel @p0 .LBB2_9-.Ltmp3, $3  }
0x4d: {  	[tilespmem:v2+s17+$0x30 ss:$0x1] =	vst.idx.msk $0xffff, v0;
	s17 =	sadd.s32 s22, s21  }
0x4e: {  	[tilespmem:v2+s17+$0x0 ss:$0x1] =	vst.idx.msk $0xffff, v0;
	_ =	sdelay $0x1  }
0x4f: {  	s19 =	sadd.s32 $0x200, s19;
	s20 =	sadd.s32 $0x40, s20  }
0x50: {  	s16 =	sadd.s32 $0x1, s16  }
0x51: {  	p0 =	sne.s32 s16, $0x20  }
.Ltmp4:
0x52: {  	_ = 	snop;
	(pc) =	sbr.rel @p0 .LBB2_8-.Ltmp4, $4  }
0x53: {  	_ = 	snop  }
0x54: {  	[tilespmem:v2+s17+$0x10 ss:$0x1] =	vst.idx.msk $0xffff, v0  }
0x55: {  	[tilespmem:v2+s17+$0x20 ss:$0x1] =	vst.idx.msk $0xffff, v0  }
0x56: {  	[tilespmem:v2+s17+$0x30 ss:$0x1] =	vst.idx.msk $0xffff, v0  }
0x57: {  	s15 =	simm.s32 $0x0;
	s16 =	simm.s32 $0x1090  }
.LBB2_12:
0x58: {  	v2 =	vld [tilespmem:s16+$0xFFFFFF70]  }
0x59: {  	v3 =	vld [tilespmem:s16+$0xFFFFFF80];
	_ =	sdelay $0x1  }
0x5a: {  	v4 =	vmov s15  }
0x5b: {  	v5 =	vshrl.u32 v4, $0x3  }
0x5c: {  	v5 =	vmul.u32 $0x1800, v5;
	v6 =	vand.u32 $0x7F, v2;
	v2 =	vshll.u32 v2, $0x3  }
0x5d: {  	v4 =	vshll.u32 v4, $0x7;
	v7 =	vshll.u32 v3, $0x3;
	v2 =	vand.u32 $0xFFFFFC00, v2  }
0x5e: {  	v4 =	vand.u32 $0x300, v4;
	v7 =	vand.u32 $0xFFFFFC00, v7;
	v2 =	vadd.s32 v5, v2  }
0x5f: {  	v3 =	vand.u32 $0x7F, v3;
	v5 =	vadd.s32 v5, v7;
	v2 =	vor.u32 v6, v2  }
0x60: {  	v3 =	vor.u32 v3, v5;
	v2 =	vor.u32 v4, v2  }
0x61: {  	v3 =	vor.u32 v4, v3;
	_ =	sdelay $0x3  }
0x62: {  	[tilespmem:v2+s11+$0x0] =	vst.idx.add.f32.msk $0xffff, v1  }
0x63: {  	[tilespmem:v3+s11+$0x0] =	vst.idx.add.f32.msk $0xffff, v1  }
0x64: {  	v2 =	vld [tilespmem:s16+$0xFFFFFFF0]  }
0x65: {  	v3 =	vld [tilespmem:s16+$0x0]  }
0x66: {  	s17 =	sadd.s32 $0x1, s15  }
0x67: {  	v59 =	vmov s17  }
0x68: {  	v60 =	vshrl.u32 v59, $0x3  }
0x69: {  	v5 =	vmul.u32 $0x1800, v60;
	v4 =	vshll.u32 v59, $0x7;
	v61 =	vshll.u32 v2, $0x3  }
0x6a: {  	v4 =	vand.u32 $0x380, v4;
	v62 =	vshll.u32 v3, $0x3;
	v6 =	vand.u32 $0xFFFFFC00, v61  }
0x6b: {  	v2 =	vand.u32 $0x7F, v2;
	v63 =	vand.u32 $0xFFFFFC00, v62;
	v6 =	vadd.s32 v5, v6  }
0x6c: {  	v3 =	vand.u32 $0x7F, v3;
	v5 =	vadd.s32 v5, v63;
	v2 =	vor.u32 v2, v6  }
0x6d: {  	v3 =	vor.u32 v3, v5;
	v2 =	vor.u32 v4, v2  }
0x6e: {  	p0 =	sne.s32 s15, $0x1E;
	v3 =	vor.u32 v4, v3  }
.Ltmp5:
0x6f: {  	_ = 	snop;
	(pc) =	sbr.rel @p0 .LBB2_12-.Ltmp5, $3  }
0x70: {  	_ =	sdelay $0x1  }
0x71: {  	[tilespmem:v2+s11+$0x0] =	vst.idx.add.f32.msk $0xffff, v1  }
0x72: {  	s15 =	sadd.s32 $0x2, s15;
	s16 =	sadd.s32 $0x100, s16;
	[tilespmem:v3+s11+$0x0] =	vst.idx.add.f32.msk $0xffff, v1  }
0x73: {  	s15 =	simm.s32 $0x0  }
0x74: {  	[hbm4b:s5+s15] =	stream.linear.scatter [tilespmem:s11], [sflag:$0x2], $0x6000, $0x38;
	[tilespmem:$0x10000] =	vst v63  }
0x75: {  	_ =	swait.ge [sflag:s12], $0x6000  }
0x76: {  	[sflag:s12] =	ssyncset.done $0x0  }
0x77: {  	s16 =	simm.s32 $0x10;
	s17 =	simm.s32 $0x0;
	[sflag:s12] =	ssyncadd.s32 $0xFFFFA000  }
.LBB2_14:
0x78: {  	v2 =	vld [tilespmem:s16+$0xFFFFFFF0]  }
0x79: {  	v3 =	vld [tilespmem:s16+$0x0];
	_ =	sdelay $0x1  }
0x7a: {  	v4 =	vmov s17  }
0x7b: {  	v5 =	vshrl.u32 v4, $0x3  }
0x7c: {  	v4 =	vshll.u32 v4, $0x7;
	v5 =	vmul.u32 $0x1800, v5;
	v6 =	vshll.u32 v2, $0x3  }
0x7d: {  	v4 =	vand.u32 $0x380, v4;
	v7 =	vshll.u32 v3, $0x3;
	v6 =	vand.u32 $0xFFFFFC00, v6  }
0x7e: {  	v2 =	vand.u32 $0x7F, v2;
	v63 =	vand.u32 $0xFFFFFC00, v7;
	v6 =	vadd.s32 v5, v6  }
0x7f: {  	v3 =	vand.u32 $0x7F, v3;
	v5 =	vadd.s32 v5, v63;
	v2 =	vor.u32 v2, v6  }
0x80: {  	v3 =	vor.u32 v3, v5;
	v2 =	vor.u32 v4, v2  }
0x81: {  	p0 =	sne.s32 s17, $0x1F;
	v3 =	vor.u32 v4, v3  }
.Ltmp6:
0x82: {  	_ = 	snop;
	(pc) =	sbr.rel @p0 .LBB2_14-.Ltmp6, $3  }
0x83: {  	_ =	sdelay $0x1  }
0x84: {  	[tilespmem:v2+s10+$0x0] =	vst.idx.msk $0xffff, v0  }
0x85: {  	s16 =	sadd.s32 $0x80, s16;
	s17 =	sadd.s32 $0x1, s17;
	[tilespmem:v3+s10+$0x0] =	vst.idx.msk $0xffff, v0  }
0x86: {  	s16 =	simm.s32 $0x2090  }
.LBB2_16:
0x87: {  	v2 =	vld [tilespmem:s16+$0xFFFFFF70]  }
0x88: {  	v3 =	vld [tilespmem:s16+$0xFFFFFF80];
	_ =	sdelay $0x1  }
0x89: {  	v4 =	vmov s15  }
0x8a: {  	v5 =	vshrl.u32 v4, $0x3  }
0x8b: {  	v5 =	vmul.u32 $0x1800, v5;
	v6 =	vand.u32 $0x7F, v2;
	v2 =	vshll.u32 v2, $0x3  }
0x8c: {  	v4 =	vshll.u32 v4, $0x7;
	v7 =	vshll.u32 v3, $0x3;
	v2 =	vand.u32 $0xFFFFFC00, v2  }
0x8d: {  	v4 =	vand.u32 $0x300, v4;
	v7 =	vand.u32 $0xFFFFFC00, v7;
	v2 =	vadd.s32 v5, v2  }
0x8e: {  	v3 =	vand.u32 $0x7F, v3;
	v5 =	vadd.s32 v5, v7;
	v2 =	vor.u32 v6, v2  }
0x8f: {  	v3 =	vor.u32 v3, v5;
	v2 =	vor.u32 v4, v2  }
0x90: {  	v3 =	vor.u32 v4, v3;
	_ =	sdelay $0x3  }
0x91: {  	[tilespmem:v2+s10+$0x0] =	vst.idx.add.f32.msk $0xffff, v1  }
0x92: {  	[tilespmem:v3+s10+$0x0] =	vst.idx.add.f32.msk $0xffff, v1  }
0x93: {  	v2 =	vld [tilespmem:s16+$0xFFFFFFF0]  }
0x94: {  	v3 =	vld [tilespmem:s16+$0x0]  }
0x95: {  	s17 =	sadd.s32 $0x1, s15  }
0x96: {  	v59 =	vmov s17  }
0x97: {  	v60 =	vshrl.u32 v59, $0x3  }
0x98: {  	v5 =	vmul.u32 $0x1800, v60;
	v4 =	vshll.u32 v59, $0x7;
	v61 =	vshll.u32 v2, $0x3  }
0x99: {  	v4 =	vand.u32 $0x380, v4;
	v62 =	vshll.u32 v3, $0x3;
	v6 =	vand.u32 $0xFFFFFC00, v61  }
0x9a: {  	v2 =	vand.u32 $0x7F, v2;
	v63 =	vand.u32 $0xFFFFFC00, v62;
	v6 =	vadd.s32 v5, v6  }
0x9b: {  	v3 =	vand.u32 $0x7F, v3;
	v5 =	vadd.s32 v5, v63;
	v2 =	vor.u32 v2, v6  }
0x9c: {  	v3 =	vor.u32 v3, v5;
	v2 =	vor.u32 v4, v2  }
0x9d: {  	p0 =	sne.s32 s15, $0x1E;
	v3 =	vor.u32 v4, v3  }
.Ltmp7:
0x9e: {  	_ = 	snop;
	(pc) =	sbr.rel @p0 .LBB2_16-.Ltmp7, $3  }
0x9f: {  	_ =	sdelay $0x1  }
0xa0: {  	[tilespmem:v2+s10+$0x0] =	vst.idx.add.f32.msk $0xffff, v1  }
0xa1: {  	s15 =	sadd.s32 $0x2, s15;
	s16 =	sadd.s32 $0x100, s16;
	[tilespmem:v3+s10+$0x0] =	vst.idx.add.f32.msk $0xffff, v1  }
0xa2: {  	s15 =	simm.s32 $0x0  }
0xa3: {  	[hbm4b:s6+s15] =	stream.linear.scatter [tilespmem:s10], [sflag:$0x1], $0x6000, $0x38;
	[tilespmem:$0x10000] =	vst v63  }
0xa4: {  	_ =	swait.ge [sflag:s13], $0x6000  }
0xa5: {  	[sflag:s13] =	ssyncset.done $0x0  }
0xa6: {  	s16 =	simm.s32 $0x1010;
	s17 =	simm.s32 $0x0;
	[sflag:s13] =	ssyncadd.s32 $0xFFFFA000  }
.LBB2_18:
0xa7: {  	v2 =	vld [tilespmem:s16+$0xFFFFFFF0]  }
0xa8: {  	v3 =	vld [tilespmem:s16+$0x0];
	_ =	sdelay $0x1  }
0xa9: {  	v4 =	vmov s17  }
0xaa: {  	v5 =	vshrl.u32 v4, $0x3  }
0xab: {  	v4 =	vshll.u32 v4, $0x7;
	v5 =	vmul.u32 $0x1800, v5;
	v6 =	vshll.u32 v2, $0x3  }
0xac: {  	v4 =	vand.u32 $0x380, v4;
	v7 =	vshll.u32 v3, $0x3;
	v6 =	vand.u32 $0xFFFFFC00, v6  }
0xad: {  	v2 =	vand.u32 $0x7F, v2;
	v63 =	vand.u32 $0xFFFFFC00, v7;
	v6 =	vadd.s32 v5, v6  }
0xae: {  	v3 =	vand.u32 $0x7F, v3;
	v5 =	vadd.s32 v5, v63;
	v2 =	vor.u32 v2, v6  }
0xaf: {  	v3 =	vor.u32 v3, v5;
	v2 =	vor.u32 v4, v2  }
0xb0: {  	p0 =	sne.s32 s17, $0x1F;
	v3 =	vor.u32 v4, v3  }
.Ltmp8:
0xb1: {  	_ = 	snop;
	(pc) =	sbr.rel @p0 .LBB2_18-.Ltmp8, $3  }
0xb2: {  	_ =	sdelay $0x1  }
0xb3: {  	[tilespmem:v2+s11+$0x0] =	vst.idx.msk $0xffff, v0  }
0xb4: {  	s16 =	sadd.s32 $0x80, s16;
	s17 =	sadd.s32 $0x1, s17;
	[tilespmem:v3+s11+$0x0] =	vst.idx.msk $0xffff, v0  }
0xb5: {  	s16 =	simm.s32 $0x3090  }
.LBB2_20:
0xb6: {  	v2 =	vld [tilespmem:s16+$0xFFFFFF70]  }
0xb7: {  	v3 =	vld [tilespmem:s16+$0xFFFFFF80];
	_ =	sdelay $0x1  }
0xb8: {  	v4 =	vmov s15  }
0xb9: {  	v5 =	vshrl.u32 v4, $0x3  }
0xba: {  	v5 =	vmul.u32 $0x1800, v5;
	v6 =	vand.u32 $0x7F, v2;
	v2 =	vshll.u32 v2, $0x3  }
0xbb: {  	v4 =	vshll.u32 v4, $0x7;
	v7 =	vshll.u32 v3, $0x3;
	v2 =	vand.u32 $0xFFFFFC00, v2  }
0xbc: {  	v4 =	vand.u32 $0x300, v4;
	v7 =	vand.u32 $0xFFFFFC00, v7;
	v2 =	vadd.s32 v5, v2  }
0xbd: {  	v3 =	vand.u32 $0x7F, v3;
	v5 =	vadd.s32 v5, v7;
	v2 =	vor.u32 v6, v2  }
0xbe: {  	v3 =	vor.u32 v3, v5;
	v2 =	vor.u32 v4, v2  }
0xbf: {  	v3 =	vor.u32 v4, v3;
	_ =	sdelay $0x3  }
0xc0: {  	[tilespmem:v2+s11+$0x0] =	vst.idx.add.f32.msk $0xffff, v1  }
0xc1: {  	[tilespmem:v3+s11+$0x0] =	vst.idx.add.f32.msk $0xffff, v1  }
0xc2: {  	v2 =	vld [tilespmem:s16+$0xFFFFFFF0]  }
0xc3: {  	v3 =	vld [tilespmem:s16+$0x0]  }
0xc4: {  	s17 =	sadd.s32 $0x1, s15  }
0xc5: {  	v59 =	vmov s17  }
0xc6: {  	v60 =	vshrl.u32 v59, $0x3  }
0xc7: {  	v5 =	vmul.u32 $0x1800, v60;
	v4 =	vshll.u32 v59, $0x7;
	v61 =	vshll.u32 v2, $0x3  }
0xc8: {  	v4 =	vand.u32 $0x380, v4;
	v62 =	vshll.u32 v3, $0x3;
	v6 =	vand.u32 $0xFFFFFC00, v61  }
0xc9: {  	v2 =	vand.u32 $0x7F, v2;
	v63 =	vand.u32 $0xFFFFFC00, v62;
	v6 =	vadd.s32 v5, v6  }
0xca: {  	v3 =	vand.u32 $0x7F, v3;
	v5 =	vadd.s32 v5, v63;
	v2 =	vor.u32 v2, v6  }
0xcb: {  	v3 =	vor.u32 v3, v5;
	v2 =	vor.u32 v4, v2  }
0xcc: {  	p0 =	sne.s32 s15, $0x1E;
	v3 =	vor.u32 v4, v3  }
.Ltmp9:
0xcd: {  	_ = 	snop;
	(pc) =	sbr.rel @p0 .LBB2_20-.Ltmp9, $3  }
0xce: {  	_ =	sdelay $0x1  }
0xcf: {  	[tilespmem:v2+s11+$0x0] =	vst.idx.add.f32.msk $0xffff, v1  }
0xd0: {  	s15 =	sadd.s32 $0x2, s15;
	s16 =	sadd.s32 $0x100, s16;
	[tilespmem:v3+s11+$0x0] =	vst.idx.add.f32.msk $0xffff, v1  }
0xd1: {  	[hbm4b:s7+s2] =	stream.linear.scatter [tilespmem:s11], [sflag:$0x2], $0x6000, $0x38;
	[tilespmem:$0x10000] =	vst v63  }
0xd2: {  	s14 =	sadd.s32 $0x1, s14  }
0xd3: {  	_ =	swait.ge [sflag:s12], $0x6000;
	p0 =	sne.s32 s14, s8  }
.Ltmp10:
0xd4: {  	[sflag:s12] =	ssyncset.done $0x0;
	(pc) =	sbr.rel @p0 .LBB2_1-.Ltmp10, $4  }
0xd5: {  	[sflag:s12] =	ssyncadd.s32 $0xFFFFA000  }
0xd6: {  	_ =	swait.ge [sflag:s13], $0x6000  }
0xd7: {  	[sflag:s13] =	ssyncset.done $0x0  }
0xd8: {  	[sflag:s13] =	ssyncadd.s32 $0xFFFFA000  }
0xd9: {  	_ =	sfence.sel $0x180000  }
0xda: {  	[bflag:$0x0] =	sbarrier.arrive $0xFFFF  }
0xdb: {  	p0 =	sne.s32 s0, $0x0;
	_ =	strace $0x9000004A  }
0xdc: {  	s0 =	sadd.s32 @!p0 $0x100000, s1;
	[bflag:$0x2] =	sbarrier.arrive $0xFFFF  }
0xdd: {  	[sflag:s0] =	ssyncadd.tile.s32 @!p0 $0x1;
	_ =	shalt  }
.Lfunc_end2:
_tile_overlayer_lowered:
.L_overlay_start_2:
0xde: {  	(tag) =	ssettag $0x2  }
0xdf: {  	s0 =	rddreg [dreg:$0x0];
	s2 =	stileid.u32  }
0xe0: {  	s1 =	rddreg [dreg:$0x1];
	p0 =	sne.s32 s2, $0x0  }
0xe1: {  	s3 =	rddreg [dreg:$0x2];
	[bflag:$0x3] =	sbarrier.arrive $0xFFFF;
	s2 =	simm.s32 @!p0 $0x1C03  }
0xe2: {  	[timem:s3], [sflag:s2] =	dma.local @!p0 [hbm:s0], s1  }
0xe3: {  	s0 =	simm.s32 @!p0 $0x3  }
0xe4: {  	_ =	swait.ge @!p0 [sflag:s0], s1  }
0xe5: {  	s1 =	ssub.s32 @!p0 $0x0, s1;
	[sflag:s0] =	ssyncset.done @!p0 $0x0  }
0xe6: {  	[sflag:s0] =	ssyncadd.s32 @!p0 s1  }
0xe7: {  	[bflag:$0x3] =	sbarrier.arrive $0xFFFF  }
0xe8: {  	_ =	shalt  }

// kernel: kernel.16.cloned.1.call-start
scs
__scs_entry_jumppad:
0x0: {  	(pc) =	sbr.rel $0x88, $3  }
0x1: {  	(tag) =	ssettag $0x0;
	lr =	simm.s32 $0x1  }
0x2: {  	[smem:$0x3F99] =	sst lr;
	_ =	strace $0xD0000000  }
0x3: {  	_ = 	snop  }
0x4: {  	_ = 	snop  }
0x5: {  	_ = 	snop  }
0x6: {  	_ = 	snop  }
0x7: {  	_ = 	snop  }
__scs_overlays_trampoline_lowered:
0x8: {  	[smem:$0x3FA8] =	sst s0  }
0x9: {  	[smem:$0x3FA9] =	sst s1  }
0xa: {  	[smem:$0x3FAA] =	sst s2  }
0xb: {  	[smem:$0x3FAB] =	sst s3  }
0xc: {  	[smem:$0x3FAC] =	sst s4  }
0xd: {  	[smem:$0x3FAD] =	sst s5  }
0xe: {  	[smem:$0x3FAE] =	sst s6  }
0xf: {  	[smem:$0x3FAF] =	sst s7  }
0x10: {  	[smem:$0x3FB0] =	sst s8  }
0x11: {  	[smem:$0x3FB1] =	sst s9;
	s0 =	simm.s32 @!p0 $0x0  }
0x12: {  	s1 =	sld [smem:$0x3F97];
	s0 =	simm.s32 @p0 $0x1  }
0x13: {  	[smem:$0x3FB2] =	sst s0;
	s0 =	simm.s32 @!p1 $0x0  }
0x14: {  	s2 =	sld [smem:$0x3F96];
	s0 =	simm.s32 @p1 $0x1  }
0x15: {  	[smem:$0x3FB3] =	sst s0;
	s0 =	simm.s32 @!p2 $0x0  }
0x16: {  	s3 =	sld [smem:$0x3FDB];
	s0 =	simm.s32 @p2 $0x1  }
0x17: {  	s4 =	simm.s32 $0x1BF5;
	[smem:$0x3FB5] =	sst s0  }
0x18: {  	s0 =	sld [smem:$0x3F98];
	_ =	swait.ge [sflag:s4], $0x0  }
0x19: {  	s7 =	sld [smem:$0x3F99]  }
0x1a: {  	s8 =	sadd.s32 $0xFFFFE003, lr  }
0x1b: {  	s9 =	sadd.s32 $0xFFFFFEF7, lr;
	s5 =	simm.s32 $0xFFFFFFFF;
	p2 =	slt.u32 s8, $0xFFFFF086  }
0x1c: {  	p1 =	slt.u32 s9, $0xF7A;
	s5 =	simm.s32 @!p2 $0x0  }
0x1d: {  	s5 =	simm.s32 @p1 $0x1;
	p0 =	seq.s32 s7, s2  }
0x1e: {  	s7 =	smul.u32 @!p0 $0xF7A, s2;
	p2 =	seq.s32 @!p0 s5, $0x0  }
0x1f: {  	s9 =	smul.u32 $0xF7A, s1;
	s8 =	simm.s32 @!p0 $0x1BF5;
	p2 =	por !p2, p0  }
0x20: {  	[sflag:s8] =	ssyncset.s32 @!p0 $0xFFFFF086;
	s6 =	sadd.s32 @!p0 s3, s7;
	s7 =	simm.s32 @!p0 $0x108  }
0x21: {  	s3 =	sadd.s32 s3, s9;
	s6 =	sadd.s32 @!p0 $0x88, s6;
	s7 =	simm.s32 @p2 $0x1082  }
0x22: {  	[simem:s7], [sflag:s8] =	dma.local @!p0 [hbm:s6], $0xF7A  }
0x23: {  	s9 =	sor.u32 $0xD0000000, s2;
	s6 =	simm.s32 $0x108;
	_ =	swait.ge @!p0 [sflag:s8], $0x0  }
0x24: {  	s3 =	sadd.s32 $0x88, s3;
	s6 =	simm.s32 @!p1 $0x1082;
	[sflag:s4] =	ssyncset.s32 $0xFFFFF086  }
0x25: {  	[simem:s6], [sflag:s4] =	dma.local [hbm:s3], $0xF7A  }
0x26: {  	[smem:$0x3F99] =	sst s1;
	(tag) =	ssettag s2;
	_ =	strace s9  }
0x27: {  	s1 =	sld [smem:$0x3FA9]  }
0x28: {  	s2 =	sld [smem:$0x3FAA]  }
0x29: {  	s4 =	sld [smem:$0x3FAC]  }
0x2a: {  	p0 =	seq.s32 s5, $0x0;
	s5 =	sld [smem:$0x3FAD]  }
0x2b: {  	s6 =	sld [smem:$0x3FAE]  }
0x2c: {  	s7 =	sld [smem:$0x3FAF]  }
0x2d: {  	s3 =	simm.s32 $0x108;
	s8 =	sld [smem:$0x3FB0]  }
0x2e: {  	s3 =	simm.s32 @!p0 $0x1082;
	s9 =	sld [smem:$0x3FB1]  }
0x2f: {  	lr =	sadd.s32 s0, s3;
	s0 =	sld [smem:$0x3FA8]  }
0x30: {  	s3 =	sld [smem:$0x3FAB]  }
0x31: {  	[smem:$0x3FB4] =	sst s10  }
0x32: {  	s10 =	sld [smem:$0x3FB2];
	_ =	sdelay $0x3  }
0x33: {  	p0 =	seq.s32 s10, $0x1;
	s10 =	sld [smem:$0x3FB4];
	_ =	sdelay $0x3  }
0x34: {  	[smem:$0x3FB4] =	sst s10  }
0x35: {  	s10 =	sld [smem:$0x3FB3];
	_ =	sdelay $0x3  }
0x36: {  	p1 =	seq.s32 s10, $0x1;
	s10 =	sld [smem:$0x3FB4];
	_ =	sdelay $0x3  }
0x37: {  	[smem:$0x3FB4] =	sst s10  }
0x38: {  	s10 =	sld [smem:$0x3FB5]  }
0x39: {  	_ = 	snop;
	(pc) =	sbr.ind lr, $3  }
0x3a: {  	_ = 	snop  }
0x3b: {  	_ = 	snop  }
0x3c: {  	p2 =	seq.s32 s10, $0x1;
	s10 =	sld [smem:$0x3FB4]  }
0x3d: {  	_ =	shalt  }
0x3e: {  	_ =	shalt  }
0x3f: {  	_ =	shalt  }
0x40: {  	_ =	shalt  }
0x41: {  	_ =	shalt  }
0x42: {  	_ =	shalt  }
0x43: {  	_ =	shalt  }
0x44: {  	_ =	shalt  }
0x45: {  	_ =	shalt  }
0x46: {  	_ =	shalt  }
0x47: {  	_ =	shalt  }
0x48: {  	_ =	shalt  }
0x49: {  	_ =	shalt  }
0x4a: {  	_ =	shalt  }
0x4b: {  	_ =	shalt  }
0x4c: {  	_ =	shalt  }
0x4d: {  	_ =	shalt  }
0x4e: {  	_ =	shalt  }
0x4f: {  	_ =	shalt  }
0x50: {  	_ =	shalt  }
0x51: {  	_ =	shalt  }
0x52: {  	_ =	shalt  }
0x53: {  	_ =	shalt  }
0x54: {  	_ =	shalt  }
0x55: {  	_ =	shalt  }
0x56: {  	_ =	shalt  }
0x57: {  	_ =	shalt  }
0x58: {  	_ =	shalt  }
0x59: {  	_ =	shalt  }
0x5a: {  	_ =	shalt  }
0x5b: {  	_ =	shalt  }
0x5c: {  	_ =	shalt  }
0x5d: {  	_ =	shalt  }
0x5e: {  	_ =	shalt  }
0x5f: {  	_ =	shalt  }
0x60: {  	_ =	shalt  }
0x61: {  	_ =	shalt  }
0x62: {  	_ =	shalt  }
0x63: {  	_ =	shalt  }
0x64: {  	_ =	shalt  }
0x65: {  	_ =	shalt  }
0x66: {  	_ =	shalt  }
0x67: {  	_ =	shalt  }
0x68: {  	_ =	shalt  }
0x69: {  	_ =	shalt  }
0x6a: {  	_ =	shalt  }
0x6b: {  	_ =	shalt  }
0x6c: {  	_ =	shalt  }
0x6d: {  	_ =	shalt  }
0x6e: {  	_ =	shalt  }
0x6f: {  	_ =	shalt  }
0x70: {  	_ =	shalt  }
0x71: {  	_ =	shalt  }
0x72: {  	_ =	shalt  }
0x73: {  	_ =	shalt  }
0x74: {  	_ =	shalt  }
0x75: {  	_ =	shalt  }
0x76: {  	_ =	shalt  }
0x77: {  	_ =	shalt  }
0x78: {  	_ =	shalt  }
0x79: {  	_ =	shalt  }
0x7a: {  	_ =	shalt  }
0x7b: {  	_ =	shalt  }
0x7c: {  	_ =	shalt  }
0x7d: {  	_ =	shalt  }
0x7e: {  	_ =	shalt  }
0x7f: {  	_ =	shalt  }
0x80: {  	_ =	shalt  }
0x81: {  	_ =	shalt  }
0x82: {  	_ =	shalt  }
0x83: {  	_ =	shalt  }
0x84: {  	_ =	shalt  }
0x85: {  	_ =	shalt  }
0x86: {  	_ =	shalt  }
0x87: {  	_ =	shalt  }
.Lfunc_end0:
.L_simem_size_0:
called_computation.2_lowered:
.L_overlay_start_0:
0x88: {  	s2 =	sld [smem:$0x3FD9]  }
0x89: {  	s3 =	sld [smem:$0x3FFE];
	_ =	sdelay $0x1  }
0x8a: {  	s1 =	srdreg.scid  }
0x8b: {  	s0 =	sand.u32 $0x1, s1  }
0x8c: {  	s17 =	sshll.u32 s0, $0xA;
	s2 =	sadd.s32 s3, s2  }
0x8d: {  	s2 =	sadd.s32 s2, s17  }
0x8e: {  	[smem:$0x3FC0] =	sst s2  }
0x8f: {  	_ = 	snop  }
0x90: {  	(tm) =	ssettm $0x1  }
0x91: {  	s18 =	sld [smem:$0x3FFB];
	_ =	sdelay $0x3  }
0x92: {  	_ =	strace s18  }
0x93: {  	s2 =	sld [smem:$0x3FFC];
	_ =	sdelay $0x3  }
0x94: {  	_ =	strace s2  }
0x95: {  	s2 =	sld [smem:$0x3FFD];
	_ =	sdelay $0x3  }
0x96: {  	_ =	strace s2  }
0x97: {  	_ =	strace $0x8FFFFFFF  }
0x98: {  	s19 =	sld [smem:$0x3FDB];
	_ =	sdelay $0x1  }
0x99: {  	s20 =	simm.s32 $_scs_section_size  }
0x9a: {  	s4 =	simm.s32 $_size__tile_overlayer_lowered;
	s5 =	simm.s32 $_tile_overlayer_lowered  }
0x9b: {  	s6 =	simm.s32 $0x1BFF;
	s21 =	sshll.u32 s5, $0x1;
	s3 =	sadd.s32 s20, s19  }
0x9c: {  	s22 =	simm.s32 $0x0;
	s4 =	sshll.u32 s4, $0x1;
	s5 =	sadd.s32 s21, s3  }
0x9d: {  	[timem:s22], [sflag:s6] =	dma.local [hbm:s5], s4  }
0x9e: {  	_ =	swait.ge [sflag:s6], s4  }
0x9f: {  	s4 =	ssub.s32 $0x0, s4;
	[sflag:s6] =	ssyncset.done $0x0  }
0xa0: {  	[sflag:s6] =	ssyncadd.s32 s4;
	_ =	sdelay $0x1  }
0xa1: {  	s23 =	simm.s32 $0x1B8B  }
0xa2: {  	_ =	swait.ge [sflag:s23], $0x1  }
0xa3: {  	[sflag:s23] =	ssyncset.done $0x0  }
0xa4: {  	[sflag:s23] =	ssyncadd.s32 $0xFFFFFFFF  }
0xa5: {  	s4 =	sld [smem:$0x0]  }
0xa6: {  	s5 =	sand.u32 $0xFFFFFFFE, s1  }
0xa7: {  	p0 =	sne.s32 s1, s5  }
0xa8: {  	s5 =	sshll.u32 @p0 s5, $0xE  }
0xa9: {  	s5 =	sadd.s32 @p0 $0x11B8D, s5;
	s6 =	sshll.u32 @p0 s4, $0x11  }
0xaa: {  	s5 =	sor.u32 @p0 s6, s5  }
0xab: {  	[sflag:s5] =	ssyncadd.remote.s32 @p0 $0x1;
	_ =	sdelay $0x1  }
0xac: {  	s5 =	simm.s32 @p0 $0x1B8D  }
0xad: {  	_ =	swait.eq @p0 [sflag:s5], $0x1  }
0xae: {  	[sflag:s5] =	ssyncadd.s32 @p0 $0xFFFFFFFF  }
0xaf: {  	s6 =	sshll.u32 @!p0 s1, $0xE  }
0xb0: {  	s6 =	sor.u32 @!p0 $0x4000, s6;
	s5 =	simm.s32 @!p0 $0x1B8D  }
0xb1: {  	s4 =	sshll.u32 @!p0 s4, $0x11;
	s6 =	sadd.s32 @!p0 $0x11B8D, s6;
	_ =	swait.eq @!p0 [sflag:s5], $0x1  }
0xb2: {  	s4 =	sor.u32 @!p0 s4, s6;
	[sflag:s5] =	ssyncadd.s32 @!p0 $0xFFFFFFFF  }
0xb3: {  	s25 =	simm.s32 $0x1B8E;
	s24 =	sld [smem:$0x3FFE];
	[sflag:s4] =	ssyncadd.remote.s32 @!p0 $0x1  }
0xb4: {  	s26 =	simm.s32 $execute0_lowered;
	[smem:$0x3FD2] =	sst s25  }
0xb5: {  	s5 =	sshll.u32 s26, $0x1;
	_ =	strace $0x8000004C;
	[dreg:$0x1] =	wrdreg $0xFFFFFFFF  }
0xb6: {  	s28 =	simm.s32 $_size_execute0_lowered;
	s3 =	sadd.s32 s3, s5;
	[dreg:$0x0] =	wrdreg $0x0  }
0xb7: {  	s5 =	sshll.u32 s28, $0x1;
	[dreg:$0x2] =	wrdreg s3  }
0xb8: {  	[dreg:$0x3] =	wrdreg s5  }
0xb9: {  	[dreg:$0x4] =	wrdreg $0xC0  }
0xba: {  	_ =	task [dreg:s22], $0x5FFFF  }
0xbb: {  	[dreg:$0x1] =	wrdreg $0xFFFFFFFF  }
0xbc: {  	[dreg:$0x0] =	wrdreg $0x60  }
0xbd: {  	[dreg:$0x2] =	wrdreg s24  }
0xbe: {  	[dreg:$0x3] =	wrdreg $0xB  }
0xbf: {  	_ =	task.clear_ibuf [dreg:s22], $0x4FFFF;
	_ =	strace $0x9000004C  }
0xc0: {  	s29 =	simm.s32 $0xB;
	_ =	strace $0x8000004E  }
0xc1: {  	_ =	swait.ge [sflag:s29], $0x1  }
0xc2: {  	[sflag:s29] =	ssyncadd.s32 $0xFFFFFFFF  }
0xc3: {  	_ =	strace $0x9000004E  }
0xc4: {  	_ =	sfence  }
0xc5: {  	s30 =	sld [smem:$0x0];
	_ =	sdelay $0x2  }
0xc6: {  	s31 =	sshll.u32 s1, $0xD;
	s1 =	sshrl.u32 s1, $0x2  }
0xc7: {  	s4 =	sand.u32 $0x4000, s31;
	s1 =	sadd.s32 s1, s30  }
0xc8: {  	s0 =	sor.u32 s4, s0;
	s1 =	sshll.u32 s1, $0x11  }
0xc9: {  	s0 =	sor.u32 s1, s0  }
0xca: {  	s0 =	sadd.s32 $0x8F2B, s0  }
0xcb: {  	[sflag:s0] =	ssyncadd.remote.s32 $0x1  }
0xcc: {  	_ =	sfence.sel $0xFFFF  }
0xcd: {  	[dreg:$0x0] =	wrdreg $0xFFFFFFFF;
	(pc) =	sbr.abs _section_cstart, $3  }
0xce: {  	[dreg:$0x1] =	wrdreg $0xFFFFFFFF  }
0xcf: {  	_ =	task.clear_ibuf [dreg:s22], $0x2FFFF;
	_ =	strace $0x9FFFFFFF  }
0xd0: {  	(tm) =	ssettm $0x7FFFFFFF  }
0xd1: {  	_ =	shalt  }
tec
execute0_lowered:
.L_overlay_start_1:
0x0: {  	(tag) =	ssettag $0x1  }
0x1: {  	s1 =	srdreg.scid  }
0x2: {  	s0 =	stileid.u32;
	s4 =	rddreg [dreg:$0x0];
	s2 =	simm.s32 $0x0  }
0x3: {  	s10 =	simm.s32 $0x4000;
	s11 =	simm.s32 $0xA000;
	s3 =	sand.u32 $0x1, s1  }
0x4: {  	s12 =	simm.s32 $0x1;
	s5 =	sshll.u32 s0, $0x8;
	s6 =	sshll.u32 s3, $0x7  }
0x5: {  	s13 =	simm.s32 $0x2;
	s1 =	rddreg [dreg:$0x1];
	s5 =	sor.u32 s6, s5  }
0x6: {  	s14 =	simm.s32 $0x0;
	[smem:$0x7FF] =	sst s2;
	s6 =	sshrl.u32 s5, $0x3  }
0x7: {  	s8 =	sadd.s32 $0x102400, s4;
	s3 =	ssub.s32 $0x2, s3;
	s7 =	smul.u32 $0x300, s6  }
0x8: {  	s30 =	sshrl.u32 s3, $0x1;
	s5 =	sshll.u32 s5, $0x4;
	s6 =	smul.u32 $0x1800, s6  }
0x9: {  	_ =	strace $0x8000004D;
	s9 =	ssub.s32 s3, s30;
	s5 =	sadd.s32 s5, s4  }
0xa: {  	s4 =	sadd.s32 $0x22400, s5;
	s3 =	sadd.s32 s8, s7;
	s6 =	sshrl.u32 s6, $0x3  }
0xb: {  	s5 =	sadd.s32 $0xC00, s3;
	s31 =	sadd.s32 s8, s6;
	s8 =	smax.u32 s9, $0x1  }
0xc: {  	v0 =	vimm.f32 $0.0e+00;
	v1 =	vimm.f32 $1.000000000e+00;
	s9 =	simm.s32 $0x3;
	s6 =	sadd.s32 $0x1800, s31;
	s7 =	sadd.s32 $0x2400, s31  }
.LBB2_1:
0xd: {  	[tilespmem:s2], [sflag:$0x3] =	stream.linear.gather [hbm4b:s4+s2], $0x4000, $0x38;
	[tilespmem:$0x10000] =	vst v63  }
0xe: {  	_ =	swait.ge [sflag:s9], $0x4000  }
0xf: {  	[sflag:s9] =	ssyncset.done $0x0  }
0x10: {  	s15 =	simm.s32 $0x0;
	[sflag:s9] =	ssyncadd.s32 $0xFFFFC000  }
.LBB2_2:
0x11: {  	s16 =	sshrl.u32 s15, $0x3;
	s17 =	sshll.u32 s15, $0x7  }
0x12: {  	s17 =	sand.u32 $0x380, s17;
	s16 =	smul.u32 $0x6000, s16  }
0x13: {  	v2 =	vmov s17  }
0x14: {  	s18 =	simm.s32 $0x0;
	s16 =	sshra.s32 s16, $0x2  }
0x15: {  	s31 =	sand.u32 $0x1C00, s18;
	s17 =	sadd.s32 $0x4000, s16  }
0x16: {  	s18 =	sand.u32 $0x40, s18;
	s16 =	sadd.s32 s31, s17  }
0x17: {  	s16 =	sadd.s32 s18, s16  }
0x18: {  	s19 =	simm.s32 $0x40;
	s18 =	simm.s32 $0x200;
	[tilespmem:v2+s16+$0x0 ss:$0x1] =	vst.idx.msk $0xffff, v0  }
.LBB2_3:
0x19: {  	s20 =	sand.u32 $0x1C00, s18;
	[tilespmem:v2+s16+$0x10 ss:$0x1] =	vst.idx.msk $0xffff, v0;
	p0 =	sne.s32 s19, $0x2C0  }
.Ltmp0:
0x1a: {  	s21 =	sand.u32 $0x40, s19;
	s20 =	sadd.s32 s20, s17;
	[tilespmem:v2+s16+$0x20 ss:$0x1] =	vst.idx.msk $0xffff, v0;
	(pc) =	sbr.rel @p0 .LBB2_3-.Ltmp0, $3  }
0x1b: {  	[tilespmem:v2+s16+$0x30 ss:$0x1] =	vst.idx.msk $0xffff, v0;
	s16 =	sadd.s32 s21, s20  }
0x1c: {  	[tilespmem:v2+s16+$0x0 ss:$0x1] =	vst.idx.msk $0xffff, v0;
	_ =	sdelay $0x1  }
0x1d: {  	s18 =	sadd.s32 $0x200, s18;
	s19 =	sadd.s32 $0x40, s19  }
0x1e: {  	s15 =	sadd.s32 $0x1, s15  }
0x1f: {  	p0 =	sne.s32 s15, $0x20  }
.Ltmp1:
0x20: {  	_ = 	snop;
	(pc) =	sbr.rel @p0 .LBB2_2-.Ltmp1, $4  }
0x21: {  	_ = 	snop  }
0x22: {  	[tilespmem:v2+s16+$0x10 ss:$0x1] =	vst.idx.msk $0xffff, v0  }
0x23: {  	[tilespmem:v2+s16+$0x20 ss:$0x1] =	vst.idx.msk $0xffff, v0  }
0x24: {  	[tilespmem:v2+s16+$0x30 ss:$0x1] =	vst.idx.msk $0xffff, v0  }
0x25: {  	s15 =	simm.s32 $0x0;
	s16 =	simm.s32 $0x90  }
.LBB2_6:
0x26: {  	v2 =	vld [tilespmem:s16+$0xFFFFFF70]  }
0x27: {  	v3 =	vld [tilespmem:s16+$0xFFFFFF80];
	_ =	sdelay $0x1  }
0x28: {  	v4 =	vmov s15  }
0x29: {  	v5 =	vshrl.u32 v4, $0x3  }
0x2a: {  	v5 =	vmul.u32 $0x1800, v5;
	v6 =	vand.u32 $0x7F, v2;
	v2 =	vshll.u32 v2, $0x3  }
0x2b: {  	v4 =	vshll.u32 v4, $0x7;
	v7 =	vshll.u32 v3, $0x3;
	v2 =	vand.u32 $0xFFFFFC00, v2  }
0x2c: {  	v4 =	vand.u32 $0x300, v4;
	v7 =	vand.u32 $0xFFFFFC00, v7;
	v2 =	vadd.s32 v5, v2  }
0x2d: {  	v3 =	vand.u32 $0x7F, v3;
	v5 =	vadd.s32 v5, v7;
	v2 =	vor.u32 v6, v2  }
0x2e: {  	v3 =	vor.u32 v3, v5;
	v2 =	vor.u32 v4, v2  }
0x2f: {  	v3 =	vor.u32 v4, v3;
	_ =	sdelay $0x3  }
0x30: {  	[tilespmem:v2+s10+$0x0] =	vst.idx.add.f32.msk $0xffff, v1  }
0x31: {  	[tilespmem:v3+s10+$0x0] =	vst.idx.add.f32.msk $0xffff, v1  }
0x32: {  	v2 =	vld [tilespmem:s16+$0xFFFFFFF0]  }
0x33: {  	v3 =	vld [tilespmem:s16+$0x0]  }
0x34: {  	s17 =	sadd.s32 $0x1, s15  }
0x35: {  	v59 =	vmov s17  }
0x36: {  	v60 =	vshrl.u32 v59, $0x3  }
0x37: {  	v5 =	vmul.u32 $0x1800, v60;
	v4 =	vshll.u32 v59, $0x7;
	v61 =	vshll.u32 v2, $0x3  }
0x38: {  	v4 =	vand.u32 $0x380, v4;
	v62 =	vshll.u32 v3, $0x3;
	v6 =	vand.u32 $0xFFFFFC00, v61  }
0x39: {  	v2 =	vand.u32 $0x7F, v2;
	v63 =	vand.u32 $0xFFFFFC00, v62;
	v6 =	vadd.s32 v5, v6  }
0x3a: {  	v3 =	vand.u32 $0x7F, v3;
	v5 =	vadd.s32 v5, v63;
	v2 =	vor.u32 v2, v6  }
0x3b: {  	v3 =	vor.u32 v3, v5;
	v2 =	vor.u32 v4, v2  }
0x3c: {  	p0 =	sne.s32 s15, $0x1E;
	v3 =	vor.u32 v4, v3  }
.Ltmp2:
0x3d: {  	_ = 	snop;
	(pc) =	sbr.rel @p0 .LBB2_6-.Ltmp2, $3  }
0x3e: {  	_ =	sdelay $0x1  }
0x3f: {  	[tilespmem:v2+s10+$0x0] =	vst.idx.add.f32.msk $0xffff, v1  }
0x40: {  	s15 =	sadd.s32 $0x2, s15;
	s16 =	sadd.s32 $0x100, s16;
	[tilespmem:v3+s10+$0x0] =	vst.idx.add.f32.msk $0xffff, v1  }
0x41: {  	s15 =	simm.s32 $0x0;
	s16 =	simm.s32 $0x0  }
0x42: {  	[hbm4b:s3+s15] =	stream.linear.scatter [tilespmem:s10], [sflag:$0x1], $0x6000, $0x38;
	[tilespmem:$0x10000] =	vst v63  }
.LBB2_8:
0x43: {  	s17 =	sshrl.u32 s16, $0x3;
	s18 =	sshll.u32 s16, $0x7  }
0x44: {  	s18 =	sand.u32 $0x380, s18;
	s17 =	smul.u32 $0x6000, s17  }
0x45: {  	v2 =	vmov s18  }
0x46: {  	s17 =	sshra.s32 s17, $0x2  }
0x47: {  	s31 =	sand.u32 $0x1C00, s15;
	s18 =	sadd.s32 $0xA000, s17  }
0x48: {  	s19 =	sand.u32 $0x40, s15;
	s17 =	sadd.s32 s31, s18  }
0x49: {  	s17 =	sadd.s32 s19, s17  }
0x4a: {  	s20 =	simm.s32 $0x40;
	s19 =	simm.s32 $0x200;
	[tilespmem:v2+s17+$0x0 ss:$0x1] =	vst.idx.msk $0xffff, v0  }
.LBB2_9:
0x4b: {  	s21 =	sand.u32 $0x1C00, s19;
	[tilespmem:v2+s17+$0x10 ss:$0x1] =	vst.idx.msk $0xffff, v0;
	p0 =	sne.s32 s20, $0x2C0  }
.Ltmp3:
0x4c: {  	s22 =	sand.u32 $0x40, s20;
	s21 =	sadd.s32 s21, s18;
	[tilespmem:v2+s17+$0x20 ss:$0x1] =	vst.idx.msk $0xffff, v0;
	(pc) =	sbr.rel @p0 .LBB2_9-.Ltmp3, $3  }
0x4d: {  	[tilespmem:v2+s17+$0x30 ss:$0x1] =	vst.idx.msk $0xffff, v0;
	s17 =	sadd.s32 s22, s21  }
0x4e: {  	[tilespmem:v2+s17+$0x0 ss:$0x1] =	vst.idx.msk $0xffff, v0;
	_ =	sdelay $0x1  }
0x4f: {  	s19 =	sadd.s32 $0x200, s19;
	s20 =	sadd.s32 $0x40, s20  }
0x50: {  	s16 =	sadd.s32 $0x1, s16  }
0x51: {  	p0 =	sne.s32 s16, $0x20  }
.Ltmp4:
0x52: {  	_ = 	snop;
	(pc) =	sbr.rel @p0 .LBB2_8-.Ltmp4, $4  }
0x53: {  	_ = 	snop  }
0x54: {  	[tilespmem:v2+s17+$0x10 ss:$0x1] =	vst.idx.msk $0xffff, v0  }
0x55: {  	[tilespmem:v2+s17+$0x20 ss:$0x1] =	vst.idx.msk $0xffff, v0  }
0x56: {  	[tilespmem:v2+s17+$0x30 ss:$0x1] =	vst.idx.msk $0xffff, v0  }
0x57: {  	s15 =	simm.s32 $0x0;
	s16 =	simm.s32 $0x1090  }
.LBB2_12:
0x58: {  	v2 =	vld [tilespmem:s16+$0xFFFFFF70]  }
0x59: {  	v3 =	vld [tilespmem:s16+$0xFFFFFF80];
	_ =	sdelay $0x1  }
0x5a: {  	v4 =	vmov s15  }
0x5b: {  	v5 =	vshrl.u32 v4, $0x3  }
0x5c: {  	v5 =	vmul.u32 $0x1800, v5;
	v6 =	vand.u32 $0x7F, v2;
	v2 =	vshll.u32 v2, $0x3  }
0x5d: {  	v4 =	vshll.u32 v4, $0x7;
	v7 =	vshll.u32 v3, $0x3;
	v2 =	vand.u32 $0xFFFFFC00, v2  }
0x5e: {  	v4 =	vand.u32 $0x300, v4;
	v7 =	vand.u32 $0xFFFFFC00, v7;
	v2 =	vadd.s32 v5, v2  }
0x5f: {  	v3 =	vand.u32 $0x7F, v3;
	v5 =	vadd.s32 v5, v7;
	v2 =	vor.u32 v6, v2  }
0x60: {  	v3 =	vor.u32 v3, v5;
	v2 =	vor.u32 v4, v2  }
0x61: {  	v3 =	vor.u32 v4, v3;
	_ =	sdelay $0x3  }
0x62: {  	[tilespmem:v2+s11+$0x0] =	vst.idx.add.f32.msk $0xffff, v1  }
0x63: {  	[tilespmem:v3+s11+$0x0] =	vst.idx.add.f32.msk $0xffff, v1  }
0x64: {  	v2 =	vld [tilespmem:s16+$0xFFFFFFF0]  }
0x65: {  	v3 =	vld [tilespmem:s16+$0x0]  }
0x66: {  	s17 =	sadd.s32 $0x1, s15  }
0x67: {  	v59 =	vmov s17  }
0x68: {  	v60 =	vshrl.u32 v59, $0x3  }
0x69: {  	v5 =	vmul.u32 $0x1800, v60;
	v4 =	vshll.u32 v59, $0x7;
	v61 =	vshll.u32 v2, $0x3  }
0x6a: {  	v4 =	vand.u32 $0x380, v4;
	v62 =	vshll.u32 v3, $0x3;
	v6 =	vand.u32 $0xFFFFFC00, v61  }
0x6b: {  	v2 =	vand.u32 $0x7F, v2;
	v63 =	vand.u32 $0xFFFFFC00, v62;
	v6 =	vadd.s32 v5, v6  }
0x6c: {  	v3 =	vand.u32 $0x7F, v3;
	v5 =	vadd.s32 v5, v63;
	v2 =	vor.u32 v2, v6  }
0x6d: {  	v3 =	vor.u32 v3, v5;
	v2 =	vor.u32 v4, v2  }
0x6e: {  	p0 =	sne.s32 s15, $0x1E;
	v3 =	vor.u32 v4, v3  }
.Ltmp5:
0x6f: {  	_ = 	snop;
	(pc) =	sbr.rel @p0 .LBB2_12-.Ltmp5, $3  }
0x70: {  	_ =	sdelay $0x1  }
0x71: {  	[tilespmem:v2+s11+$0x0] =	vst.idx.add.f32.msk $0xffff, v1  }
0x72: {  	s15 =	sadd.s32 $0x2, s15;
	s16 =	sadd.s32 $0x100, s16;
	[tilespmem:v3+s11+$0x0] =	vst.idx.add.f32.msk $0xffff, v1  }
0x73: {  	s15 =	simm.s32 $0x0  }
0x74: {  	[hbm4b:s5+s15] =	stream.linear.scatter [tilespmem:s11], [sflag:$0x2], $0x6000, $0x38;
	[tilespmem:$0x10000] =	vst v63  }
0x75: {  	_ =	swait.ge [sflag:s12], $0x6000  }
0x76: {  	[sflag:s12] =	ssyncset.done $0x0  }
0x77: {  	s16 =	simm.s32 $0x10;
	s17 =	simm.s32 $0x0;
	[sflag:s12] =	ssyncadd.s32 $0xFFFFA000  }
.LBB2_14:
0x78: {  	v2 =	vld [tilespmem:s16+$0xFFFFFFF0]  }
0x79: {  	v3 =	vld [tilespmem:s16+$0x0];
	_ =	sdelay $0x1  }
0x7a: {  	v4 =	vmov s17  }
0x7b: {  	v5 =	vshrl.u32 v4, $0x3  }
0x7c: {  	v4 =	vshll.u32 v4, $0x7;
	v5 =	vmul.u32 $0x1800, v5;
	v6 =	vshll.u32 v2, $0x3  }
0x7d: {  	v4 =	vand.u32 $0x380, v4;
	v7 =	vshll.u32 v3, $0x3;
	v6 =	vand.u32 $0xFFFFFC00, v6  }
0x7e: {  	v2 =	vand.u32 $0x7F, v2;
	v63 =	vand.u32 $0xFFFFFC00, v7;
	v6 =	vadd.s32 v5, v6  }
0x7f: {  	v3 =	vand.u32 $0x7F, v3;
	v5 =	vadd.s32 v5, v63;
	v2 =	vor.u32 v2, v6  }
0x80: {  	v3 =	vor.u32 v3, v5;
	v2 =	vor.u32 v4, v2  }
0x81: {  	p0 =	sne.s32 s17, $0x1F;
	v3 =	vor.u32 v4, v3  }
.Ltmp6:
0x82: {  	_ = 	snop;
	(pc) =	sbr.rel @p0 .LBB2_14-.Ltmp6, $3  }
0x83: {  	_ =	sdelay $0x1  }
0x84: {  	[tilespmem:v2+s10+$0x0] =	vst.idx.msk $0xffff, v0  }
0x85: {  	s16 =	sadd.s32 $0x80, s16;
	s17 =	sadd.s32 $0x1, s17;
	[tilespmem:v3+s10+$0x0] =	vst.idx.msk $0xffff, v0  }
0x86: {  	s16 =	simm.s32 $0x2090  }
.LBB2_16:
0x87: {  	v2 =	vld [tilespmem:s16+$0xFFFFFF70]  }
0x88: {  	v3 =	vld [tilespmem:s16+$0xFFFFFF80];
	_ =	sdelay $0x1  }
0x89: {  	v4 =	vmov s15  }
0x8a: {  	v5 =	vshrl.u32 v4, $0x3  }
0x8b: {  	v5 =	vmul.u32 $0x1800, v5;
	v6 =	vand.u32 $0x7F, v2;
	v2 =	vshll.u32 v2, $0x3  }
0x8c: {  	v4 =	vshll.u32 v4, $0x7;
	v7 =	vshll.u32 v3, $0x3;
	v2 =	vand.u32 $0xFFFFFC00, v2  }
0x8d: {  	v4 =	vand.u32 $0x300, v4;
	v7 =	vand.u32 $0xFFFFFC00, v7;
	v2 =	vadd.s32 v5, v2  }
0x8e: {  	v3 =	vand.u32 $0x7F, v3;
	v5 =	vadd.s32 v5, v7;
	v2 =	vor.u32 v6, v2  }
0x8f: {  	v3 =	vor.u32 v3, v5;
	v2 =	vor.u32 v4, v2  }
0x90: {  	v3 =	vor.u32 v4, v3;
	_ =	sdelay $0x3  }
0x91: {  	[tilespmem:v2+s10+$0x0] =	vst.idx.add.f32.msk $0xffff, v1  }
0x92: {  	[tilespmem:v3+s10+$0x0] =	vst.idx.add.f32.msk $0xffff, v1  }
0x93: {  	v2 =	vld [tilespmem:s16+$0xFFFFFFF0]  }
0x94: {  	v3 =	vld [tilespmem:s16+$0x0]  }
0x95: {  	s17 =	sadd.s32 $0x1, s15  }
0x96: {  	v59 =	vmov s17  }
0x97: {  	v60 =	vshrl.u32 v59, $0x3  }
0x98: {  	v5 =	vmul.u32 $0x1800, v60;
	v4 =	vshll.u32 v59, $0x7;
	v61 =	vshll.u32 v2, $0x3  }
0x99: {  	v4 =	vand.u32 $0x380, v4;
	v62 =	vshll.u32 v3, $0x3;
	v6 =	vand.u32 $0xFFFFFC00, v61  }
0x9a: {  	v2 =	vand.u32 $0x7F, v2;
	v63 =	vand.u32 $0xFFFFFC00, v62;
	v6 =	vadd.s32 v5, v6  }
0x9b: {  	v3 =	vand.u32 $0x7F, v3;
	v5 =	vadd.s32 v5, v63;
	v2 =	vor.u32 v2, v6  }
0x9c: {  	v3 =	vor.u32 v3, v5;
	v2 =	vor.u32 v4, v2  }
0x9d: {  	p0 =	sne.s32 s15, $0x1E;
	v3 =	vor.u32 v4, v3  }
.Ltmp7:
0x9e: {  	_ = 	snop;
	(pc) =	sbr.rel @p0 .LBB2_16-.Ltmp7, $3  }
0x9f: {  	_ =	sdelay $0x1  }
0xa0: {  	[tilespmem:v2+s10+$0x0] =	vst.idx.add.f32.msk $0xffff, v1  }
0xa1: {  	s15 =	sadd.s32 $0x2, s15;
	s16 =	sadd.s32 $0x100, s16;
	[tilespmem:v3+s10+$0x0] =	vst.idx.add.f32.msk $0xffff, v1  }
0xa2: {  	s15 =	simm.s32 $0x0  }
0xa3: {  	[hbm4b:s6+s15] =	stream.linear.scatter [tilespmem:s10], [sflag:$0x1], $0x6000, $0x38;
	[tilespmem:$0x10000] =	vst v63  }
0xa4: {  	_ =	swait.ge [sflag:s13], $0x6000  }
0xa5: {  	[sflag:s13] =	ssyncset.done $0x0  }
0xa6: {  	s16 =	simm.s32 $0x1010;
	s17 =	simm.s32 $0x0;
	[sflag:s13] =	ssyncadd.s32 $0xFFFFA000  }
.LBB2_18:
0xa7: {  	v2 =	vld [tilespmem:s16+$0xFFFFFFF0]  }
0xa8: {  	v3 =	vld [tilespmem:s16+$0x0];
	_ =	sdelay $0x1  }
0xa9: {  	v4 =	vmov s17  }
0xaa: {  	v5 =	vshrl.u32 v4, $0x3  }
0xab: {  	v4 =	vshll.u32 v4, $0x7;
	v5 =	vmul.u32 $0x1800, v5;
	v6 =	vshll.u32 v2, $0x3  }
0xac: {  	v4 =	vand.u32 $0x380, v4;
	v7 =	vshll.u32 v3, $0x3;
	v6 =	vand.u32 $0xFFFFFC00, v6  }
0xad: {  	v2 =	vand.u32 $0x7F, v2;
	v63 =	vand.u32 $0xFFFFFC00, v7;
	v6 =	vadd.s32 v5, v6  }
0xae: {  	v3 =	vand.u32 $0x7F, v3;
	v5 =	vadd.s32 v5, v63;
	v2 =	vor.u32 v2, v6  }
0xaf: {  	v3 =	vor.u32 v3, v5;
	v2 =	vor.u32 v4, v2  }
0xb0: {  	p0 =	sne.s32 s17, $0x1F;
	v3 =	vor.u32 v4, v3  }
.Ltmp8:
0xb1: {  	_ = 	snop;
	(pc) =	sbr.rel @p0 .LBB2_18-.Ltmp8, $3  }
0xb2: {  	_ =	sdelay $0x1  }
0xb3: {  	[tilespmem:v2+s11+$0x0] =	vst.idx.msk $0xffff, v0  }
0xb4: {  	s16 =	sadd.s32 $0x80, s16;
	s17 =	sadd.s32 $0x1, s17;
	[tilespmem:v3+s11+$0x0] =	vst.idx.msk $0xffff, v0  }
0xb5: {  	s16 =	simm.s32 $0x3090  }
.LBB2_20:
0xb6: {  	v2 =	vld [tilespmem:s16+$0xFFFFFF70]  }
0xb7: {  	v3 =	vld [tilespmem:s16+$0xFFFFFF80];
	_ =	sdelay $0x1  }
0xb8: {  	v4 =	vmov s15  }
0xb9: {  	v5 =	vshrl.u32 v4, $0x3  }
0xba: {  	v5 =	vmul.u32 $0x1800, v5;
	v6 =	vand.u32 $0x7F, v2;
	v2 =	vshll.u32 v2, $0x3  }
0xbb: {  	v4 =	vshll.u32 v4, $0x7;
	v7 =	vshll.u32 v3, $0x3;
	v2 =	vand.u32 $0xFFFFFC00, v2  }
0xbc: {  	v4 =	vand.u32 $0x300, v4;
	v7 =	vand.u32 $0xFFFFFC00, v7;
	v2 =	vadd.s32 v5, v2  }
0xbd: {  	v3 =	vand.u32 $0x7F, v3;
	v5 =	vadd.s32 v5, v7;
	v2 =	vor.u32 v6, v2  }
0xbe: {  	v3 =	vor.u32 v3, v5;
	v2 =	vor.u32 v4, v2  }
0xbf: {  	v3 =	vor.u32 v4, v3;
	_ =	sdelay $0x3  }
0xc0: {  	[tilespmem:v2+s11+$0x0] =	vst.idx.add.f32.msk $0xffff, v1  }
0xc1: {  	[tilespmem:v3+s11+$0x0] =	vst.idx.add.f32.msk $0xffff, v1  }
0xc2: {  	v2 =	vld [tilespmem:s16+$0xFFFFFFF0]  }
0xc3: {  	v3 =	vld [tilespmem:s16+$0x0]  }
0xc4: {  	s17 =	sadd.s32 $0x1, s15  }
0xc5: {  	v59 =	vmov s17  }
0xc6: {  	v60 =	vshrl.u32 v59, $0x3  }
0xc7: {  	v5 =	vmul.u32 $0x1800, v60;
	v4 =	vshll.u32 v59, $0x7;
	v61 =	vshll.u32 v2, $0x3  }
0xc8: {  	v4 =	vand.u32 $0x380, v4;
	v62 =	vshll.u32 v3, $0x3;
	v6 =	vand.u32 $0xFFFFFC00, v61  }
0xc9: {  	v2 =	vand.u32 $0x7F, v2;
	v63 =	vand.u32 $0xFFFFFC00, v62;
	v6 =	vadd.s32 v5, v6  }
0xca: {  	v3 =	vand.u32 $0x7F, v3;
	v5 =	vadd.s32 v5, v63;
	v2 =	vor.u32 v2, v6  }
0xcb: {  	v3 =	vor.u32 v3, v5;
	v2 =	vor.u32 v4, v2  }
0xcc: {  	p0 =	sne.s32 s15, $0x1E;
	v3 =	vor.u32 v4, v3  }
.Ltmp9:
0xcd: {  	_ = 	snop;
	(pc) =	sbr.rel @p0 .LBB2_20-.Ltmp9, $3  }
0xce: {  	_ =	sdelay $0x1  }
0xcf: {  	[tilespmem:v2+s11+$0x0] =	vst.idx.add.f32.msk $0xffff, v1  }
0xd0: {  	s15 =	sadd.s32 $0x2, s15;
	s16 =	sadd.s32 $0x100, s16;
	[tilespmem:v3+s11+$0x0] =	vst.idx.add.f32.msk $0xffff, v1  }
0xd1: {  	[hbm4b:s7+s2] =	stream.linear.scatter [tilespmem:s11], [sflag:$0x2], $0x6000, $0x38;
	[tilespmem:$0x10000] =	vst v63  }
0xd2: {  	s14 =	sadd.s32 $0x1, s14  }
0xd3: {  	_ =	swait.ge [sflag:s12], $0x6000;
	p0 =	sne.s32 s14, s8  }
.Ltmp10:
0xd4: {  	[sflag:s12] =	ssyncset.done $0x0;
	(pc) =	sbr.rel @p0 .LBB2_1-.Ltmp10, $4  }
0xd5: {  	[sflag:s12] =	ssyncadd.s32 $0xFFFFA000  }
0xd6: {  	_ =	swait.ge [sflag:s13], $0x6000  }
0xd7: {  	[sflag:s13] =	ssyncset.done $0x0  }
0xd8: {  	[sflag:s13] =	ssyncadd.s32 $0xFFFFA000  }
0xd9: {  	_ =	sfence.sel $0x180000  }
0xda: {  	[bflag:$0x0] =	sbarrier.arrive $0xFFFF  }
0xdb: {  	p0 =	sne.s32 s0, $0x0;
	_ =	strace $0x9000004D  }
0xdc: {  	s0 =	sadd.s32 @!p0 $0x100000, s1;
	[bflag:$0x2] =	sbarrier.arrive $0xFFFF  }
0xdd: {  	[sflag:s0] =	ssyncadd.tile.s32 @!p0 $0x1;
	_ =	shalt  }
.Lfunc_end2:
_tile_overlayer_lowered:
.L_overlay_start_2:
0xde: {  	(tag) =	ssettag $0x2  }
0xdf: {  	s0 =	rddreg [dreg:$0x0];
	s2 =	stileid.u32  }
0xe0: {  	s1 =	rddreg [dreg:$0x1];
	p0 =	sne.s32 s2, $0x0  }
0xe1: {  	s3 =	rddreg [dreg:$0x2];
	[bflag:$0x3] =	sbarrier.arrive $0xFFFF;
	s2 =	simm.s32 @!p0 $0x1C03  }
0xe2: {  	[timem:s3], [sflag:s2] =	dma.local @!p0 [hbm:s0], s1  }
0xe3: {  	s0 =	simm.s32 @!p0 $0x3  }
0xe4: {  	_ =	swait.ge @!p0 [sflag:s0], s1  }
0xe5: {  	s1 =	ssub.s32 @!p0 $0x0, s1;
	[sflag:s0] =	ssyncset.done @!p0 $0x0  }
0xe6: {  	[sflag:s0] =	ssyncadd.s32 @!p0 s1  }
0xe7: {  	[bflag:$0x3] =	sbarrier.arrive $0xFFFF  }
0xe8: {  	_ =	shalt  }

// kernel: kernel.19.cloned.1.call-start
scs
__scs_entry_jumppad:
0x0: {  	(pc) =	sbr.rel $0x88, $3  }
0x1: {  	(tag) =	ssettag $0x0;
	lr =	simm.s32 $0x1  }
0x2: {  	[smem:$0x3F99] =	sst lr;
	_ =	strace $0xD0000000  }
0x3: {  	_ = 	snop  }
0x4: {  	_ = 	snop  }
0x5: {  	_ = 	snop  }
0x6: {  	_ = 	snop  }
0x7: {  	_ = 	snop  }
__scs_overlays_trampoline_lowered:
0x8: {  	[smem:$0x3FA8] =	sst s0  }
0x9: {  	[smem:$0x3FA9] =	sst s1  }
0xa: {  	[smem:$0x3FAA] =	sst s2  }
0xb: {  	[smem:$0x3FAB] =	sst s3  }
0xc: {  	[smem:$0x3FAC] =	sst s4  }
0xd: {  	[smem:$0x3FAD] =	sst s5  }
0xe: {  	[smem:$0x3FAE] =	sst s6  }
0xf: {  	[smem:$0x3FAF] =	sst s7  }
0x10: {  	[smem:$0x3FB0] =	sst s8  }
0x11: {  	[smem:$0x3FB1] =	sst s9;
	s0 =	simm.s32 @!p0 $0x0  }
0x12: {  	s1 =	sld [smem:$0x3F97];
	s0 =	simm.s32 @p0 $0x1  }
0x13: {  	[smem:$0x3FB2] =	sst s0;
	s0 =	simm.s32 @!p1 $0x0  }
0x14: {  	s2 =	sld [smem:$0x3F96];
	s0 =	simm.s32 @p1 $0x1  }
0x15: {  	[smem:$0x3FB3] =	sst s0;
	s0 =	simm.s32 @!p2 $0x0  }
0x16: {  	s3 =	sld [smem:$0x3FDB];
	s0 =	simm.s32 @p2 $0x1  }
0x17: {  	s4 =	simm.s32 $0x1BF5;
	[smem:$0x3FB5] =	sst s0  }
0x18: {  	s0 =	sld [smem:$0x3F98];
	_ =	swait.ge [sflag:s4], $0x0  }
0x19: {  	s7 =	sld [smem:$0x3F99]  }
0x1a: {  	s8 =	sadd.s32 $0xFFFFE003, lr  }
0x1b: {  	s9 =	sadd.s32 $0xFFFFFEF7, lr;
	s5 =	simm.s32 $0xFFFFFFFF;
	p2 =	slt.u32 s8, $0xFFFFF086  }
0x1c: {  	p1 =	slt.u32 s9, $0xF7A;
	s5 =	simm.s32 @!p2 $0x0  }
0x1d: {  	s5 =	simm.s32 @p1 $0x1;
	p0 =	seq.s32 s7, s2  }
0x1e: {  	s7 =	smul.u32 @!p0 $0xF7A, s2;
	p2 =	seq.s32 @!p0 s5, $0x0  }
0x1f: {  	s9 =	smul.u32 $0xF7A, s1;
	s8 =	simm.s32 @!p0 $0x1BF5;
	p2 =	por !p2, p0  }
0x20: {  	[sflag:s8] =	ssyncset.s32 @!p0 $0xFFFFF086;
	s6 =	sadd.s32 @!p0 s3, s7;
	s7 =	simm.s32 @!p0 $0x108  }
0x21: {  	s3 =	sadd.s32 s3, s9;
	s6 =	sadd.s32 @!p0 $0x88, s6;
	s7 =	simm.s32 @p2 $0x1082  }
0x22: {  	[simem:s7], [sflag:s8] =	dma.local @!p0 [hbm:s6], $0xF7A  }
0x23: {  	s9 =	sor.u32 $0xD0000000, s2;
	s6 =	simm.s32 $0x108;
	_ =	swait.ge @!p0 [sflag:s8], $0x0  }
0x24: {  	s3 =	sadd.s32 $0x88, s3;
	s6 =	simm.s32 @!p1 $0x1082;
	[sflag:s4] =	ssyncset.s32 $0xFFFFF086  }
0x25: {  	[simem:s6], [sflag:s4] =	dma.local [hbm:s3], $0xF7A  }
0x26: {  	[smem:$0x3F99] =	sst s1;
	(tag) =	ssettag s2;
	_ =	strace s9  }
0x27: {  	s1 =	sld [smem:$0x3FA9]  }
0x28: {  	s2 =	sld [smem:$0x3FAA]  }
0x29: {  	s4 =	sld [smem:$0x3FAC]  }
0x2a: {  	p0 =	seq.s32 s5, $0x0;
	s5 =	sld [smem:$0x3FAD]  }
0x2b: {  	s6 =	sld [smem:$0x3FAE]  }
0x2c: {  	s7 =	sld [smem:$0x3FAF]  }
0x2d: {  	s3 =	simm.s32 $0x108;
	s8 =	sld [smem:$0x3FB0]  }
0x2e: {  	s3 =	simm.s32 @!p0 $0x1082;
	s9 =	sld [smem:$0x3FB1]  }
0x2f: {  	lr =	sadd.s32 s0, s3;
	s0 =	sld [smem:$0x3FA8]  }
0x30: {  	s3 =	sld [smem:$0x3FAB]  }
0x31: {  	[smem:$0x3FB4] =	sst s10  }
0x32: {  	s10 =	sld [smem:$0x3FB2];
	_ =	sdelay $0x3  }
0x33: {  	p0 =	seq.s32 s10, $0x1;
	s10 =	sld [smem:$0x3FB4];
	_ =	sdelay $0x3  }
0x34: {  	[smem:$0x3FB4] =	sst s10  }
0x35: {  	s10 =	sld [smem:$0x3FB3];
	_ =	sdelay $0x3  }
0x36: {  	p1 =	seq.s32 s10, $0x1;
	s10 =	sld [smem:$0x3FB4];
	_ =	sdelay $0x3  }
0x37: {  	[smem:$0x3FB4] =	sst s10  }
0x38: {  	s10 =	sld [smem:$0x3FB5]  }
0x39: {  	_ = 	snop;
	(pc) =	sbr.ind lr, $3  }
0x3a: {  	_ = 	snop  }
0x3b: {  	_ = 	snop  }
0x3c: {  	p2 =	seq.s32 s10, $0x1;
	s10 =	sld [smem:$0x3FB4]  }
0x3d: {  	_ =	shalt  }
0x3e: {  	_ =	shalt  }
0x3f: {  	_ =	shalt  }
0x40: {  	_ =	shalt  }
0x41: {  	_ =	shalt  }
0x42: {  	_ =	shalt  }
0x43: {  	_ =	shalt  }
0x44: {  	_ =	shalt  }
0x45: {  	_ =	shalt  }
0x46: {  	_ =	shalt  }
0x47: {  	_ =	shalt  }
0x48: {  	_ =	shalt  }
0x49: {  	_ =	shalt  }
0x4a: {  	_ =	shalt  }
0x4b: {  	_ =	shalt  }
0x4c: {  	_ =	shalt  }
0x4d: {  	_ =	shalt  }
0x4e: {  	_ =	shalt  }
0x4f: {  	_ =	shalt  }
0x50: {  	_ =	shalt  }
0x51: {  	_ =	shalt  }
0x52: {  	_ =	shalt  }
0x53: {  	_ =	shalt  }
0x54: {  	_ =	shalt  }
0x55: {  	_ =	shalt  }
0x56: {  	_ =	shalt  }
0x57: {  	_ =	shalt  }
0x58: {  	_ =	shalt  }
0x59: {  	_ =	shalt  }
0x5a: {  	_ =	shalt  }
0x5b: {  	_ =	shalt  }
0x5c: {  	_ =	shalt  }
0x5d: {  	_ =	shalt  }
0x5e: {  	_ =	shalt  }
0x5f: {  	_ =	shalt  }
0x60: {  	_ =	shalt  }
0x61: {  	_ =	shalt  }
0x62: {  	_ =	shalt  }
0x63: {  	_ =	shalt  }
0x64: {  	_ =	shalt  }
0x65: {  	_ =	shalt  }
0x66: {  	_ =	shalt  }
0x67: {  	_ =	shalt  }
0x68: {  	_ =	shalt  }
0x69: {  	_ =	shalt  }
0x6a: {  	_ =	shalt  }
0x6b: {  	_ =	shalt  }
0x6c: {  	_ =	shalt  }
0x6d: {  	_ =	shalt  }
0x6e: {  	_ =	shalt  }
0x6f: {  	_ =	shalt  }
0x70: {  	_ =	shalt  }
0x71: {  	_ =	shalt  }
0x72: {  	_ =	shalt  }
0x73: {  	_ =	shalt  }
0x74: {  	_ =	shalt  }
0x75: {  	_ =	shalt  }
0x76: {  	_ =	shalt  }
0x77: {  	_ =	shalt  }
0x78: {  	_ =	shalt  }
0x79: {  	_ =	shalt  }
0x7a: {  	_ =	shalt  }
0x7b: {  	_ =	shalt  }
0x7c: {  	_ =	shalt  }
0x7d: {  	_ =	shalt  }
0x7e: {  	_ =	shalt  }
0x7f: {  	_ =	shalt  }
0x80: {  	_ =	shalt  }
0x81: {  	_ =	shalt  }
0x82: {  	_ =	shalt  }
0x83: {  	_ =	shalt  }
0x84: {  	_ =	shalt  }
0x85: {  	_ =	shalt  }
0x86: {  	_ =	shalt  }
0x87: {  	_ =	shalt  }
.Lfunc_end0:
.L_simem_size_0:
called_computation.3_lowered:
.L_overlay_start_0:
0x88: {  	s2 =	sld [smem:$0x3FD9]  }
0x89: {  	s3 =	sld [smem:$0x3FFE];
	_ =	sdelay $0x1  }
0x8a: {  	s1 =	srdreg.scid  }
0x8b: {  	s0 =	sand.u32 $0x1, s1  }
0x8c: {  	s17 =	sshll.u32 s0, $0xA;
	s2 =	sadd.s32 s3, s2  }
0x8d: {  	s2 =	sadd.s32 s2, s17  }
0x8e: {  	[smem:$0x3FC0] =	sst s2  }
0x8f: {  	_ = 	snop  }
0x90: {  	(tm) =	ssettm $0x1  }
0x91: {  	s18 =	sld [smem:$0x3FFB];
	_ =	sdelay $0x3  }
0x92: {  	_ =	strace s18  }
0x93: {  	s2 =	sld [smem:$0x3FFC];
	_ =	sdelay $0x3  }
0x94: {  	_ =	strace s2  }
0x95: {  	s2 =	sld [smem:$0x3FFD];
	_ =	sdelay $0x3  }
0x96: {  	_ =	strace s2  }
0x97: {  	_ =	strace $0x8FFFFFFF  }
0x98: {  	s19 =	sld [smem:$0x3FDB];
	_ =	sdelay $0x1  }
0x99: {  	s20 =	simm.s32 $_scs_section_size  }
0x9a: {  	s4 =	simm.s32 $_size__tile_overlayer_lowered;
	s5 =	simm.s32 $_tile_overlayer_lowered  }
0x9b: {  	s6 =	simm.s32 $0x1BFF;
	s21 =	sshll.u32 s5, $0x1;
	s3 =	sadd.s32 s20, s19  }
0x9c: {  	s22 =	simm.s32 $0x0;
	s4 =	sshll.u32 s4, $0x1;
	s5 =	sadd.s32 s21, s3  }
0x9d: {  	[timem:s22], [sflag:s6] =	dma.local [hbm:s5], s4  }
0x9e: {  	_ =	swait.ge [sflag:s6], s4  }
0x9f: {  	s4 =	ssub.s32 $0x0, s4;
	[sflag:s6] =	ssyncset.done $0x0  }
0xa0: {  	[sflag:s6] =	ssyncadd.s32 s4;
	_ =	sdelay $0x1  }
0xa1: {  	s23 =	simm.s32 $0x1B8B  }
0xa2: {  	_ =	swait.ge [sflag:s23], $0x1  }
0xa3: {  	[sflag:s23] =	ssyncset.done $0x0  }
0xa4: {  	[sflag:s23] =	ssyncadd.s32 $0xFFFFFFFF  }
0xa5: {  	s4 =	sld [smem:$0x0]  }
0xa6: {  	s5 =	sand.u32 $0xFFFFFFFE, s1  }
0xa7: {  	p0 =	sne.s32 s1, s5  }
0xa8: {  	s5 =	sshll.u32 @p0 s5, $0xE  }
0xa9: {  	s5 =	sadd.s32 @p0 $0x11B8D, s5;
	s6 =	sshll.u32 @p0 s4, $0x11  }
0xaa: {  	s5 =	sor.u32 @p0 s6, s5  }
0xab: {  	[sflag:s5] =	ssyncadd.remote.s32 @p0 $0x1;
	_ =	sdelay $0x1  }
0xac: {  	s5 =	simm.s32 @p0 $0x1B8D  }
0xad: {  	_ =	swait.eq @p0 [sflag:s5], $0x1  }
0xae: {  	[sflag:s5] =	ssyncadd.s32 @p0 $0xFFFFFFFF  }
0xaf: {  	s6 =	sshll.u32 @!p0 s1, $0xE  }
0xb0: {  	s6 =	sor.u32 @!p0 $0x4000, s6;
	s5 =	simm.s32 @!p0 $0x1B8D  }
0xb1: {  	s4 =	sshll.u32 @!p0 s4, $0x11;
	s6 =	sadd.s32 @!p0 $0x11B8D, s6;
	_ =	swait.eq @!p0 [sflag:s5], $0x1  }
0xb2: {  	s4 =	sor.u32 @!p0 s4, s6;
	[sflag:s5] =	ssyncadd.s32 @!p0 $0xFFFFFFFF  }
0xb3: {  	s25 =	simm.s32 $0x1B8E;
	s24 =	sld [smem:$0x3FFE];
	[sflag:s4] =	ssyncadd.remote.s32 @!p0 $0x1  }
0xb4: {  	s26 =	simm.s32 $execute0_lowered;
	[smem:$0x3FD2] =	sst s25  }
0xb5: {  	s5 =	sshll.u32 s26, $0x1;
	_ =	strace $0x8000004F;
	[dreg:$0x1] =	wrdreg $0xFFFFFFFF  }
0xb6: {  	s28 =	simm.s32 $_size_execute0_lowered;
	s3 =	sadd.s32 s3, s5;
	[dreg:$0x0] =	wrdreg $0x0  }
0xb7: {  	s5 =	sshll.u32 s28, $0x1;
	[dreg:$0x2] =	wrdreg s3  }
0xb8: {  	[dreg:$0x3] =	wrdreg s5  }
0xb9: {  	[dreg:$0x4] =	wrdreg $0xC0  }
0xba: {  	_ =	task [dreg:s22], $0x5FFFF  }
0xbb: {  	[dreg:$0x1] =	wrdreg $0xFFFFFFFF  }
0xbc: {  	[dreg:$0x0] =	wrdreg $0x60  }
0xbd: {  	[dreg:$0x2] =	wrdreg s24  }
0xbe: {  	[dreg:$0x3] =	wrdreg $0xC  }
0xbf: {  	_ =	task.clear_ibuf [dreg:s22], $0x4FFFF;
	_ =	strace $0x9000004F  }
0xc0: {  	s29 =	simm.s32 $0xC;
	_ =	strace $0x80000051  }
0xc1: {  	_ =	swait.ge [sflag:s29], $0x1  }
0xc2: {  	[sflag:s29] =	ssyncadd.s32 $0xFFFFFFFF  }
0xc3: {  	_ =	strace $0x90000051  }
0xc4: {  	_ =	sfence  }
0xc5: {  	s30 =	sld [smem:$0x0];
	_ =	sdelay $0x2  }
0xc6: {  	s31 =	sshll.u32 s1, $0xD;
	s1 =	sshrl.u32 s1, $0x2  }
0xc7: {  	s4 =	sand.u32 $0x4000, s31;
	s1 =	sadd.s32 s1, s30  }
0xc8: {  	s0 =	sor.u32 s4, s0;
	s1 =	sshll.u32 s1, $0x11  }
0xc9: {  	s0 =	sor.u32 s1, s0  }
0xca: {  	s0 =	sadd.s32 $0x8F2B, s0  }
0xcb: {  	[sflag:s0] =	ssyncadd.remote.s32 $0x1  }
0xcc: {  	_ =	sfence.sel $0xFFFF  }
0xcd: {  	[dreg:$0x0] =	wrdreg $0xFFFFFFFF;
	(pc) =	sbr.abs _section_cstart, $3  }
0xce: {  	[dreg:$0x1] =	wrdreg $0xFFFFFFFF  }
0xcf: {  	_ =	task.clear_ibuf [dreg:s22], $0x2FFFF;
	_ =	strace $0x9FFFFFFF  }
0xd0: {  	(tm) =	ssettm $0x7FFFFFFF  }
0xd1: {  	_ =	shalt  }
tec
execute0_lowered:
.L_overlay_start_1:
0x0: {  	(tag) =	ssettag $0x1  }
0x1: {  	s1 =	srdreg.scid  }
0x2: {  	s0 =	stileid.u32;
	s4 =	rddreg [dreg:$0x0];
	s2 =	simm.s32 $0x0  }
0x3: {  	s10 =	simm.s32 $0x4000;
	s11 =	simm.s32 $0xA000;
	s3 =	sand.u32 $0x1, s1  }
0x4: {  	s12 =	simm.s32 $0x1;
	s5 =	sshll.u32 s0, $0x8;
	s6 =	sshll.u32 s3, $0x7  }
0x5: {  	s13 =	simm.s32 $0x2;
	s1 =	rddreg [dreg:$0x1];
	s5 =	sor.u32 s6, s5  }
0x6: {  	s14 =	simm.s32 $0x0;
	[smem:$0x7FF] =	sst s2;
	s6 =	sshrl.u32 s5, $0x3  }
0x7: {  	s8 =	sadd.s32 $0x162400, s4;
	s3 =	ssub.s32 $0x2, s3;
	s7 =	smul.u32 $0x300, s6  }
0x8: {  	s30 =	sshrl.u32 s3, $0x1;
	s5 =	sshll.u32 s5, $0x4;
	s6 =	smul.u32 $0x1800, s6  }
0x9: {  	_ =	strace $0x80000050;
	s9 =	ssub.s32 s3, s30;
	s5 =	sadd.s32 s5, s4  }
0xa: {  	s4 =	sadd.s32 $0x32400, s5;
	s3 =	sadd.s32 s8, s7;
	s6 =	sshrl.u32 s6, $0x3  }
0xb: {  	s5 =	sadd.s32 $0xC00, s3;
	s31 =	sadd.s32 s8, s6;
	s8 =	smax.u32 s9, $0x1  }
0xc: {  	v0 =	vimm.f32 $0.0e+00;
	v1 =	vimm.f32 $1.000000000e+00;
	s9 =	simm.s32 $0x3;
	s6 =	sadd.s32 $0x1800, s31;
	s7 =	sadd.s32 $0x2400, s31  }
.LBB2_1:
0xd: {  	[tilespmem:s2], [sflag:$0x3] =	stream.linear.gather [hbm4b:s4+s2], $0x4000, $0x38;
	[tilespmem:$0x10000] =	vst v63  }
0xe: {  	_ =	swait.ge [sflag:s9], $0x4000  }
0xf: {  	[sflag:s9] =	ssyncset.done $0x0  }
0x10: {  	s15 =	simm.s32 $0x0;
	[sflag:s9] =	ssyncadd.s32 $0xFFFFC000  }
.LBB2_2:
0x11: {  	s16 =	sshrl.u32 s15, $0x3;
	s17 =	sshll.u32 s15, $0x7  }
0x12: {  	s17 =	sand.u32 $0x380, s17;
	s16 =	smul.u32 $0x6000, s16  }
0x13: {  	v2 =	vmov s17  }
0x14: {  	s18 =	simm.s32 $0x0;
	s16 =	sshra.s32 s16, $0x2  }
0x15: {  	s31 =	sand.u32 $0x1C00, s18;
	s17 =	sadd.s32 $0x4000, s16  }
0x16: {  	s18 =	sand.u32 $0x40, s18;
	s16 =	sadd.s32 s31, s17  }
0x17: {  	s16 =	sadd.s32 s18, s16  }
0x18: {  	s19 =	simm.s32 $0x40;
	s18 =	simm.s32 $0x200;
	[tilespmem:v2+s16+$0x0 ss:$0x1] =	vst.idx.msk $0xffff, v0  }
.LBB2_3:
0x19: {  	s20 =	sand.u32 $0x1C00, s18;
	[tilespmem:v2+s16+$0x10 ss:$0x1] =	vst.idx.msk $0xffff, v0;
	p0 =	sne.s32 s19, $0x2C0  }
.Ltmp0:
0x1a: {  	s21 =	sand.u32 $0x40, s19;
	s20 =	sadd.s32 s20, s17;
	[tilespmem:v2+s16+$0x20 ss:$0x1] =	vst.idx.msk $0xffff, v0;
	(pc) =	sbr.rel @p0 .LBB2_3-.Ltmp0, $3  }
0x1b: {  	[tilespmem:v2+s16+$0x30 ss:$0x1] =	vst.idx.msk $0xffff, v0;
	s16 =	sadd.s32 s21, s20  }
0x1c: {  	[tilespmem:v2+s16+$0x0 ss:$0x1] =	vst.idx.msk $0xffff, v0;
	_ =	sdelay $0x1  }
0x1d: {  	s18 =	sadd.s32 $0x200, s18;
	s19 =	sadd.s32 $0x40, s19  }
0x1e: {  	s15 =	sadd.s32 $0x1, s15  }
0x1f: {  	p0 =	sne.s32 s15, $0x20  }
.Ltmp1:
0x20: {  	_ = 	snop;
	(pc) =	sbr.rel @p0 .LBB2_2-.Ltmp1, $4  }
0x21: {  	_ = 	snop  }
0x22: {  	[tilespmem:v2+s16+$0x10 ss:$0x1] =	vst.idx.msk $0xffff, v0  }
0x23: {  	[tilespmem:v2+s16+$0x20 ss:$0x1] =	vst.idx.msk $0xffff, v0  }
0x24: {  	[tilespmem:v2+s16+$0x30 ss:$0x1] =	vst.idx.msk $0xffff, v0  }
0x25: {  	s15 =	simm.s32 $0x0;
	s16 =	simm.s32 $0x90  }
.LBB2_6:
0x26: {  	v2 =	vld [tilespmem:s16+$0xFFFFFF70]  }
0x27: {  	v3 =	vld [tilespmem:s16+$0xFFFFFF80];
	_ =	sdelay $0x1  }
0x28: {  	v4 =	vmov s15  }
0x29: {  	v5 =	vshrl.u32 v4, $0x3  }
0x2a: {  	v5 =	vmul.u32 $0x1800, v5;
	v6 =	vand.u32 $0x7F, v2;
	v2 =	vshll.u32 v2, $0x3  }
0x2b: {  	v4 =	vshll.u32 v4, $0x7;
	v7 =	vshll.u32 v3, $0x3;
	v2 =	vand.u32 $0xFFFFFC00, v2  }
0x2c: {  	v4 =	vand.u32 $0x300, v4;
	v7 =	vand.u32 $0xFFFFFC00, v7;
	v2 =	vadd.s32 v5, v2  }
0x2d: {  	v3 =	vand.u32 $0x7F, v3;
	v5 =	vadd.s32 v5, v7;
	v2 =	vor.u32 v6, v2  }
0x2e: {  	v3 =	vor.u32 v3, v5;
	v2 =	vor.u32 v4, v2  }
0x2f: {  	v3 =	vor.u32 v4, v3;
	_ =	sdelay $0x3  }
0x30: {  	[tilespmem:v2+s10+$0x0] =	vst.idx.add.f32.msk $0xffff, v1  }
0x31: {  	[tilespmem:v3+s10+$0x0] =	vst.idx.add.f32.msk $0xffff, v1  }
0x32: {  	v2 =	vld [tilespmem:s16+$0xFFFFFFF0]  }
0x33: {  	v3 =	vld [tilespmem:s16+$0x0]  }
0x34: {  	s17 =	sadd.s32 $0x1, s15  }
0x35: {  	v59 =	vmov s17  }
0x36: {  	v60 =	vshrl.u32 v59, $0x3  }
0x37: {  	v5 =	vmul.u32 $0x1800, v60;
	v4 =	vshll.u32 v59, $0x7;
	v61 =	vshll.u32 v2, $0x3  }
0x38: {  	v4 =	vand.u32 $0x380, v4;
	v62 =	vshll.u32 v3, $0x3;
	v6 =	vand.u32 $0xFFFFFC00, v61  }
0x39: {  	v2 =	vand.u32 $0x7F, v2;
	v63 =	vand.u32 $0xFFFFFC00, v62;
	v6 =	vadd.s32 v5, v6  }
0x3a: {  	v3 =	vand.u32 $0x7F, v3;
	v5 =	vadd.s32 v5, v63;
	v2 =	vor.u32 v2, v6  }
0x3b: {  	v3 =	vor.u32 v3, v5;
	v2 =	vor.u32 v4, v2  }
0x3c: {  	p0 =	sne.s32 s15, $0x1E;
	v3 =	vor.u32 v4, v3  }
.Ltmp2:
0x3d: {  	_ = 	snop;
	(pc) =	sbr.rel @p0 .LBB2_6-.Ltmp2, $3  }
0x3e: {  	_ =	sdelay $0x1  }
0x3f: {  	[tilespmem:v2+s10+$0x0] =	vst.idx.add.f32.msk $0xffff, v1  }
0x40: {  	s15 =	sadd.s32 $0x2, s15;
	s16 =	sadd.s32 $0x100, s16;
	[tilespmem:v3+s10+$0x0] =	vst.idx.add.f32.msk $0xffff, v1  }
0x41: {  	s15 =	simm.s32 $0x0;
	s16 =	simm.s32 $0x0  }
0x42: {  	[hbm4b:s3+s15] =	stream.linear.scatter [tilespmem:s10], [sflag:$0x1], $0x6000, $0x38;
	[tilespmem:$0x10000] =	vst v63  }
.LBB2_8:
0x43: {  	s17 =	sshrl.u32 s16, $0x3;
	s18 =	sshll.u32 s16, $0x7  }
0x44: {  	s18 =	sand.u32 $0x380, s18;
	s17 =	smul.u32 $0x6000, s17  }
0x45: {  	v2 =	vmov s18  }
0x46: {  	s17 =	sshra.s32 s17, $0x2  }
0x47: {  	s31 =	sand.u32 $0x1C00, s15;
	s18 =	sadd.s32 $0xA000, s17  }
0x48: {  	s19 =	sand.u32 $0x40, s15;
	s17 =	sadd.s32 s31, s18  }
0x49: {  	s17 =	sadd.s32 s19, s17  }
0x4a: {  	s20 =	simm.s32 $0x40;
	s19 =	simm.s32 $0x200;
	[tilespmem:v2+s17+$0x0 ss:$0x1] =	vst.idx.msk $0xffff, v0  }
.LBB2_9:
0x4b: {  	s21 =	sand.u32 $0x1C00, s19;
	[tilespmem:v2+s17+$0x10 ss:$0x1] =	vst.idx.msk $0xffff, v0;
	p0 =	sne.s32 s20, $0x2C0  }
.Ltmp3:
0x4c: {  	s22 =	sand.u32 $0x40, s20;
	s21 =	sadd.s32 s21, s18;
	[tilespmem:v2+s17+$0x20 ss:$0x1] =	vst.idx.msk $0xffff, v0;
	(pc) =	sbr.rel @p0 .LBB2_9-.Ltmp3, $3  }
0x4d: {  	[tilespmem:v2+s17+$0x30 ss:$0x1] =	vst.idx.msk $0xffff, v0;
	s17 =	sadd.s32 s22, s21  }
0x4e: {  	[tilespmem:v2+s17+$0x0 ss:$0x1] =	vst.idx.msk $0xffff, v0;
	_ =	sdelay $0x1  }
0x4f: {  	s19 =	sadd.s32 $0x200, s19;
	s20 =	sadd.s32 $0x40, s20  }
0x50: {  	s16 =	sadd.s32 $0x1, s16  }
0x51: {  	p0 =	sne.s32 s16, $0x20  }
.Ltmp4:
0x52: {  	_ = 	snop;
	(pc) =	sbr.rel @p0 .LBB2_8-.Ltmp4, $4  }
0x53: {  	_ = 	snop  }
0x54: {  	[tilespmem:v2+s17+$0x10 ss:$0x1] =	vst.idx.msk $0xffff, v0  }
0x55: {  	[tilespmem:v2+s17+$0x20 ss:$0x1] =	vst.idx.msk $0xffff, v0  }
0x56: {  	[tilespmem:v2+s17+$0x30 ss:$0x1] =	vst.idx.msk $0xffff, v0  }
0x57: {  	s15 =	simm.s32 $0x0;
	s16 =	simm.s32 $0x1090  }
.LBB2_12:
0x58: {  	v2 =	vld [tilespmem:s16+$0xFFFFFF70]  }
0x59: {  	v3 =	vld [tilespmem:s16+$0xFFFFFF80];
	_ =	sdelay $0x1  }
0x5a: {  	v4 =	vmov s15  }
0x5b: {  	v5 =	vshrl.u32 v4, $0x3  }
0x5c: {  	v5 =	vmul.u32 $0x1800, v5;
	v6 =	vand.u32 $0x7F, v2;
	v2 =	vshll.u32 v2, $0x3  }
0x5d: {  	v4 =	vshll.u32 v4, $0x7;
	v7 =	vshll.u32 v3, $0x3;
	v2 =	vand.u32 $0xFFFFFC00, v2  }
0x5e: {  	v4 =	vand.u32 $0x300, v4;
	v7 =	vand.u32 $0xFFFFFC00, v7;
	v2 =	vadd.s32 v5, v2  }
0x5f: {  	v3 =	vand.u32 $0x7F, v3;
	v5 =	vadd.s32 v5, v7;
	v2 =	vor.u32 v6, v2  }
0x60: {  	v3 =	vor.u32 v3, v5;
	v2 =	vor.u32 v4, v2  }
0x61: {  	v3 =	vor.u32 v4, v3;
	_ =	sdelay $0x3  }
0x62: {  	[tilespmem:v2+s11+$0x0] =	vst.idx.add.f32.msk $0xffff, v1  }
0x63: {  	[tilespmem:v3+s11+$0x0] =	vst.idx.add.f32.msk $0xffff, v1  }
0x64: {  	v2 =	vld [tilespmem:s16+$0xFFFFFFF0]  }
0x65: {  	v3 =	vld [tilespmem:s16+$0x0]  }
0x66: {  	s17 =	sadd.s32 $0x1, s15  }
0x67: {  	v59 =	vmov s17  }
0x68: {  	v60 =	vshrl.u32 v59, $0x3  }
0x69: {  	v5 =	vmul.u32 $0x1800, v60;
	v4 =	vshll.u32 v59, $0x7;
	v61 =	vshll.u32 v2, $0x3  }
0x6a: {  	v4 =	vand.u32 $0x380, v4;
	v62 =	vshll.u32 v3, $0x3;
	v6 =	vand.u32 $0xFFFFFC00, v61  }
0x6b: {  	v2 =	vand.u32 $0x7F, v2;
	v63 =	vand.u32 $0xFFFFFC00, v62;
	v6 =	vadd.s32 v5, v6  }
0x6c: {  	v3 =	vand.u32 $0x7F, v3;
	v5 =	vadd.s32 v5, v63;
	v2 =	vor.u32 v2, v6  }
0x6d: {  	v3 =	vor.u32 v3, v5;
	v2 =	vor.u32 v4, v2  }
0x6e: {  	p0 =	sne.s32 s15, $0x1E;
	v3 =	vor.u32 v4, v3  }
.Ltmp5:
0x6f: {  	_ = 	snop;
	(pc) =	sbr.rel @p0 .LBB2_12-.Ltmp5, $3  }
0x70: {  	_ =	sdelay $0x1  }
0x71: {  	[tilespmem:v2+s11+$0x0] =	vst.idx.add.f32.msk $0xffff, v1  }
0x72: {  	s15 =	sadd.s32 $0x2, s15;
	s16 =	sadd.s32 $0x100, s16;
	[tilespmem:v3+s11+$0x0] =	vst.idx.add.f32.msk $0xffff, v1  }
0x73: {  	s15 =	simm.s32 $0x0  }
0x74: {  	[hbm4b:s5+s15] =	stream.linear.scatter [tilespmem:s11], [sflag:$0x2], $0x6000, $0x38;
	[tilespmem:$0x10000] =	vst v63  }
0x75: {  	_ =	swait.ge [sflag:s12], $0x6000  }
0x76: {  	[sflag:s12] =	ssyncset.done $0x0  }
0x77: {  	s16 =	simm.s32 $0x10;
	s17 =	simm.s32 $0x0;
	[sflag:s12] =	ssyncadd.s32 $0xFFFFA000  }
.LBB2_14:
0x78: {  	v2 =	vld [tilespmem:s16+$0xFFFFFFF0]  }
0x79: {  	v3 =	vld [tilespmem:s16+$0x0];
	_ =	sdelay $0x1  }
0x7a: {  	v4 =	vmov s17  }
0x7b: {  	v5 =	vshrl.u32 v4, $0x3  }
0x7c: {  	v4 =	vshll.u32 v4, $0x7;
	v5 =	vmul.u32 $0x1800, v5;
	v6 =	vshll.u32 v2, $0x3  }
0x7d: {  	v4 =	vand.u32 $0x380, v4;
	v7 =	vshll.u32 v3, $0x3;
	v6 =	vand.u32 $0xFFFFFC00, v6  }
0x7e: {  	v2 =	vand.u32 $0x7F, v2;
	v63 =	vand.u32 $0xFFFFFC00, v7;
	v6 =	vadd.s32 v5, v6  }
0x7f: {  	v3 =	vand.u32 $0x7F, v3;
	v5 =	vadd.s32 v5, v63;
	v2 =	vor.u32 v2, v6  }
0x80: {  	v3 =	vor.u32 v3, v5;
	v2 =	vor.u32 v4, v2  }
0x81: {  	p0 =	sne.s32 s17, $0x1F;
	v3 =	vor.u32 v4, v3  }
.Ltmp6:
0x82: {  	_ = 	snop;
	(pc) =	sbr.rel @p0 .LBB2_14-.Ltmp6, $3  }
0x83: {  	_ =	sdelay $0x1  }
0x84: {  	[tilespmem:v2+s10+$0x0] =	vst.idx.msk $0xffff, v0  }
0x85: {  	s16 =	sadd.s32 $0x80, s16;
	s17 =	sadd.s32 $0x1, s17;
	[tilespmem:v3+s10+$0x0] =	vst.idx.msk $0xffff, v0  }
0x86: {  	s16 =	simm.s32 $0x2090  }
.LBB2_16:
0x87: {  	v2 =	vld [tilespmem:s16+$0xFFFFFF70]  }
0x88: {  	v3 =	vld [tilespmem:s16+$0xFFFFFF80];
	_ =	sdelay $0x1  }
0x89: {  	v4 =	vmov s15  }
0x8a: {  	v5 =	vshrl.u32 v4, $0x3  }
0x8b: {  	v5 =	vmul.u32 $0x1800, v5;
	v6 =	vand.u32 $0x7F, v2;
	v2 =	vshll.u32 v2, $0x3  }
0x8c: {  	v4 =	vshll.u32 v4, $0x7;
	v7 =	vshll.u32 v3, $0x3;
	v2 =	vand.u32 $0xFFFFFC00, v2  }
0x8d: {  	v4 =	vand.u32 $0x300, v4;
	v7 =	vand.u32 $0xFFFFFC00, v7;
	v2 =	vadd.s32 v5, v2  }
0x8e: {  	v3 =	vand.u32 $0x7F, v3;
	v5 =	vadd.s32 v5, v7;
	v2 =	vor.u32 v6, v2  }
0x8f: {  	v3 =	vor.u32 v3, v5;
	v2 =	vor.u32 v4, v2  }
0x90: {  	v3 =	vor.u32 v4, v3;
	_ =	sdelay $0x3  }
0x91: {  	[tilespmem:v2+s10+$0x0] =	vst.idx.add.f32.msk $0xffff, v1  }
0x92: {  	[tilespmem:v3+s10+$0x0] =	vst.idx.add.f32.msk $0xffff, v1  }
0x93: {  	v2 =	vld [tilespmem:s16+$0xFFFFFFF0]  }
0x94: {  	v3 =	vld [tilespmem:s16+$0x0]  }
0x95: {  	s17 =	sadd.s32 $0x1, s15  }
0x96: {  	v59 =	vmov s17  }
0x97: {  	v60 =	vshrl.u32 v59, $0x3  }
0x98: {  	v5 =	vmul.u32 $0x1800, v60;
	v4 =	vshll.u32 v59, $0x7;
	v61 =	vshll.u32 v2, $0x3  }
0x99: {  	v4 =	vand.u32 $0x380, v4;
	v62 =	vshll.u32 v3, $0x3;
	v6 =	vand.u32 $0xFFFFFC00, v61  }
0x9a: {  	v2 =	vand.u32 $0x7F, v2;
	v63 =	vand.u32 $0xFFFFFC00, v62;
	v6 =	vadd.s32 v5, v6  }
0x9b: {  	v3 =	vand.u32 $0x7F, v3;
	v5 =	vadd.s32 v5, v63;
	v2 =	vor.u32 v2, v6  }
0x9c: {  	v3 =	vor.u32 v3, v5;
	v2 =	vor.u32 v4, v2  }
0x9d: {  	p0 =	sne.s32 s15, $0x1E;
	v3 =	vor.u32 v4, v3  }
.Ltmp7:
0x9e: {  	_ = 	snop;
	(pc) =	sbr.rel @p0 .LBB2_16-.Ltmp7, $3  }
0x9f: {  	_ =	sdelay $0x1  }
0xa0: {  	[tilespmem:v2+s10+$0x0] =	vst.idx.add.f32.msk $0xffff, v1  }
0xa1: {  	s15 =	sadd.s32 $0x2, s15;
	s16 =	sadd.s32 $0x100, s16;
	[tilespmem:v3+s10+$0x0] =	vst.idx.add.f32.msk $0xffff, v1  }
0xa2: {  	s15 =	simm.s32 $0x0  }
0xa3: {  	[hbm4b:s6+s15] =	stream.linear.scatter [tilespmem:s10], [sflag:$0x1], $0x6000, $0x38;
	[tilespmem:$0x10000] =	vst v63  }
0xa4: {  	_ =	swait.ge [sflag:s13], $0x6000  }
0xa5: {  	[sflag:s13] =	ssyncset.done $0x0  }
0xa6: {  	s16 =	simm.s32 $0x1010;
	s17 =	simm.s32 $0x0;
	[sflag:s13] =	ssyncadd.s32 $0xFFFFA000  }
.LBB2_18:
0xa7: {  	v2 =	vld [tilespmem:s16+$0xFFFFFFF0]  }
0xa8: {  	v3 =	vld [tilespmem:s16+$0x0];
	_ =	sdelay $0x1  }
0xa9: {  	v4 =	vmov s17  }
0xaa: {  	v5 =	vshrl.u32 v4, $0x3  }
0xab: {  	v4 =	vshll.u32 v4, $0x7;
	v5 =	vmul.u32 $0x1800, v5;
	v6 =	vshll.u32 v2, $0x3  }
0xac: {  	v4 =	vand.u32 $0x380, v4;
	v7 =	vshll.u32 v3, $0x3;
	v6 =	vand.u32 $0xFFFFFC00, v6  }
0xad: {  	v2 =	vand.u32 $0x7F, v2;
	v63 =	vand.u32 $0xFFFFFC00, v7;
	v6 =	vadd.s32 v5, v6  }
0xae: {  	v3 =	vand.u32 $0x7F, v3;
	v5 =	vadd.s32 v5, v63;
	v2 =	vor.u32 v2, v6  }
0xaf: {  	v3 =	vor.u32 v3, v5;
	v2 =	vor.u32 v4, v2  }
0xb0: {  	p0 =	sne.s32 s17, $0x1F;
	v3 =	vor.u32 v4, v3  }
.Ltmp8:
0xb1: {  	_ = 	snop;
	(pc) =	sbr.rel @p0 .LBB2_18-.Ltmp8, $3  }
0xb2: {  	_ =	sdelay $0x1  }
0xb3: {  	[tilespmem:v2+s11+$0x0] =	vst.idx.msk $0xffff, v0  }
0xb4: {  	s16 =	sadd.s32 $0x80, s16;
	s17 =	sadd.s32 $0x1, s17;
	[tilespmem:v3+s11+$0x0] =	vst.idx.msk $0xffff, v0  }
0xb5: {  	s16 =	simm.s32 $0x3090  }
.LBB2_20:
0xb6: {  	v2 =	vld [tilespmem:s16+$0xFFFFFF70]  }
0xb7: {  	v3 =	vld [tilespmem:s16+$0xFFFFFF80];
	_ =	sdelay $0x1  }
0xb8: {  	v4 =	vmov s15  }
0xb9: {  	v5 =	vshrl.u32 v4, $0x3  }
0xba: {  	v5 =	vmul.u32 $0x1800, v5;
	v6 =	vand.u32 $0x7F, v2;
	v2 =	vshll.u32 v2, $0x3  }
0xbb: {  	v4 =	vshll.u32 v4, $0x7;
	v7 =	vshll.u32 v3, $0x3;
	v2 =	vand.u32 $0xFFFFFC00, v2  }
0xbc: {  	v4 =	vand.u32 $0x300, v4;
	v7 =	vand.u32 $0xFFFFFC00, v7;
	v2 =	vadd.s32 v5, v2  }
0xbd: {  	v3 =	vand.u32 $0x7F, v3;
	v5 =	vadd.s32 v5, v7;
	v2 =	vor.u32 v6, v2  }
0xbe: {  	v3 =	vor.u32 v3, v5;
	v2 =	vor.u32 v4, v2  }
0xbf: {  	v3 =	vor.u32 v4, v3;
	_ =	sdelay $0x3  }
0xc0: {  	[tilespmem:v2+s11+$0x0] =	vst.idx.add.f32.msk $0xffff, v1  }
0xc1: {  	[tilespmem:v3+s11+$0x0] =	vst.idx.add.f32.msk $0xffff, v1  }
0xc2: {  	v2 =	vld [tilespmem:s16+$0xFFFFFFF0]  }
0xc3: {  	v3 =	vld [tilespmem:s16+$0x0]  }
0xc4: {  	s17 =	sadd.s32 $0x1, s15  }
0xc5: {  	v59 =	vmov s17  }
0xc6: {  	v60 =	vshrl.u32 v59, $0x3  }
0xc7: {  	v5 =	vmul.u32 $0x1800, v60;
	v4 =	vshll.u32 v59, $0x7;
	v61 =	vshll.u32 v2, $0x3  }
0xc8: {  	v4 =	vand.u32 $0x380, v4;
	v62 =	vshll.u32 v3, $0x3;
	v6 =	vand.u32 $0xFFFFFC00, v61  }
0xc9: {  	v2 =	vand.u32 $0x7F, v2;
	v63 =	vand.u32 $0xFFFFFC00, v62;
	v6 =	vadd.s32 v5, v6  }
0xca: {  	v3 =	vand.u32 $0x7F, v3;
	v5 =	vadd.s32 v5, v63;
	v2 =	vor.u32 v2, v6  }
0xcb: {  	v3 =	vor.u32 v3, v5;
	v2 =	vor.u32 v4, v2  }
0xcc: {  	p0 =	sne.s32 s15, $0x1E;
	v3 =	vor.u32 v4, v3  }
.Ltmp9:
0xcd: {  	_ = 	snop;
	(pc) =	sbr.rel @p0 .LBB2_20-.Ltmp9, $3  }
0xce: {  	_ =	sdelay $0x1  }
0xcf: {  	[tilespmem:v2+s11+$0x0] =	vst.idx.add.f32.msk $0xffff, v1  }
0xd0: {  	s15 =	sadd.s32 $0x2, s15;
	s16 =	sadd.s32 $0x100, s16;
	[tilespmem:v3+s11+$0x0] =	vst.idx.add.f32.msk $0xffff, v1  }
0xd1: {  	[hbm4b:s7+s2] =	stream.linear.scatter [tilespmem:s11], [sflag:$0x2], $0x6000, $0x38;
	[tilespmem:$0x10000] =	vst v63  }
0xd2: {  	s14 =	sadd.s32 $0x1, s14  }
0xd3: {  	_ =	swait.ge [sflag:s12], $0x6000;
	p0 =	sne.s32 s14, s8  }
.Ltmp10:
0xd4: {  	[sflag:s12] =	ssyncset.done $0x0;
	(pc) =	sbr.rel @p0 .LBB2_1-.Ltmp10, $4  }
0xd5: {  	[sflag:s12] =	ssyncadd.s32 $0xFFFFA000  }
0xd6: {  	_ =	swait.ge [sflag:s13], $0x6000  }
0xd7: {  	[sflag:s13] =	ssyncset.done $0x0  }
0xd8: {  	[sflag:s13] =	ssyncadd.s32 $0xFFFFA000  }
0xd9: {  	_ =	sfence.sel $0x180000  }
0xda: {  	[bflag:$0x0] =	sbarrier.arrive $0xFFFF  }
0xdb: {  	p0 =	sne.s32 s0, $0x0;
	_ =	strace $0x90000050  }
0xdc: {  	s0 =	sadd.s32 @!p0 $0x100000, s1;
	[bflag:$0x2] =	sbarrier.arrive $0xFFFF  }
0xdd: {  	[sflag:s0] =	ssyncadd.tile.s32 @!p0 $0x1;
	_ =	shalt  }
.Lfunc_end2:
_tile_overlayer_lowered:
.L_overlay_start_2:
0xde: {  	(tag) =	ssettag $0x2  }
0xdf: {  	s0 =	rddreg [dreg:$0x0];
	s2 =	stileid.u32  }
0xe0: {  	s1 =	rddreg [dreg:$0x1];
	p0 =	sne.s32 s2, $0x0  }
0xe1: {  	s3 =	rddreg [dreg:$0x2];
	[bflag:$0x3] =	sbarrier.arrive $0xFFFF;
	s2 =	simm.s32 @!p0 $0x1C03  }
0xe2: {  	[timem:s3], [sflag:s2] =	dma.local @!p0 [hbm:s0], s1  }
0xe3: {  	s0 =	simm.s32 @!p0 $0x3  }
0xe4: {  	_ =	swait.ge @!p0 [sflag:s0], s1  }
0xe5: {  	s1 =	ssub.s32 @!p0 $0x0, s1;
	[sflag:s0] =	ssyncset.done @!p0 $0x0  }
0xe6: {  	[sflag:s0] =	ssyncadd.s32 @!p0 s1  }
0xe7: {  	[bflag:$0x3] =	sbarrier.arrive $0xFFFF  }
0xe8: {  	_ =	shalt  }

</sc_bundles>
